<compile_context>
chip_gen: v7x
topology: tpu7x:2x2x1
jax: 0.10.2.dev20260603
libtpu: 0.0.44.dev20260713+nightly
codegen_flags: <defaults>
</compile_context>

<pallas_src>
import jax
import jax.numpy as jnp
from jax import lax
from jax.experimental import pallas as pl
from jax.experimental.pallas import tpu as pltpu
from jax.experimental.pallas import tpu_sc as plsc

N = 10000
E = 160000
H = 16
G = 64
NC = 2
NS = 16
NW = NC * NS
EPW = E // NW
CH = 1000
NCH = EPW // CH
NPC = N // NS

TN = 2000
TE = 6400
TS = 1600
SUB = TE // TS

def _mesh():
    return plsc.VectorSubcoreMesh(core_axis_name="c", subcore_axis_name="s")



def _gather_body(h_hbm, idx_hbm, out_hbm, idx_v, rows_v, sem):
    c = lax.axis_index("c")
    s = lax.axis_index("s")
    wid = s * NC + c
    pltpu.sync_copy(idx_hbm.at[pl.ds(wid * NCH, NCH)], idx_v)

    def chunk(j, carry):
        pltpu.async_copy(h_hbm.at[idx_v.at[j]],
                         rows_v.at[pl.ds(j * CH, CH)], sem).wait()
        return carry

    lax.fori_loop(0, NCH, chunk, 0)
    pltpu.sync_copy(rows_v, out_hbm.at[pl.ds(wid * EPW, EPW)])


def _sc_gather(h, idx2d):
    f = pl.kernel(_gather_body, mesh=_mesh(),
                  compiler_params=pltpu.CompilerParams(use_tc_tiling_on_sc=False),
                  out_type=jax.ShapeDtypeStruct((E, H), jnp.float32),
                  scratch_types=[pltpu.VMEM((NCH, CH), jnp.int32),
                                 pltpu.VMEM((EPW, H), jnp.float32),
                                 pltpu.SemaphoreType.DMA])
    return f(h, idx2d)


def _scatter_body(msg_hbm, idx_hbm, zeros_hbm, out_hbm, idx_v, msg_v, agg_sh, sem):
    c = lax.axis_index("c")
    s = lax.axis_index("s")
    wid = s * NC + c
    pltpu.sync_copy(zeros_hbm.at[pl.ds(s * NPC, NPC)],
                    agg_sh.at[pl.ds(s * NPC, NPC)])
    pltpu.sync_copy(idx_hbm.at[pl.ds(wid * NCH, NCH)], idx_v)
    pltpu.sync_copy(msg_hbm.at[pl.ds(wid * EPW, EPW)], msg_v)
    plsc.subcore_barrier()

    def chunk(j, carry):
        pltpu.sync_copy(msg_v.at[pl.ds(j * CH, CH)],
                        agg_sh.at[idx_v.at[j]], add=True)
        return carry

    lax.fori_loop(0, NCH, chunk, 0)
    plsc.subcore_barrier()
    pltpu.sync_copy(agg_sh.at[pl.ds(s * NPC, NPC)],
                    out_hbm.at[c].at[pl.ds(s * NPC, NPC)])


def _sc_scatter(msg, idx2d, zeros_n):
    f = pl.kernel(_scatter_body, mesh=_mesh(),
                  compiler_params=pltpu.CompilerParams(use_tc_tiling_on_sc=False),
                  out_type=jax.ShapeDtypeStruct((NC, N, H), jnp.float32),
                  scratch_types=[pltpu.VMEM((NCH, CH), jnp.int32),
                                 pltpu.VMEM((EPW, H), jnp.float32),
                                 pltpu.VMEM_SHARED((N, H), jnp.float32),
                                 pltpu.SemaphoreType.DMA])
    return f(msg, idx2d, zeros_n)



def _inproj_body(x_ref, w_ref, b_ref, o_ref):
    o_ref[...] = jnp.dot(x_ref[...], w_ref[...],
                         preferred_element_type=jnp.float32) + b_ref[...]


def _inproj(x, w, b_row):
    return pl.pallas_call(
        _inproj_body,
        grid=(N // TN,),
        in_specs=[pl.BlockSpec((TN, x.shape[1]), lambda i: (i, 0)),
                  pl.BlockSpec((x.shape[1], H), lambda i: (0, 0)),
                  pl.BlockSpec((1, H), lambda i: (0, 0))],
        out_specs=pl.BlockSpec((TN, H), lambda i: (i, 0)),
        out_shape=jax.ShapeDtypeStruct((N, H), jnp.float32))(x, w, b_row)


def _msg_body(ea_ref, xj_ref, w1_ref, w2p_ref, smat_ref, t16_ref, o_ref):
    w1 = w1_ref[...]
    w2p = w2p_ref[...]
    smat = smat_ref[...]
    t16 = t16_ref[...]
    for st in range(SUB):
        r0 = st * TS
        ea = ea_ref[r0:r0 + TS, :]
        xj = xj_ref[r0:r0 + TS, :]
        ew = jnp.maximum(
            jnp.dot(ea, w1, preferred_element_type=jnp.float32,
                    precision=lax.Precision.DEFAULT), 0.0)
        wp = jnp.dot(ew, w2p, preferred_element_type=jnp.float32,
                     precision=lax.Precision.DEFAULT)
        xt = jnp.dot(xj, t16, preferred_element_type=jnp.float32,
                     precision=lax.Precision.DEFAULT)
        o_ref[r0:r0 + TS, :] = jnp.dot(wp * xt, smat,
                                       preferred_element_type=jnp.float32,
                                       precision=lax.Precision.DEFAULT)


def _msg_call(ea_aug, xj, w1a, w2pa, smat_bf, t16_bf):
    return pl.pallas_call(
        _msg_body,
        grid=(E // TE,),
        in_specs=[pl.BlockSpec((TE, H + 1), lambda i: (i, 0)),
                  pl.BlockSpec((TE, H), lambda i: (i, 0)),
                  pl.BlockSpec((H + 1, 2 * H + 1), lambda i: (0, 0)),
                  pl.BlockSpec((2 * H + 1, H * H), lambda i: (0, 0)),
                  pl.BlockSpec((H * H, H), lambda i: (0, 0)),
                  pl.BlockSpec((H, H * H), lambda i: (0, 0))],
        out_specs=pl.BlockSpec((TE, H), lambda i: (i, 0)),
        out_shape=jax.ShapeDtypeStruct((E, H), jnp.float32))(
            ea_aug, xj, w1a, w2pa, smat_bf, t16_bf)


def _update_body(h_ref, a0_ref, a1_ref, r_ref, b_ref, o_ref):
    h = h_ref[...]
    m = (a0_ref[...] + a1_ref[...]
         + jnp.dot(h, r_ref[...], preferred_element_type=jnp.float32)
         + b_ref[...])
    o_ref[...] = jnp.maximum(m, 0.0) + h


def _update(h, a0, a1, rootl, b_row):
    return pl.pallas_call(
        _update_body,
        grid=(N // TN,),
        in_specs=[pl.BlockSpec((TN, H), lambda i: (i, 0)),
                  pl.BlockSpec((TN, H), lambda i: (i, 0)),
                  pl.BlockSpec((TN, H), lambda i: (i, 0)),
                  pl.BlockSpec((H, H), lambda i: (0, 0)),
                  pl.BlockSpec((1, H), lambda i: (0, 0))],
        out_specs=pl.BlockSpec((TN, H), lambda i: (i, 0)),
        out_shape=jax.ShapeDtypeStruct((N, H), jnp.float32))(
            h, a0, a1, rootl, b_row)


def _pool_body(b_ref, h_ref, w1_ref, b1_ref, w2_ref, b2_ref, o_ref, sums, cnts):
    i = pl.program_id(0)

    @pl.when(i == 0)
    def _init():
        sums[...] = jnp.zeros_like(sums)
        cnts[...] = jnp.zeros_like(cnts)

    b_row = b_ref[0]
    gidx = lax.broadcasted_iota(jnp.int32, (G, 1), 0)
    pt = (b_row == gidx).astype(jnp.float32)
    sums[...] += jnp.dot(pt, h_ref[...], preferred_element_type=jnp.float32)
    cnts[...] += jnp.sum(pt, axis=1, keepdims=True)

    @pl.when(i == pl.num_programs(0) - 1)
    def _finish():
        g = sums[...] / jnp.maximum(cnts[...], 1.0)
        r = jnp.maximum(
            jnp.dot(g, w1_ref[...], preferred_element_type=jnp.float32)
            + b1_ref[...], 0.0)
        o_ref[...] = (jnp.dot(r, w2_ref[...], preferred_element_type=jnp.float32)
                      + b2_ref[...])


def _pool(batch3, h, w1, b1_row, w2, b2_row):
    return pl.pallas_call(
        _pool_body,
        grid=(N // TN,),
        in_specs=[pl.BlockSpec((1, 1, TN), lambda i: (i, 0, 0)),
                  pl.BlockSpec((TN, H), lambda i: (i, 0)),
                  pl.BlockSpec((H, H), lambda i: (0, 0)),
                  pl.BlockSpec((1, H), lambda i: (0, 0)),
                  pl.BlockSpec((H, 1), lambda i: (0, 0)),
                  pl.BlockSpec((1, 1), lambda i: (0, 0))],
        out_specs=pl.BlockSpec((G, 1), lambda i: (0, 0)),
        out_shape=jax.ShapeDtypeStruct((G, 1), jnp.float32),
        scratch_shapes=[pltpu.VMEM((G, H), jnp.float32),
                        pltpu.VMEM((G, 1), jnp.float32)])(
            batch3, h, w1, b1_row, w2, b2_row)



def kernel(x, edge_index, edge_attr, batch, W_in, b_in, em_w1, em_b1, em_w2,
           em_b2, root, conv_b, ro_w1, ro_b1, ro_w2, ro_b2):
    src2d = edge_index[0].reshape(E // CH, CH)
    dst2d = edge_index[1].reshape(E // CH, CH)
    batch3 = batch.reshape(N // TN, 1, TN)
    zeros_n = jnp.zeros((N, H), jnp.float32)

    bf = jnp.bfloat16
    ea_aug = jnp.concatenate(
        [edge_attr, jnp.ones((E, 1), jnp.float32)], axis=1)
    sj = jnp.arange(H * H)[:, None]
    smat_bf = (sj // H == jnp.arange(H)[None, :]).astype(jnp.float32)
    t16_bf = (jnp.arange(H * H)[None, :] % H == jnp.arange(H)[:, None]).astype(jnp.float32)
    h = _inproj(x, W_in, b_in.reshape(1, H))
    for l in range(em_w1.shape[0]):
        w2p = em_w2[l].reshape(2 * H, H, H).transpose(0, 2, 1).reshape(2 * H, H * H)
        b2p = em_b2[l].reshape(H, H).T.reshape(1, H * H)
        w1a = jnp.zeros((H + 1, 2 * H + 1), jnp.float32)
        w1a = w1a.at[:H, :2 * H].set(em_w1[l]).at[H, :2 * H].set(em_b1[l])
        w1a = w1a.at[H, 2 * H].set(1.0)
        w2pa = jnp.concatenate([w2p, b2p], axis=0)
        xj = _sc_gather(h, src2d)
        msg = _msg_call(ea_aug, xj, w1a, w2pa, smat_bf, t16_bf)
        aggp = _sc_scatter(msg, dst2d, zeros_n)
        h = _update(h, aggp[0], aggp[1], root[l], conv_b[l].reshape(1, H))
    return _pool(batch3, h, ro_w1, ro_b1.reshape(1, H),
                 ro_w2, ro_b2.reshape(1, 1))

# --- scband reference (transcript-rebuilt; emitter-appended) ---
"""Pipeline reference for scband-mpnnnet-22754736734327 (READ-ONLY COPY).

The authoritative reference and input builder live on the scoring server;
editing this copy changes nothing except your own understanding.
"""

import jax, jax.numpy as jnp
import numpy as np

N = 10000
E = 160000
IN_DIM = 128
H = 16
EDGE_DIM = 16
L = 3
G = 64


def setup_inputs(seed: int = 0) -> dict:
    key = jax.random.key(seed)
    ks = jax.random.split(key, 16)
    x = jax.random.normal(ks[0], (N, IN_DIM), dtype=jnp.float32)
    edge_index = jax.random.randint(ks[1], (2, E), 0, N, dtype=jnp.int32)
    edge_attr = jax.random.normal(ks[2], (E, EDGE_DIM), dtype=jnp.float32)
    batch = jnp.sort(jax.random.randint(ks[3], (N,), 0, G, dtype=jnp.int32))
    # parameters (kaiming-ish scaled normals)
    W_in = jax.random.normal(ks[4], (IN_DIM, H), dtype=jnp.float32) * (1.0 / np.sqrt(IN_DIM))
    b_in = jnp.zeros((H,), dtype=jnp.float32)
    em_w1 = jax.random.normal(ks[5], (L, EDGE_DIM, 2 * H), dtype=jnp.float32) * (1.0 / np.sqrt(EDGE_DIM))
    em_b1 = jnp.zeros((L, 2 * H), dtype=jnp.float32)
    em_w2 = jax.random.normal(ks[6], (L, 2 * H, H * H), dtype=jnp.float32) * (1.0 / np.sqrt(2 * H))
    em_b2 = jnp.zeros((L, H * H), dtype=jnp.float32)
    root = jax.random.normal(ks[7], (L, H, H), dtype=jnp.float32) * (1.0 / np.sqrt(H))
    conv_b = jnp.zeros((L, H), dtype=jnp.float32)
    ro_w1 = jax.random.normal(ks[8], (H, H), dtype=jnp.float32) * (1.0 / np.sqrt(H))
    ro_b1 = jnp.zeros((H,), dtype=jnp.float32)
    ro_w2 = jax.random.normal(ks[9], (H, 1), dtype=jnp.float32) * (1.0 / np.sqrt(H))
    ro_b2 = jnp.zeros((1,), dtype=jnp.float32)
    return {"x": x, "edge_index": edge_index, "edge_attr": edge_attr, "batch": batch,
            "W_in": W_in, "b_in": b_in, "em_w1": em_w1, "em_b1": em_b1,
            "em_w2": em_w2, "em_b2": em_b2, "root": root, "conv_b": conv_b,
            "ro_w1": ro_w1, "ro_b1": ro_b1, "ro_w2": ro_w2, "ro_b2": ro_b2}


def reference(x, edge_index, edge_attr, batch, W_in, b_in, em_w1, em_b1, em_w2, em_b2,
              root, conv_b, ro_w1, ro_b1, ro_w2, ro_b2):
    src = edge_index[0]
    dst = edge_index[1]
    # input projection (in_dim != hidden_dim)
    h = x @ W_in + b_in
    h0 = h
    h_prev = h
    for l in range(L):
        # edge mlp: Linear -> ReLU -> Linear (dropout=0, no BN inside edge mlp)
        ew = jax.nn.relu(edge_attr @ em_w1[l] + em_b1[l])
        W_e = (ew @ em_w2[l] + em_b2[l]).reshape(E, H, H)
        # NNConv message: x_src (gather) times per-edge weight matrix
        xj = h[src]
        msg = jnp.einsum('ei,eio->eo', xj, W_e)
        # aggr='add' scatter into destination nodes
        agg = jnp.zeros((N, H), dtype=h.dtype).at[dst].add(msg)
        # root weight + bias
        m = agg + h @ root[l] + conv_b[l]
        # norm = Identity (batch_norm=False), act = relu, drop = Identity
        hh = jax.nn.relu(m)
        # residual
        hh = hh + (h0 if l == 0 else h_prev)
        h_prev = hh
        h = hh
    # global mean pool over graphs
    cnt = jnp.zeros((G,), dtype=h.dtype).at[batch].add(1.0)
    s = jnp.zeros((G, H), dtype=h.dtype).at[batch].add(h)
    g = s / jnp.maximum(cnt, 1.0)[:, None]
    # readout mlp: Linear -> ReLU -> Linear (batch_norm=False, dropout=0)
    out = jax.nn.relu(g @ ro_w1 + ro_b1)
    out = out @ ro_w2 + ro_b2
    return out

if __name__ == "__main__":
    import jax
    _d = setup_inputs()
    print(jax.jit(kernel)(*tuple(_d.values())))

</pallas_src>

<mosaic_0001>
#map = affine_map<(d0, d1) -> (0, 0)>
#map1 = affine_map<(d0, d1) -> (0, 0, 0)>
module attributes {stable_mosaic.version = 14 : i64} {
  func.func @_scatter_body(%arg0: i32, %arg1: i32, %arg2: memref<160000x16xf32, #tpu.memory_space<hbm>>, %arg3: memref<160x1000xi32, #tpu.memory_space<hbm>>, %arg4: memref<10000x16xf32, #tpu.memory_space<hbm>>, %arg5: memref<2x10000x16xf32, #tpu.memory_space<hbm>>, %arg6: memref<5x1000xi32, #tpu.memory_space<vmem>>, %arg7: memref<5000x16xf32, #tpu.memory_space<vmem>>, %arg8: memref<10000x16xf32, #tpu.memory_space<vmem_shared>>, %arg9: memref<!tpu.dma_semaphore, #tpu.memory_space<semaphore_mem>>) attributes {dimension_semantics = [#tpu.dimension_semantics<core_parallel>, #tpu.dimension_semantics<subcore_parallel>], iteration_bounds = array<i64: 2, 16>, scalar_prefetch = 0 : i64, scratch_operands = 4 : i64, tpu.core_type = #tpu.core_type<sc_vector_subcore>, window_params = [{transform_indices = #map}, {transform_indices = #map}, {transform_indices = #map}, {transform_indices = #map1}]} {
    %mul3A = arith.constant 2 : i32
    %mul3A_0 = arith.muli %arg1, %mul3A : i32
    %add3A = arith.addi %mul3A_0, %arg0 : i32
    %mul3A_1 = arith.constant 625 : i32
    %mul3A_2 = arith.muli %arg1, %mul3A_1 : i32
    %mul3A_3 = arith.constant 625 : i32
    %mul3A_4 = arith.muli %arg1, %mul3A_3 : i32
    "tpu.region"() ({
      %run_scoped3A = tpu.sem_alloc : memref<!tpu.dma_semaphore, #tpu.memory_space<semaphore_mem>>
      %dma_start3A = arith.constant 0 : i32
      %dma_start3A_19 = tpu.memref_slice %arg8[%mul3A_4, %dma_start3A] : memref<10000x16xf32, #tpu.memory_space<vmem_shared>> -> memref<625x16xf32, #tpu.memory_space<vmem_shared>>
      %dma_start3A_20 = arith.constant 0 : i32
      %dma_start3A_21 = tpu.memref_slice %arg4[%mul3A_2, %dma_start3A_20] : memref<10000x16xf32, #tpu.memory_space<hbm>> -> memref<625x16xf32, #tpu.memory_space<hbm>>
      tpu.enqueue_dma source(%dma_start3A_21 : memref<625x16xf32, #tpu.memory_space<hbm>>) target(%dma_start3A_19 : memref<625x16xf32, #tpu.memory_space<vmem_shared>>) target_semaphore(%run_scoped3A : memref<!tpu.dma_semaphore, #tpu.memory_space<semaphore_mem>>)
      %dma_wait3A = arith.constant 0 : i32
      %dma_wait3A_22 = tpu.memref_slice %arg8[%mul3A_4, %dma_wait3A] : memref<10000x16xf32, #tpu.memory_space<vmem_shared>> -> memref<625x16xf32, #tpu.memory_space<vmem_shared>>
      %dma_wait3A_23 = arith.constant 0 : i32
      %dma_wait3A_24 = tpu.memref_slice %arg4[%mul3A_2, %dma_wait3A_23] : memref<10000x16xf32, #tpu.memory_space<hbm>> -> memref<625x16xf32, #tpu.memory_space<hbm>>
      tpu.wait_dma2 semaphore(%run_scoped3A : memref<!tpu.dma_semaphore, #tpu.memory_space<semaphore_mem>>) src(%dma_wait3A_24 : memref<625x16xf32, #tpu.memory_space<hbm>>) dst(%dma_wait3A_22 : memref<625x16xf32, #tpu.memory_space<vmem_shared>>)
      tpu.yield
    }) : () -> ()
    %mul3A_5 = arith.constant 5 : i32
    %mul3A_6 = arith.muli %add3A, %mul3A_5 : i32
    "tpu.region"() ({
      %run_scoped3A = tpu.sem_alloc : memref<!tpu.dma_semaphore, #tpu.memory_space<semaphore_mem>>
      %dma_start3A = arith.constant 0 : i32
      %dma_start3A_19 = tpu.memref_slice %arg3[%mul3A_6, %dma_start3A] : memref<160x1000xi32, #tpu.memory_space<hbm>> -> memref<5x1000xi32, #tpu.memory_space<hbm>>
      %dma_start3A_20 = arith.constant 0 : i32
      %dma_start3A_21 = tpu.memref_slice %arg3[%mul3A_6, %dma_start3A_20] : memref<160x1000xi32, #tpu.memory_space<hbm>> -> memref<5x1000xi32, #tpu.memory_space<hbm>>
      tpu.enqueue_dma source(%dma_start3A_21 : memref<5x1000xi32, #tpu.memory_space<hbm>>) target(%arg6 : memref<5x1000xi32, #tpu.memory_space<vmem>>) target_semaphore(%run_scoped3A : memref<!tpu.dma_semaphore, #tpu.memory_space<semaphore_mem>>)
      %dma_wait3A = arith.constant 0 : i32
      %dma_wait3A_22 = tpu.memref_slice %arg3[%mul3A_6, %dma_wait3A] : memref<160x1000xi32, #tpu.memory_space<hbm>> -> memref<5x1000xi32, #tpu.memory_space<hbm>>
      %dma_wait3A_23 = arith.constant 0 : i32
      %dma_wait3A_24 = tpu.memref_slice %arg3[%mul3A_6, %dma_wait3A_23] : memref<160x1000xi32, #tpu.memory_space<hbm>> -> memref<5x1000xi32, #tpu.memory_space<hbm>>
      tpu.wait_dma2 semaphore(%run_scoped3A : memref<!tpu.dma_semaphore, #tpu.memory_space<semaphore_mem>>) src(%dma_wait3A_24 : memref<5x1000xi32, #tpu.memory_space<hbm>>) dst(%arg6 : memref<5x1000xi32, #tpu.memory_space<vmem>>)
      tpu.yield
    }) : () -> ()
    %mul3A_7 = arith.constant 5000 : i32
    %mul3A_8 = arith.muli %add3A, %mul3A_7 : i32
    "tpu.region"() ({
      %run_scoped3A = tpu.sem_alloc : memref<!tpu.dma_semaphore, #tpu.memory_space<semaphore_mem>>
      %dma_start3A = arith.constant 0 : i32
      %dma_start3A_19 = tpu.memref_slice %arg2[%mul3A_8, %dma_start3A] : memref<160000x16xf32, #tpu.memory_space<hbm>> -> memref<5000x16xf32, #tpu.memory_space<hbm>>
      %dma_start3A_20 = arith.constant 0 : i32
      %dma_start3A_21 = tpu.memref_slice %arg2[%mul3A_8, %dma_start3A_20] : memref<160000x16xf32, #tpu.memory_space<hbm>> -> memref<5000x16xf32, #tpu.memory_space<hbm>>
      tpu.enqueue_dma source(%dma_start3A_21 : memref<5000x16xf32, #tpu.memory_space<hbm>>) target(%arg7 : memref<5000x16xf32, #tpu.memory_space<vmem>>) target_semaphore(%run_scoped3A : memref<!tpu.dma_semaphore, #tpu.memory_space<semaphore_mem>>)
      %dma_wait3A = arith.constant 0 : i32
      %dma_wait3A_22 = tpu.memref_slice %arg2[%mul3A_8, %dma_wait3A] : memref<160000x16xf32, #tpu.memory_space<hbm>> -> memref<5000x16xf32, #tpu.memory_space<hbm>>
      %dma_wait3A_23 = arith.constant 0 : i32
      %dma_wait3A_24 = tpu.memref_slice %arg2[%mul3A_8, %dma_wait3A_23] : memref<160000x16xf32, #tpu.memory_space<hbm>> -> memref<5000x16xf32, #tpu.memory_space<hbm>>
      tpu.wait_dma2 semaphore(%run_scoped3A : memref<!tpu.dma_semaphore, #tpu.memory_space<semaphore_mem>>) src(%dma_wait3A_24 : memref<5000x16xf32, #tpu.memory_space<hbm>>) dst(%arg7 : memref<5000x16xf32, #tpu.memory_space<vmem>>)
      tpu.yield
    }) : () -> ()
    %barrier3A = arith.constant 0 : index
    tpu.barrier barrier_id(%barrier3A)
    %scan3A = arith.constant 0 : i32
    %scan3A_9 = arith.constant 0 : i32
    %scan3A_10 = arith.constant 5 : i32
    %scan3A_11 = arith.addi %scan3A_9, %scan3A_10 : i32
    %scan3A_12 = arith.constant 1 : i32
    scf.for %scan3A_19 = %scan3A_9 to %scan3A_11 step %scan3A_12  : i32 {
      %mul3A_20 = arith.constant 1000 : i32
      %mul3A_21 = arith.muli %scan3A_19, %mul3A_20 : i32
      "tpu.region"() ({
        %run_scoped3A = tpu.sem_alloc : memref<!tpu.dma_semaphore, #tpu.memory_space<semaphore_mem>>
        %dma_start3A = arith.constant 0 : i32
        %dma_start3A_22 = tpu.memref_slice %arg7[%mul3A_21, %dma_start3A] : memref<5000x16xf32, #tpu.memory_space<vmem>> -> memref<1000x16xf32, #tpu.memory_space<vmem>>
        %dma_start3A_23 = arith.constant 0 : i32
        %dma_start3A_24 = tpu.memref_slice %arg6[%scan3A_19, %dma_start3A_23] : memref<5x1000xi32, #tpu.memory_space<vmem>> -> memref<1x1000xi32, #tpu.memory_space<vmem>>
        %dma_start3A_25 = tpu.memref_squeeze %dma_start3A_24 : memref<1x1000xi32, #tpu.memory_space<vmem>> -> memref<1000xi32, #tpu.memory_space<vmem>>
        %dma_start3A_26 = arith.constant 0 : i32
        %dma_start3A_27 = arith.constant 0 : i32
        %dma_start3A_28 = tpu.memref_slice %arg8[%dma_start3A_26, %dma_start3A_27] : memref<10000x16xf32, #tpu.memory_space<vmem_shared>> -> memref<10000x16xf32, #tpu.memory_space<vmem_shared>>
        tpu.enqueue_indirect_dma source(%dma_start3A_22 : memref<1000x16xf32, #tpu.memory_space<vmem>>) target(%dma_start3A_28 : memref<10000x16xf32, #tpu.memory_space<vmem_shared>>) offsets(%dma_start3A_25 : memref<1000xi32, #tpu.memory_space<vmem>>) semaphore(%run_scoped3A : memref<!tpu.dma_semaphore, #tpu.memory_space<semaphore_mem>>) {add = true}
        %dma_wait3A = arith.constant 0 : i32
        %dma_wait3A_29 = tpu.memref_slice %arg7[%mul3A_21, %dma_wait3A] : memref<5000x16xf32, #tpu.memory_space<vmem>> -> memref<1000x16xf32, #tpu.memory_space<vmem>>
        %dma_wait3A_30 = arith.constant 0 : i32
        %dma_wait3A_31 = tpu.memref_slice %arg6[%scan3A_19, %dma_wait3A_30] : memref<5x1000xi32, #tpu.memory_space<vmem>> -> memref<1x1000xi32, #tpu.memory_space<vmem>>
        %dma_wait3A_32 = tpu.memref_squeeze %dma_wait3A_31 : memref<1x1000xi32, #tpu.memory_space<vmem>> -> memref<1000xi32, #tpu.memory_space<vmem>>
        %dma_wait3A_33 = arith.constant 0 : i32
        %dma_wait3A_34 = arith.constant 0 : i32
        %dma_wait3A_35 = tpu.memref_slice %arg8[%dma_wait3A_33, %dma_wait3A_34] : memref<10000x16xf32, #tpu.memory_space<vmem_shared>> -> memref<10000x16xf32, #tpu.memory_space<vmem_shared>>
        tpu.wait_indirect_dma semaphore(%run_scoped3A : memref<!tpu.dma_semaphore, #tpu.memory_space<semaphore_mem>>) src(%dma_wait3A_29 : memref<1000x16xf32, #tpu.memory_space<vmem>>) dst(%dma_wait3A_35 : memref<10000x16xf32, #tpu.memory_space<vmem_shared>>)
        tpu.yield
      }) : () -> ()
    }
    %scan3A_13 = arith.constant 5 : i32
    %barrier3A_14 = arith.constant 0 : index
    tpu.barrier barrier_id(%barrier3A_14)
    %mul3A_15 = arith.constant 625 : i32
    %mul3A_16 = arith.muli %arg1, %mul3A_15 : i32
    %mul3A_17 = arith.constant 625 : i32
    %mul3A_18 = arith.muli %arg1, %mul3A_17 : i32
    "tpu.region"() ({
      %run_scoped3A = tpu.sem_alloc : memref<!tpu.dma_semaphore, #tpu.memory_space<semaphore_mem>>
      %dma_start3A = arith.constant 0 : i32
      %dma_start3A_19 = arith.constant 0 : i32
      %dma_start3A_20 = tpu.memref_slice %arg5[%arg0, %dma_start3A, %dma_start3A_19] : memref<2x10000x16xf32, #tpu.memory_space<hbm>> -> memref<1x10000x16xf32, #tpu.memory_space<hbm>>
      %dma_start3A_21 = tpu.memref_squeeze %dma_start3A_20 : memref<1x10000x16xf32, #tpu.memory_space<hbm>> -> memref<10000x16xf32, #tpu.memory_space<hbm>>
      %dma_start3A_22 = arith.constant 0 : i32
      %dma_start3A_23 = tpu.memref_slice %dma_start3A_21[%mul3A_18, %dma_start3A_22] : memref<10000x16xf32, #tpu.memory_space<hbm>> -> memref<625x16xf32, #tpu.memory_space<hbm>>
      %dma_start3A_24 = arith.constant 0 : i32
      %dma_start3A_25 = tpu.memref_slice %arg8[%mul3A_16, %dma_start3A_24] : memref<10000x16xf32, #tpu.memory_space<vmem_shared>> -> memref<625x16xf32, #tpu.memory_space<vmem_shared>>
      tpu.enqueue_dma source(%dma_start3A_25 : memref<625x16xf32, #tpu.memory_space<vmem_shared>>) target(%dma_start3A_23 : memref<625x16xf32, #tpu.memory_space<hbm>>) target_semaphore(%run_scoped3A : memref<!tpu.dma_semaphore, #tpu.memory_space<semaphore_mem>>)
      %dma_wait3A = arith.constant 0 : i32
      %dma_wait3A_26 = arith.constant 0 : i32
      %dma_wait3A_27 = tpu.memref_slice %arg5[%arg0, %dma_wait3A, %dma_wait3A_26] : memref<2x10000x16xf32, #tpu.memory_space<hbm>> -> memref<1x10000x16xf32, #tpu.memory_space<hbm>>
      %dma_wait3A_28 = tpu.memref_squeeze %dma_wait3A_27 : memref<1x10000x16xf32, #tpu.memory_space<hbm>> -> memref<10000x16xf32, #tpu.memory_space<hbm>>
      %dma_wait3A_29 = arith.constant 0 : i32
      %dma_wait3A_30 = tpu.memref_slice %dma_wait3A_28[%mul3A_18, %dma_wait3A_29] : memref<10000x16xf32, #tpu.memory_space<hbm>> -> memref<625x16xf32, #tpu.memory_space<hbm>>
      %dma_wait3A_31 = arith.constant 0 : i32
      %dma_wait3A_32 = tpu.memref_slice %arg8[%mul3A_16, %dma_wait3A_31] : memref<10000x16xf32, #tpu.memory_space<vmem_shared>> -> memref<625x16xf32, #tpu.memory_space<vmem_shared>>
      tpu.wait_dma2 semaphore(%run_scoped3A : memref<!tpu.dma_semaphore, #tpu.memory_space<semaphore_mem>>) src(%dma_wait3A_32 : memref<625x16xf32, #tpu.memory_space<vmem_shared>>) dst(%dma_wait3A_30 : memref<625x16xf32, #tpu.memory_space<hbm>>)
      tpu.yield
    }) : () -> ()
    return
  }
}

#map = affine_map<(d0, d1) -> (0, 0)>
#map1 = affine_map<(d0, d1) -> (0, 0, 0)>
module attributes {stable_mosaic.version = 14 : i64} {
  func.func @_scatter_body(%arg0: i32, %arg1: i32, %arg2: memref<160000x16xf32, #tpu.memory_space<hbm>>, %arg3: memref<160x1000xi32, #tpu.memory_space<hbm>>, %arg4: memref<10000x16xf32, #tpu.memory_space<hbm>>, %arg5: memref<2x10000x16xf32, #tpu.memory_space<hbm>>, %arg6: memref<5x1000xi32, #tpu.memory_space<vmem>>, %arg7: memref<5000x16xf32, #tpu.memory_space<vmem>>, %arg8: memref<10000x16xf32, #tpu.memory_space<vmem_shared>>, %arg9: memref<!tpu.dma_semaphore, #tpu.memory_space<semaphore_mem>>) attributes {dimension_semantics = [#tpu.dimension_semantics<core_parallel>, #tpu.dimension_semantics<subcore_parallel>], iteration_bounds = array<i64: 2, 16>, scalar_prefetch = 0 : i64, scratch_operands = 4 : i64, tpu.core_type = #tpu.core_type<sc_vector_subcore>, window_params = [{transform_indices = #map}, {transform_indices = #map}, {transform_indices = #map}, {transform_indices = #map1}]} {
    %mul3A = arith.constant 2 : i32
    %mul3A_0 = arith.muli %arg1, %mul3A : i32
    %add3A = arith.addi %mul3A_0, %arg0 : i32
    %mul3A_1 = arith.constant 625 : i32
    %mul3A_2 = arith.muli %arg1, %mul3A_1 : i32
    %mul3A_3 = arith.constant 625 : i32
    %mul3A_4 = arith.muli %arg1, %mul3A_3 : i32
    "tpu.region"() ({
      %run_scoped3A = tpu.sem_alloc : memref<!tpu.dma_semaphore, #tpu.memory_space<semaphore_mem>>
      %dma_start3A = arith.constant 0 : i32
      %dma_start3A_19 = tpu.memref_slice %arg8[%mul3A_4, %dma_start3A] : memref<10000x16xf32, #tpu.memory_space<vmem_shared>> -> memref<625x16xf32, #tpu.memory_space<vmem_shared>>
      %dma_start3A_20 = arith.constant 0 : i32
      %dma_start3A_21 = tpu.memref_slice %arg4[%mul3A_2, %dma_start3A_20] : memref<10000x16xf32, #tpu.memory_space<hbm>> -> memref<625x16xf32, #tpu.memory_space<hbm>>
      tpu.enqueue_dma source(%dma_start3A_21 : memref<625x16xf32, #tpu.memory_space<hbm>>) target(%dma_start3A_19 : memref<625x16xf32, #tpu.memory_space<vmem_shared>>) target_semaphore(%run_scoped3A : memref<!tpu.dma_semaphore, #tpu.memory_space<semaphore_mem>>)
      %dma_wait3A = arith.constant 0 : i32
      %dma_wait3A_22 = tpu.memref_slice %arg8[%mul3A_4, %dma_wait3A] : memref<10000x16xf32, #tpu.memory_space<vmem_shared>> -> memref<625x16xf32, #tpu.memory_space<vmem_shared>>
      %dma_wait3A_23 = arith.constant 0 : i32
      %dma_wait3A_24 = tpu.memref_slice %arg4[%mul3A_2, %dma_wait3A_23] : memref<10000x16xf32, #tpu.memory_space<hbm>> -> memref<625x16xf32, #tpu.memory_space<hbm>>
      tpu.wait_dma2 semaphore(%run_scoped3A : memref<!tpu.dma_semaphore, #tpu.memory_space<semaphore_mem>>) src(%dma_wait3A_24 : memref<625x16xf32, #tpu.memory_space<hbm>>) dst(%dma_wait3A_22 : memref<625x16xf32, #tpu.memory_space<vmem_shared>>)
      tpu.yield
    }) : () -> ()
    %mul3A_5 = arith.constant 5 : i32
    %mul3A_6 = arith.muli %add3A, %mul3A_5 : i32
    "tpu.region"() ({
      %run_scoped3A = tpu.sem_alloc : memref<!tpu.dma_semaphore, #tpu.memory_space<semaphore_mem>>
      %dma_start3A = arith.constant 0 : i32
      %dma_start3A_19 = tpu.memref_slice %arg3[%mul3A_6, %dma_start3A] : memref<160x1000xi32, #tpu.memory_space<hbm>> -> memref<5x1000xi32, #tpu.memory_space<hbm>>
      %dma_start3A_20 = arith.constant 0 : i32
      %dma_start3A_21 = tpu.memref_slice %arg3[%mul3A_6, %dma_start3A_20] : memref<160x1000xi32, #tpu.memory_space<hbm>> -> memref<5x1000xi32, #tpu.memory_space<hbm>>
      tpu.enqueue_dma source(%dma_start3A_21 : memref<5x1000xi32, #tpu.memory_space<hbm>>) target(%arg6 : memref<5x1000xi32, #tpu.memory_space<vmem>>) target_semaphore(%run_scoped3A : memref<!tpu.dma_semaphore, #tpu.memory_space<semaphore_mem>>)
      %dma_wait3A = arith.constant 0 : i32
      %dma_wait3A_22 = tpu.memref_slice %arg3[%mul3A_6, %dma_wait3A] : memref<160x1000xi32, #tpu.memory_space<hbm>> -> memref<5x1000xi32, #tpu.memory_space<hbm>>
      %dma_wait3A_23 = arith.constant 0 : i32
      %dma_wait3A_24 = tpu.memref_slice %arg3[%mul3A_6, %dma_wait3A_23] : memref<160x1000xi32, #tpu.memory_space<hbm>> -> memref<5x1000xi32, #tpu.memory_space<hbm>>
      tpu.wait_dma2 semaphore(%run_scoped3A : memref<!tpu.dma_semaphore, #tpu.memory_space<semaphore_mem>>) src(%dma_wait3A_24 : memref<5x1000xi32, #tpu.memory_space<hbm>>) dst(%arg6 : memref<5x1000xi32, #tpu.memory_space<vmem>>)
      tpu.yield
    }) : () -> ()
    %mul3A_7 = arith.constant 5000 : i32
    %mul3A_8 = arith.muli %add3A, %mul3A_7 : i32
    "tpu.region"() ({
      %run_scoped3A = tpu.sem_alloc : memref<!tpu.dma_semaphore, #tpu.memory_space<semaphore_mem>>
      %dma_start3A = arith.constant 0 : i32
      %dma_start3A_19 = tpu.memref_slice %arg2[%mul3A_8, %dma_start3A] : memref<160000x16xf32, #tpu.memory_space<hbm>> -> memref<5000x16xf32, #tpu.memory_space<hbm>>
      %dma_start3A_20 = arith.constant 0 : i32
      %dma_start3A_21 = tpu.memref_slice %arg2[%mul3A_8, %dma_start3A_20] : memref<160000x16xf32, #tpu.memory_space<hbm>> -> memref<5000x16xf32, #tpu.memory_space<hbm>>
      tpu.enqueue_dma source(%dma_start3A_21 : memref<5000x16xf32, #tpu.memory_space<hbm>>) target(%arg7 : memref<5000x16xf32, #tpu.memory_space<vmem>>) target_semaphore(%run_scoped3A : memref<!tpu.dma_semaphore, #tpu.memory_space<semaphore_mem>>)
      %dma_wait3A = arith.constant 0 : i32
      %dma_wait3A_22 = tpu.memref_slice %arg2[%mul3A_8, %dma_wait3A] : memref<160000x16xf32, #tpu.memory_space<hbm>> -> memref<5000x16xf32, #tpu.memory_space<hbm>>
      %dma_wait3A_23 = arith.constant 0 : i32
      %dma_wait3A_24 = tpu.memref_slice %arg2[%mul3A_8, %dma_wait3A_23] : memref<160000x16xf32, #tpu.memory_space<hbm>> -> memref<5000x16xf32, #tpu.memory_space<hbm>>
      tpu.wait_dma2 semaphore(%run_scoped3A : memref<!tpu.dma_semaphore, #tpu.memory_space<semaphore_mem>>) src(%dma_wait3A_24 : memref<5000x16xf32, #tpu.memory_space<hbm>>) dst(%arg7 : memref<5000x16xf32, #tpu.memory_space<vmem>>)
      tpu.yield
    }) : () -> ()
    %barrier3A = arith.constant 0 : index
    tpu.barrier barrier_id(%barrier3A)
    %scan3A = arith.constant 0 : i32
    %scan3A_9 = arith.constant 0 : i32
    %scan3A_10 = arith.constant 5 : i32
    %scan3A_11 = arith.addi %scan3A_9, %scan3A_10 : i32
    %scan3A_12 = arith.constant 1 : i32
    scf.for %scan3A_19 = %scan3A_9 to %scan3A_11 step %scan3A_12  : i32 {
      %mul3A_20 = arith.constant 1000 : i32
      %mul3A_21 = arith.muli %scan3A_19, %mul3A_20 : i32
      "tpu.region"() ({
        %run_scoped3A = tpu.sem_alloc : memref<!tpu.dma_semaphore, #tpu.memory_space<semaphore_mem>>
        %dma_start3A = arith.constant 0 : i32
        %dma_start3A_22 = tpu.memref_slice %arg7[%mul3A_21, %dma_start3A] : memref<5000x16xf32, #tpu.memory_space<vmem>> -> memref<1000x16xf32, #tpu.memory_space<vmem>>
        %dma_start3A_23 = arith.constant 0 : i32
        %dma_start3A_24 = tpu.memref_slice %arg6[%scan3A_19, %dma_start3A_23] : memref<5x1000xi32, #tpu.memory_space<vmem>> -> memref<1x1000xi32, #tpu.memory_space<vmem>>
        %dma_start3A_25 = tpu.memref_squeeze %dma_start3A_24 : memref<1x1000xi32, #tpu.memory_space<vmem>> -> memref<1000xi32, #tpu.memory_space<vmem>>
        %dma_start3A_26 = arith.constant 0 : i32
        %dma_start3A_27 = arith.constant 0 : i32
        %dma_start3A_28 = tpu.memref_slice %arg8[%dma_start3A_26, %dma_start3A_27] : memref<10000x16xf32, #tpu.memory_space<vmem_shared>> -> memref<10000x16xf32, #tpu.memory_space<vmem_shared>>
        tpu.enqueue_indirect_dma source(%dma_start3A_22 : memref<1000x16xf32, #tpu.memory_space<vmem>>) target(%dma_start3A_28 : memref<10000x16xf32, #tpu.memory_space<vmem_shared>>) offsets(%dma_start3A_25 : memref<1000xi32, #tpu.memory_space<vmem>>) semaphore(%run_scoped3A : memref<!tpu.dma_semaphore, #tpu.memory_space<semaphore_mem>>) {add = true}
        %dma_wait3A = arith.constant 0 : i32
        %dma_wait3A_29 = tpu.memref_slice %arg7[%mul3A_21, %dma_wait3A] : memref<5000x16xf32, #tpu.memory_space<vmem>> -> memref<1000x16xf32, #tpu.memory_space<vmem>>
        %dma_wait3A_30 = arith.constant 0 : i32
        %dma_wait3A_31 = tpu.memref_slice %arg6[%scan3A_19, %dma_wait3A_30] : memref<5x1000xi32, #tpu.memory_space<vmem>> -> memref<1x1000xi32, #tpu.memory_space<vmem>>
        %dma_wait3A_32 = tpu.memref_squeeze %dma_wait3A_31 : memref<1x1000xi32, #tpu.memory_space<vmem>> -> memref<1000xi32, #tpu.memory_space<vmem>>
        %dma_wait3A_33 = arith.constant 0 : i32
        %dma_wait3A_34 = arith.constant 0 : i32
        %dma_wait3A_35 = tpu.memref_slice %arg8[%dma_wait3A_33, %dma_wait3A_34] : memref<10000x16xf32, #tpu.memory_space<vmem_shared>> -> memref<10000x16xf32, #tpu.memory_space<vmem_shared>>
        tpu.wait_indirect_dma semaphore(%run_scoped3A : memref<!tpu.dma_semaphore, #tpu.memory_space<semaphore_mem>>) src(%dma_wait3A_29 : memref<1000x16xf32, #tpu.memory_space<vmem>>) dst(%dma_wait3A_35 : memref<10000x16xf32, #tpu.memory_space<vmem_shared>>)
        tpu.yield
      }) : () -> ()
    }
    %scan3A_13 = arith.constant 5 : i32
    %barrier3A_14 = arith.constant 0 : index
    tpu.barrier barrier_id(%barrier3A_14)
    %mul3A_15 = arith.constant 625 : i32
    %mul3A_16 = arith.muli %arg1, %mul3A_15 : i32
    %mul3A_17 = arith.constant 625 : i32
    %mul3A_18 = arith.muli %arg1, %mul3A_17 : i32
    "tpu.region"() ({
      %run_scoped3A = tpu.sem_alloc : memref<!tpu.dma_semaphore, #tpu.memory_space<semaphore_mem>>
      %dma_start3A = arith.constant 0 : i32
      %dma_start3A_19 = arith.constant 0 : i32
      %dma_start3A_20 = tpu.memref_slice %arg5[%arg0, %dma_start3A, %dma_start3A_19] : memref<2x10000x16xf32, #tpu.memory_space<hbm>> -> memref<1x10000x16xf32, #tpu.memory_space<hbm>>
      %dma_start3A_21 = tpu.memref_squeeze %dma_start3A_20 : memref<1x10000x16xf32, #tpu.memory_space<hbm>> -> memref<10000x16xf32, #tpu.memory_space<hbm>>
      %dma_start3A_22 = arith.constant 0 : i32
      %dma_start3A_23 = tpu.memref_slice %dma_start3A_21[%mul3A_18, %dma_start3A_22] : memref<10000x16xf32, #tpu.memory_space<hbm>> -> memref<625x16xf32, #tpu.memory_space<hbm>>
      %dma_start3A_24 = arith.constant 0 : i32
      %dma_start3A_25 = tpu.memref_slice %arg8[%mul3A_16, %dma_start3A_24] : memref<10000x16xf32, #tpu.memory_space<vmem_shared>> -> memref<625x16xf32, #tpu.memory_space<vmem_shared>>
      tpu.enqueue_dma source(%dma_start3A_25 : memref<625x16xf32, #tpu.memory_space<vmem_shared>>) target(%dma_start3A_23 : memref<625x16xf32, #tpu.memory_space<hbm>>) target_semaphore(%run_scoped3A : memref<!tpu.dma_semaphore, #tpu.memory_space<semaphore_mem>>)
      %dma_wait3A = arith.constant 0 : i32
      %dma_wait3A_26 = arith.constant 0 : i32
      %dma_wait3A_27 = tpu.memref_slice %arg5[%arg0, %dma_wait3A, %dma_wait3A_26] : memref<2x10000x16xf32, #tpu.memory_space<hbm>> -> memref<1x10000x16xf32, #tpu.memory_space<hbm>>
      %dma_wait3A_28 = tpu.memref_squeeze %dma_wait3A_27 : memref<1x10000x16xf32, #tpu.memory_space<hbm>> -> memref<10000x16xf32, #tpu.memory_space<hbm>>
      %dma_wait3A_29 = arith.constant 0 : i32
      %dma_wait3A_30 = tpu.memref_slice %dma_wait3A_28[%mul3A_18, %dma_wait3A_29] : memref<10000x16xf32, #tpu.memory_space<hbm>> -> memref<625x16xf32, #tpu.memory_space<hbm>>
      %dma_wait3A_31 = arith.constant 0 : i32
      %dma_wait3A_32 = tpu.memref_slice %arg8[%mul3A_16, %dma_wait3A_31] : memref<10000x16xf32, #tpu.memory_space<vmem_shared>> -> memref<625x16xf32, #tpu.memory_space<vmem_shared>>
      tpu.wait_dma2 semaphore(%run_scoped3A : memref<!tpu.dma_semaphore, #tpu.memory_space<semaphore_mem>>) src(%dma_wait3A_32 : memref<625x16xf32, #tpu.memory_space<vmem_shared>>) dst(%dma_wait3A_30 : memref<625x16xf32, #tpu.memory_space<hbm>>)
      tpu.yield
    }) : () -> ()
    return
  }
}

#map = affine_map<(d0, d1) -> (0, 0)>
module attributes {stable_mosaic.version = 14 : i64} {
  func.func @_gather_body(%arg0: i32, %arg1: i32, %arg2: memref<10000x16xf32, #tpu.memory_space<hbm>>, %arg3: memref<160x1000xi32, #tpu.memory_space<hbm>>, %arg4: memref<160000x16xf32, #tpu.memory_space<hbm>>, %arg5: memref<5x1000xi32, #tpu.memory_space<vmem>>, %arg6: memref<5000x16xf32, #tpu.memory_space<vmem>>, %arg7: memref<!tpu.dma_semaphore, #tpu.memory_space<semaphore_mem>>) attributes {dimension_semantics = [#tpu.dimension_semantics<core_parallel>, #tpu.dimension_semantics<subcore_parallel>], iteration_bounds = array<i64: 2, 16>, scalar_prefetch = 0 : i64, scratch_operands = 3 : i64, tpu.core_type = #tpu.core_type<sc_vector_subcore>, window_params = [{transform_indices = #map}, {transform_indices = #map}, {transform_indices = #map}]} {
    %mul3A = arith.constant 2 : i32
    %mul3A_0 = arith.muli %arg1, %mul3A : i32
    %add3A = arith.addi %mul3A_0, %arg0 : i32
    %mul3A_1 = arith.constant 5 : i32
    %mul3A_2 = arith.muli %add3A, %mul3A_1 : i32
    "tpu.region"() ({
      %run_scoped3A = tpu.sem_alloc : memref<!tpu.dma_semaphore, #tpu.memory_space<semaphore_mem>>
      %dma_start3A = arith.constant 0 : i32
      %dma_start3A_10 = tpu.memref_slice %arg3[%mul3A_2, %dma_start3A] : memref<160x1000xi32, #tpu.memory_space<hbm>> -> memref<5x1000xi32, #tpu.memory_space<hbm>>
      %dma_start3A_11 = arith.constant 0 : i32
      %dma_start3A_12 = tpu.memref_slice %arg3[%mul3A_2, %dma_start3A_11] : memref<160x1000xi32, #tpu.memory_space<hbm>> -> memref<5x1000xi32, #tpu.memory_space<hbm>>
      tpu.enqueue_dma source(%dma_start3A_12 : memref<5x1000xi32, #tpu.memory_space<hbm>>) target(%arg5 : memref<5x1000xi32, #tpu.memory_space<vmem>>) target_semaphore(%run_scoped3A : memref<!tpu.dma_semaphore, #tpu.memory_space<semaphore_mem>>)
      %dma_wait3A = arith.constant 0 : i32
      %dma_wait3A_13 = tpu.memref_slice %arg3[%mul3A_2, %dma_wait3A] : memref<160x1000xi32, #tpu.memory_space<hbm>> -> memref<5x1000xi32, #tpu.memory_space<hbm>>
      %dma_wait3A_14 = arith.constant 0 : i32
      %dma_wait3A_15 = tpu.memref_slice %arg3[%mul3A_2, %dma_wait3A_14] : memref<160x1000xi32, #tpu.memory_space<hbm>> -> memref<5x1000xi32, #tpu.memory_space<hbm>>
      tpu.wait_dma2 semaphore(%run_scoped3A : memref<!tpu.dma_semaphore, #tpu.memory_space<semaphore_mem>>) src(%dma_wait3A_15 : memref<5x1000xi32, #tpu.memory_space<hbm>>) dst(%arg5 : memref<5x1000xi32, #tpu.memory_space<vmem>>)
      tpu.yield
    }) : () -> ()
    %scan3A = arith.constant 0 : i32
    %scan3A_3 = arith.constant 0 : i32
    %scan3A_4 = arith.constant 5 : i32
    %scan3A_5 = arith.addi %scan3A_3, %scan3A_4 : i32
    %scan3A_6 = arith.constant 1 : i32
    scf.for %scan3A_10 = %scan3A_3 to %scan3A_5 step %scan3A_6  : i32 {
      %mul3A_11 = arith.constant 1000 : i32
      %mul3A_12 = arith.muli %scan3A_10, %mul3A_11 : i32
      %dma_start3A = arith.constant 0 : i32
      %dma_start3A_13 = tpu.memref_slice %arg6[%mul3A_12, %dma_start3A] : memref<5000x16xf32, #tpu.memory_space<vmem>> -> memref<1000x16xf32, #tpu.memory_space<vmem>>
      %dma_start3A_14 = arith.constant 0 : i32
      %dma_start3A_15 = tpu.memref_slice %arg5[%scan3A_10, %dma_start3A_14] : memref<5x1000xi32, #tpu.memory_space<vmem>> -> memref<1x1000xi32, #tpu.memory_space<vmem>>
      %dma_start3A_16 = tpu.memref_squeeze %dma_start3A_15 : memref<1x1000xi32, #tpu.memory_space<vmem>> -> memref<1000xi32, #tpu.memory_space<vmem>>
      %dma_start3A_17 = arith.constant 0 : i32
      %dma_start3A_18 = arith.constant 0 : i32
      %dma_start3A_19 = tpu.memref_slice %arg2[%dma_start3A_17, %dma_start3A_18] : memref<10000x16xf32, #tpu.memory_space<hbm>> -> memref<10000x16xf32, #tpu.memory_space<hbm>>
      tpu.enqueue_indirect_dma source(%dma_start3A_19 : memref<10000x16xf32, #tpu.memory_space<hbm>>) target(%dma_start3A_13 : memref<1000x16xf32, #tpu.memory_space<vmem>>) offsets(%dma_start3A_16 : memref<1000xi32, #tpu.memory_space<vmem>>) semaphore(%arg7 : memref<!tpu.dma_semaphore, #tpu.memory_space<semaphore_mem>>)
      %dma_wait3A = arith.constant 0 : i32
      %dma_wait3A_20 = tpu.memref_slice %arg6[%mul3A_12, %dma_wait3A] : memref<5000x16xf32, #tpu.memory_space<vmem>> -> memref<1000x16xf32, #tpu.memory_space<vmem>>
      %dma_wait3A_21 = arith.constant 0 : i32
      %dma_wait3A_22 = tpu.memref_slice %arg5[%scan3A_10, %dma_wait3A_21] : memref<5x1000xi32, #tpu.memory_space<vmem>> -> memref<1x1000xi32, #tpu.memory_space<vmem>>
      %dma_wait3A_23 = tpu.memref_squeeze %dma_wait3A_22 : memref<1x1000xi32, #tpu.memory_space<vmem>> -> memref<1000xi32, #tpu.memory_space<vmem>>
      %dma_wait3A_24 = arith.constant 0 : i32
      %dma_wait3A_25 = arith.constant 0 : i32
      %dma_wait3A_26 = tpu.memref_slice %arg2[%dma_wait3A_24, %dma_wait3A_25] : memref<10000x16xf32, #tpu.memory_space<hbm>> -> memref<10000x16xf32, #tpu.memory_space<hbm>>
      tpu.wait_indirect_dma semaphore(%arg7 : memref<!tpu.dma_semaphore, #tpu.memory_space<semaphore_mem>>) src(%dma_wait3A_26 : memref<10000x16xf32, #tpu.memory_space<hbm>>) dst(%dma_wait3A_20 : memref<1000x16xf32, #tpu.memory_space<vmem>>)
    }
    %scan3A_7 = arith.constant 5 : i32
    %mul3A_8 = arith.constant 5000 : i32
    %mul3A_9 = arith.muli %add3A, %mul3A_8 : i32
    "tpu.region"() ({
      %run_scoped3A = tpu.sem_alloc : memref<!tpu.dma_semaphore, #tpu.memory_space<semaphore_mem>>
      %dma_start3A = arith.constant 0 : i32
      %dma_start3A_10 = tpu.memref_slice %arg4[%mul3A_9, %dma_start3A] : memref<160000x16xf32, #tpu.memory_space<hbm>> -> memref<5000x16xf32, #tpu.memory_space<hbm>>
      %dma_start3A_11 = arith.constant 0 : i32
      %dma_start3A_12 = tpu.memref_slice %arg4[%mul3A_9, %dma_start3A_11] : memref<160000x16xf32, #tpu.memory_space<hbm>> -> memref<5000x16xf32, #tpu.memory_space<hbm>>
      tpu.enqueue_dma source(%arg6 : memref<5000x16xf32, #tpu.memory_space<vmem>>) target(%dma_start3A_12 : memref<5000x16xf32, #tpu.memory_space<hbm>>) target_semaphore(%run_scoped3A : memref<!tpu.dma_semaphore, #tpu.memory_space<semaphore_mem>>)
      %dma_wait3A = arith.constant 0 : i32
      %dma_wait3A_13 = tpu.memref_slice %arg4[%mul3A_9, %dma_wait3A] : memref<160000x16xf32, #tpu.memory_space<hbm>> -> memref<5000x16xf32, #tpu.memory_space<hbm>>
      %dma_wait3A_14 = arith.constant 0 : i32
      %dma_wait3A_15 = tpu.memref_slice %arg4[%mul3A_9, %dma_wait3A_14] : memref<160000x16xf32, #tpu.memory_space<hbm>> -> memref<5000x16xf32, #tpu.memory_space<hbm>>
      tpu.wait_dma2 semaphore(%run_scoped3A : memref<!tpu.dma_semaphore, #tpu.memory_space<semaphore_mem>>) src(%arg6 : memref<5000x16xf32, #tpu.memory_space<vmem>>) dst(%dma_wait3A_15 : memref<5000x16xf32, #tpu.memory_space<hbm>>)
      tpu.yield
    }) : () -> ()
    return
  }
}

#map = affine_map<(d0, d1) -> (0, 0)>
module attributes {stable_mosaic.version = 14 : i64} {
  func.func @_gather_body(%arg0: i32, %arg1: i32, %arg2: memref<10000x16xf32, #tpu.memory_space<hbm>>, %arg3: memref<160x1000xi32, #tpu.memory_space<hbm>>, %arg4: memref<160000x16xf32, #tpu.memory_space<hbm>>, %arg5: memref<5x1000xi32, #tpu.memory_space<vmem>>, %arg6: memref<5000x16xf32, #tpu.memory_space<vmem>>, %arg7: memref<!tpu.dma_semaphore, #tpu.memory_space<semaphore_mem>>) attributes {dimension_semantics = [#tpu.dimension_semantics<core_parallel>, #tpu.dimension_semantics<subcore_parallel>], iteration_bounds = array<i64: 2, 16>, scalar_prefetch = 0 : i64, scratch_operands = 3 : i64, tpu.core_type = #tpu.core_type<sc_vector_subcore>, window_params = [{transform_indices = #map}, {transform_indices = #map}, {transform_indices = #map}]} {
    %mul3A = arith.constant 2 : i32
    %mul3A_0 = arith.muli %arg1, %mul3A : i32
    %add3A = arith.addi %mul3A_0, %arg0 : i32
    %mul3A_1 = arith.constant 5 : i32
    %mul3A_2 = arith.muli %add3A, %mul3A_1 : i32
    "tpu.region"() ({
      %run_scoped3A = tpu.sem_alloc : memref<!tpu.dma_semaphore, #tpu.memory_space<semaphore_mem>>
      %dma_start3A = arith.constant 0 : i32
      %dma_start3A_10 = tpu.memref_slice %arg3[%mul3A_2, %dma_start3A] : memref<160x1000xi32, #tpu.memory_space<hbm>> -> memref<5x1000xi32, #tpu.memory_space<hbm>>
      %dma_start3A_11 = arith.constant 0 : i32
      %dma_start3A_12 = tpu.memref_slice %arg3[%mul3A_2, %dma_start3A_11] : memref<160x1000xi32, #tpu.memory_space<hbm>> -> memref<5x1000xi32, #tpu.memory_space<hbm>>
      tpu.enqueue_dma source(%dma_start3A_12 : memref<5x1000xi32, #tpu.memory_space<hbm>>) target(%arg5 : memref<5x1000xi32, #tpu.memory_space<vmem>>) target_semaphore(%run_scoped3A : memref<!tpu.dma_semaphore, #tpu.memory_space<semaphore_mem>>)
      %dma_wait3A = arith.constant 0 : i32
      %dma_wait3A_13 = tpu.memref_slice %arg3[%mul3A_2, %dma_wait3A] : memref<160x1000xi32, #tpu.memory_space<hbm>> -> memref<5x1000xi32, #tpu.memory_space<hbm>>
      %dma_wait3A_14 = arith.constant 0 : i32
      %dma_wait3A_15 = tpu.memref_slice %arg3[%mul3A_2, %dma_wait3A_14] : memref<160x1000xi32, #tpu.memory_space<hbm>> -> memref<5x1000xi32, #tpu.memory_space<hbm>>
      tpu.wait_dma2 semaphore(%run_scoped3A : memref<!tpu.dma_semaphore, #tpu.memory_space<semaphore_mem>>) src(%dma_wait3A_15 : memref<5x1000xi32, #tpu.memory_space<hbm>>) dst(%arg5 : memref<5x1000xi32, #tpu.memory_space<vmem>>)
      tpu.yield
    }) : () -> ()
    %scan3A = arith.constant 0 : i32
    %scan3A_3 = arith.constant 0 : i32
    %scan3A_4 = arith.constant 5 : i32
    %scan3A_5 = arith.addi %scan3A_3, %scan3A_4 : i32
    %scan3A_6 = arith.constant 1 : i32
    scf.for %scan3A_10 = %scan3A_3 to %scan3A_5 step %scan3A_6  : i32 {
      %mul3A_11 = arith.constant 1000 : i32
      %mul3A_12 = arith.muli %scan3A_10, %mul3A_11 : i32
      %dma_start3A = arith.constant 0 : i32
      %dma_start3A_13 = tpu.memref_slice %arg6[%mul3A_12, %dma_start3A] : memref<5000x16xf32, #tpu.memory_space<vmem>> -> memref<1000x16xf32, #tpu.memory_space<vmem>>
      %dma_start3A_14 = arith.constant 0 : i32
      %dma_start3A_15 = tpu.memref_slice %arg5[%scan3A_10, %dma_start3A_14] : memref<5x1000xi32, #tpu.memory_space<vmem>> -> memref<1x1000xi32, #tpu.memory_space<vmem>>
      %dma_start3A_16 = tpu.memref_squeeze %dma_start3A_15 : memref<1x1000xi32, #tpu.memory_space<vmem>> -> memref<1000xi32, #tpu.memory_space<vmem>>
      %dma_start3A_17 = arith.constant 0 : i32
      %dma_start3A_18 = arith.constant 0 : i32
      %dma_start3A_19 = tpu.memref_slice %arg2[%dma_start3A_17, %dma_start3A_18] : memref<10000x16xf32, #tpu.memory_space<hbm>> -> memref<10000x16xf32, #tpu.memory_space<hbm>>
      tpu.enqueue_indirect_dma source(%dma_start3A_19 : memref<10000x16xf32, #tpu.memory_space<hbm>>) target(%dma_start3A_13 : memref<1000x16xf32, #tpu.memory_space<vmem>>) offsets(%dma_start3A_16 : memref<1000xi32, #tpu.memory_space<vmem>>) semaphore(%arg7 : memref<!tpu.dma_semaphore, #tpu.memory_space<semaphore_mem>>)
      %dma_wait3A = arith.constant 0 : i32
      %dma_wait3A_20 = tpu.memref_slice %arg6[%mul3A_12, %dma_wait3A] : memref<5000x16xf32, #tpu.memory_space<vmem>> -> memref<1000x16xf32, #tpu.memory_space<vmem>>
      %dma_wait3A_21 = arith.constant 0 : i32
      %dma_wait3A_22 = tpu.memref_slice %arg5[%scan3A_10, %dma_wait3A_21] : memref<5x1000xi32, #tpu.memory_space<vmem>> -> memref<1x1000xi32, #tpu.memory_space<vmem>>
      %dma_wait3A_23 = tpu.memref_squeeze %dma_wait3A_22 : memref<1x1000xi32, #tpu.memory_space<vmem>> -> memref<1000xi32, #tpu.memory_space<vmem>>
      %dma_wait3A_24 = arith.constant 0 : i32
      %dma_wait3A_25 = arith.constant 0 : i32
      %dma_wait3A_26 = tpu.memref_slice %arg2[%dma_wait3A_24, %dma_wait3A_25] : memref<10000x16xf32, #tpu.memory_space<hbm>> -> memref<10000x16xf32, #tpu.memory_space<hbm>>
      tpu.wait_indirect_dma semaphore(%arg7 : memref<!tpu.dma_semaphore, #tpu.memory_space<semaphore_mem>>) src(%dma_wait3A_26 : memref<10000x16xf32, #tpu.memory_space<hbm>>) dst(%dma_wait3A_20 : memref<1000x16xf32, #tpu.memory_space<vmem>>)
    }
    %scan3A_7 = arith.constant 5 : i32
    %mul3A_8 = arith.constant 5000 : i32
    %mul3A_9 = arith.muli %add3A, %mul3A_8 : i32
    "tpu.region"() ({
      %run_scoped3A = tpu.sem_alloc : memref<!tpu.dma_semaphore, #tpu.memory_space<semaphore_mem>>
      %dma_start3A = arith.constant 0 : i32
      %dma_start3A_10 = tpu.memref_slice %arg4[%mul3A_9, %dma_start3A] : memref<160000x16xf32, #tpu.memory_space<hbm>> -> memref<5000x16xf32, #tpu.memory_space<hbm>>
      %dma_start3A_11 = arith.constant 0 : i32
      %dma_start3A_12 = tpu.memref_slice %arg4[%mul3A_9, %dma_start3A_11] : memref<160000x16xf32, #tpu.memory_space<hbm>> -> memref<5000x16xf32, #tpu.memory_space<hbm>>
      tpu.enqueue_dma source(%arg6 : memref<5000x16xf32, #tpu.memory_space<vmem>>) target(%dma_start3A_12 : memref<5000x16xf32, #tpu.memory_space<hbm>>) target_semaphore(%run_scoped3A : memref<!tpu.dma_semaphore, #tpu.memory_space<semaphore_mem>>)
      %dma_wait3A = arith.constant 0 : i32
      %dma_wait3A_13 = tpu.memref_slice %arg4[%mul3A_9, %dma_wait3A] : memref<160000x16xf32, #tpu.memory_space<hbm>> -> memref<5000x16xf32, #tpu.memory_space<hbm>>
      %dma_wait3A_14 = arith.constant 0 : i32
      %dma_wait3A_15 = tpu.memref_slice %arg4[%mul3A_9, %dma_wait3A_14] : memref<160000x16xf32, #tpu.memory_space<hbm>> -> memref<5000x16xf32, #tpu.memory_space<hbm>>
      tpu.wait_dma2 semaphore(%run_scoped3A : memref<!tpu.dma_semaphore, #tpu.memory_space<semaphore_mem>>) src(%arg6 : memref<5000x16xf32, #tpu.memory_space<vmem>>) dst(%dma_wait3A_15 : memref<5000x16xf32, #tpu.memory_space<hbm>>)
      tpu.yield
    }) : () -> ()
    return
  }
}

#map = affine_map<(d0, d1) -> (0, 0)>
module attributes {stable_mosaic.version = 14 : i64} {
  func.func @_gather_body(%arg0: i32, %arg1: i32, %arg2: memref<10000x16xf32, #tpu.memory_space<hbm>>, %arg3: memref<160x1000xi32, #tpu.memory_space<hbm>>, %arg4: memref<160000x16xf32, #tpu.memory_space<hbm>>, %arg5: memref<5x1000xi32, #tpu.memory_space<vmem>>, %arg6: memref<5000x16xf32, #tpu.memory_space<vmem>>, %arg7: memref<!tpu.dma_semaphore, #tpu.memory_space<semaphore_mem>>) attributes {dimension_semantics = [#tpu.dimension_semantics<core_parallel>, #tpu.dimension_semantics<subcore_parallel>], iteration_bounds = array<i64: 2, 16>, scalar_prefetch = 0 : i64, scratch_operands = 3 : i64, tpu.core_type = #tpu.core_type<sc_vector_subcore>, window_params = [{transform_indices = #map}, {transform_indices = #map}, {transform_indices = #map}]} {
    %mul3A = arith.constant 2 : i32
    %mul3A_0 = arith.muli %arg1, %mul3A : i32
    %add3A = arith.addi %mul3A_0, %arg0 : i32
    %mul3A_1 = arith.constant 5 : i32
    %mul3A_2 = arith.muli %add3A, %mul3A_1 : i32
    "tpu.region"() ({
      %run_scoped3A = tpu.sem_alloc : memref<!tpu.dma_semaphore, #tpu.memory_space<semaphore_mem>>
      %dma_start3A = arith.constant 0 : i32
      %dma_start3A_10 = tpu.memref_slice %arg3[%mul3A_2, %dma_start3A] : memref<160x1000xi32, #tpu.memory_space<hbm>> -> memref<5x1000xi32, #tpu.memory_space<hbm>>
      %dma_start3A_11 = arith.constant 0 : i32
      %dma_start3A_12 = tpu.memref_slice %arg3[%mul3A_2, %dma_start3A_11] : memref<160x1000xi32, #tpu.memory_space<hbm>> -> memref<5x1000xi32, #tpu.memory_space<hbm>>
      tpu.enqueue_dma source(%dma_start3A_12 : memref<5x1000xi32, #tpu.memory_space<hbm>>) target(%arg5 : memref<5x1000xi32, #tpu.memory_space<vmem>>) target_semaphore(%run_scoped3A : memref<!tpu.dma_semaphore, #tpu.memory_space<semaphore_mem>>)
      %dma_wait3A = arith.constant 0 : i32
      %dma_wait3A_13 = tpu.memref_slice %arg3[%mul3A_2, %dma_wait3A] : memref<160x1000xi32, #tpu.memory_space<hbm>> -> memref<5x1000xi32, #tpu.memory_space<hbm>>
      %dma_wait3A_14 = arith.constant 0 : i32
      %dma_wait3A_15 = tpu.memref_slice %arg3[%mul3A_2, %dma_wait3A_14] : memref<160x1000xi32, #tpu.memory_space<hbm>> -> memref<5x1000xi32, #tpu.memory_space<hbm>>
      tpu.wait_dma2 semaphore(%run_scoped3A : memref<!tpu.dma_semaphore, #tpu.memory_space<semaphore_mem>>) src(%dma_wait3A_15 : memref<5x1000xi32, #tpu.memory_space<hbm>>) dst(%arg5 : memref<5x1000xi32, #tpu.memory_space<vmem>>)
      tpu.yield
    }) : () -> ()
    %scan3A = arith.constant 0 : i32
    %scan3A_3 = arith.constant 0 : i32
    %scan3A_4 = arith.constant 5 : i32
    %scan3A_5 = arith.addi %scan3A_3, %scan3A_4 : i32
    %scan3A_6 = arith.constant 1 : i32
    scf.for %scan3A_10 = %scan3A_3 to %scan3A_5 step %scan3A_6  : i32 {
      %mul3A_11 = arith.constant 1000 : i32
      %mul3A_12 = arith.muli %scan3A_10, %mul3A_11 : i32
      %dma_start3A = arith.constant 0 : i32
      %dma_start3A_13 = tpu.memref_slice %arg6[%mul3A_12, %dma_start3A] : memref<5000x16xf32, #tpu.memory_space<vmem>> -> memref<1000x16xf32, #tpu.memory_space<vmem>>
      %dma_start3A_14 = arith.constant 0 : i32
      %dma_start3A_15 = tpu.memref_slice %arg5[%scan3A_10, %dma_start3A_14] : memref<5x1000xi32, #tpu.memory_space<vmem>> -> memref<1x1000xi32, #tpu.memory_space<vmem>>
      %dma_start3A_16 = tpu.memref_squeeze %dma_start3A_15 : memref<1x1000xi32, #tpu.memory_space<vmem>> -> memref<1000xi32, #tpu.memory_space<vmem>>
      %dma_start3A_17 = arith.constant 0 : i32
      %dma_start3A_18 = arith.constant 0 : i32
      %dma_start3A_19 = tpu.memref_slice %arg2[%dma_start3A_17, %dma_start3A_18] : memref<10000x16xf32, #tpu.memory_space<hbm>> -> memref<10000x16xf32, #tpu.memory_space<hbm>>
      tpu.enqueue_indirect_dma source(%dma_start3A_19 : memref<10000x16xf32, #tpu.memory_space<hbm>>) target(%dma_start3A_13 : memref<1000x16xf32, #tpu.memory_space<vmem>>) offsets(%dma_start3A_16 : memref<1000xi32, #tpu.memory_space<vmem>>) semaphore(%arg7 : memref<!tpu.dma_semaphore, #tpu.memory_space<semaphore_mem>>)
      %dma_wait3A = arith.constant 0 : i32
      %dma_wait3A_20 = tpu.memref_slice %arg6[%mul3A_12, %dma_wait3A] : memref<5000x16xf32, #tpu.memory_space<vmem>> -> memref<1000x16xf32, #tpu.memory_space<vmem>>
      %dma_wait3A_21 = arith.constant 0 : i32
      %dma_wait3A_22 = tpu.memref_slice %arg5[%scan3A_10, %dma_wait3A_21] : memref<5x1000xi32, #tpu.memory_space<vmem>> -> memref<1x1000xi32, #tpu.memory_space<vmem>>
      %dma_wait3A_23 = tpu.memref_squeeze %dma_wait3A_22 : memref<1x1000xi32, #tpu.memory_space<vmem>> -> memref<1000xi32, #tpu.memory_space<vmem>>
      %dma_wait3A_24 = arith.constant 0 : i32
      %dma_wait3A_25 = arith.constant 0 : i32
      %dma_wait3A_26 = tpu.memref_slice %arg2[%dma_wait3A_24, %dma_wait3A_25] : memref<10000x16xf32, #tpu.memory_space<hbm>> -> memref<10000x16xf32, #tpu.memory_space<hbm>>
      tpu.wait_indirect_dma semaphore(%arg7 : memref<!tpu.dma_semaphore, #tpu.memory_space<semaphore_mem>>) src(%dma_wait3A_26 : memref<10000x16xf32, #tpu.memory_space<hbm>>) dst(%dma_wait3A_20 : memref<1000x16xf32, #tpu.memory_space<vmem>>)
    }
    %scan3A_7 = arith.constant 5 : i32
    %mul3A_8 = arith.constant 5000 : i32
    %mul3A_9 = arith.muli %add3A, %mul3A_8 : i32
    "tpu.region"() ({
      %run_scoped3A = tpu.sem_alloc : memref<!tpu.dma_semaphore, #tpu.memory_space<semaphore_mem>>
      %dma_start3A = arith.constant 0 : i32
      %dma_start3A_10 = tpu.memref_slice %arg4[%mul3A_9, %dma_start3A] : memref<160000x16xf32, #tpu.memory_space<hbm>> -> memref<5000x16xf32, #tpu.memory_space<hbm>>
      %dma_start3A_11 = arith.constant 0 : i32
      %dma_start3A_12 = tpu.memref_slice %arg4[%mul3A_9, %dma_start3A_11] : memref<160000x16xf32, #tpu.memory_space<hbm>> -> memref<5000x16xf32, #tpu.memory_space<hbm>>
      tpu.enqueue_dma source(%arg6 : memref<5000x16xf32, #tpu.memory_space<vmem>>) target(%dma_start3A_12 : memref<5000x16xf32, #tpu.memory_space<hbm>>) target_semaphore(%run_scoped3A : memref<!tpu.dma_semaphore, #tpu.memory_space<semaphore_mem>>)
      %dma_wait3A = arith.constant 0 : i32
      %dma_wait3A_13 = tpu.memref_slice %arg4[%mul3A_9, %dma_wait3A] : memref<160000x16xf32, #tpu.memory_space<hbm>> -> memref<5000x16xf32, #tpu.memory_space<hbm>>
      %dma_wait3A_14 = arith.constant 0 : i32
      %dma_wait3A_15 = tpu.memref_slice %arg4[%mul3A_9, %dma_wait3A_14] : memref<160000x16xf32, #tpu.memory_space<hbm>> -> memref<5000x16xf32, #tpu.memory_space<hbm>>
      tpu.wait_dma2 semaphore(%run_scoped3A : memref<!tpu.dma_semaphore, #tpu.memory_space<semaphore_mem>>) src(%arg6 : memref<5000x16xf32, #tpu.memory_space<vmem>>) dst(%dma_wait3A_15 : memref<5000x16xf32, #tpu.memory_space<hbm>>)
      tpu.yield
    }) : () -> ()
    return
  }
}

#map = affine_map<(d0, d1) -> (0, 0)>
#map1 = affine_map<(d0, d1) -> (0, 0, 0)>
module attributes {stable_mosaic.version = 14 : i64} {
  func.func @_scatter_body(%arg0: i32, %arg1: i32, %arg2: memref<160000x16xf32, #tpu.memory_space<hbm>>, %arg3: memref<160x1000xi32, #tpu.memory_space<hbm>>, %arg4: memref<10000x16xf32, #tpu.memory_space<hbm>>, %arg5: memref<2x10000x16xf32, #tpu.memory_space<hbm>>, %arg6: memref<5x1000xi32, #tpu.memory_space<vmem>>, %arg7: memref<5000x16xf32, #tpu.memory_space<vmem>>, %arg8: memref<10000x16xf32, #tpu.memory_space<vmem_shared>>, %arg9: memref<!tpu.dma_semaphore, #tpu.memory_space<semaphore_mem>>) attributes {dimension_semantics = [#tpu.dimension_semantics<core_parallel>, #tpu.dimension_semantics<subcore_parallel>], iteration_bounds = array<i64: 2, 16>, scalar_prefetch = 0 : i64, scratch_operands = 4 : i64, tpu.core_type = #tpu.core_type<sc_vector_subcore>, window_params = [{transform_indices = #map}, {transform_indices = #map}, {transform_indices = #map}, {transform_indices = #map1}]} {
    %mul3A = arith.constant 2 : i32
    %mul3A_0 = arith.muli %arg1, %mul3A : i32
    %add3A = arith.addi %mul3A_0, %arg0 : i32
    %mul3A_1 = arith.constant 625 : i32
    %mul3A_2 = arith.muli %arg1, %mul3A_1 : i32
    %mul3A_3 = arith.constant 625 : i32
    %mul3A_4 = arith.muli %arg1, %mul3A_3 : i32
    "tpu.region"() ({
      %run_scoped3A = tpu.sem_alloc : memref<!tpu.dma_semaphore, #tpu.memory_space<semaphore_mem>>
      %dma_start3A = arith.constant 0 : i32
      %dma_start3A_19 = tpu.memref_slice %arg8[%mul3A_4, %dma_start3A] : memref<10000x16xf32, #tpu.memory_space<vmem_shared>> -> memref<625x16xf32, #tpu.memory_space<vmem_shared>>
      %dma_start3A_20 = arith.constant 0 : i32
      %dma_start3A_21 = tpu.memref_slice %arg4[%mul3A_2, %dma_start3A_20] : memref<10000x16xf32, #tpu.memory_space<hbm>> -> memref<625x16xf32, #tpu.memory_space<hbm>>
      tpu.enqueue_dma source(%dma_start3A_21 : memref<625x16xf32, #tpu.memory_space<hbm>>) target(%dma_start3A_19 : memref<625x16xf32, #tpu.memory_space<vmem_shared>>) target_semaphore(%run_scoped3A : memref<!tpu.dma_semaphore, #tpu.memory_space<semaphore_mem>>)
      %dma_wait3A = arith.constant 0 : i32
      %dma_wait3A_22 = tpu.memref_slice %arg8[%mul3A_4, %dma_wait3A] : memref<10000x16xf32, #tpu.memory_space<vmem_shared>> -> memref<625x16xf32, #tpu.memory_space<vmem_shared>>
      %dma_wait3A_23 = arith.constant 0 : i32
      %dma_wait3A_24 = tpu.memref_slice %arg4[%mul3A_2, %dma_wait3A_23] : memref<10000x16xf32, #tpu.memory_space<hbm>> -> memref<625x16xf32, #tpu.memory_space<hbm>>
      tpu.wait_dma2 semaphore(%run_scoped3A : memref<!tpu.dma_semaphore, #tpu.memory_space<semaphore_mem>>) src(%dma_wait3A_24 : memref<625x16xf32, #tpu.memory_space<hbm>>) dst(%dma_wait3A_22 : memref<625x16xf32, #tpu.memory_space<vmem_shared>>)
      tpu.yield
    }) : () -> ()
    %mul3A_5 = arith.constant 5 : i32
    %mul3A_6 = arith.muli %add3A, %mul3A_5 : i32
    "tpu.region"() ({
      %run_scoped3A = tpu.sem_alloc : memref<!tpu.dma_semaphore, #tpu.memory_space<semaphore_mem>>
      %dma_start3A = arith.constant 0 : i32
      %dma_start3A_19 = tpu.memref_slice %arg3[%mul3A_6, %dma_start3A] : memref<160x1000xi32, #tpu.memory_space<hbm>> -> memref<5x1000xi32, #tpu.memory_space<hbm>>
      %dma_start3A_20 = arith.constant 0 : i32
      %dma_start3A_21 = tpu.memref_slice %arg3[%mul3A_6, %dma_start3A_20] : memref<160x1000xi32, #tpu.memory_space<hbm>> -> memref<5x1000xi32, #tpu.memory_space<hbm>>
      tpu.enqueue_dma source(%dma_start3A_21 : memref<5x1000xi32, #tpu.memory_space<hbm>>) target(%arg6 : memref<5x1000xi32, #tpu.memory_space<vmem>>) target_semaphore(%run_scoped3A : memref<!tpu.dma_semaphore, #tpu.memory_space<semaphore_mem>>)
      %dma_wait3A = arith.constant 0 : i32
      %dma_wait3A_22 = tpu.memref_slice %arg3[%mul3A_6, %dma_wait3A] : memref<160x1000xi32, #tpu.memory_space<hbm>> -> memref<5x1000xi32, #tpu.memory_space<hbm>>
      %dma_wait3A_23 = arith.constant 0 : i32
      %dma_wait3A_24 = tpu.memref_slice %arg3[%mul3A_6, %dma_wait3A_23] : memref<160x1000xi32, #tpu.memory_space<hbm>> -> memref<5x1000xi32, #tpu.memory_space<hbm>>
      tpu.wait_dma2 semaphore(%run_scoped3A : memref<!tpu.dma_semaphore, #tpu.memory_space<semaphore_mem>>) src(%dma_wait3A_24 : memref<5x1000xi32, #tpu.memory_space<hbm>>) dst(%arg6 : memref<5x1000xi32, #tpu.memory_space<vmem>>)
      tpu.yield
    }) : () -> ()
    %mul3A_7 = arith.constant 5000 : i32
    %mul3A_8 = arith.muli %add3A, %mul3A_7 : i32
    "tpu.region"() ({
      %run_scoped3A = tpu.sem_alloc : memref<!tpu.dma_semaphore, #tpu.memory_space<semaphore_mem>>
      %dma_start3A = arith.constant 0 : i32
      %dma_start3A_19 = tpu.memref_slice %arg2[%mul3A_8, %dma_start3A] : memref<160000x16xf32, #tpu.memory_space<hbm>> -> memref<5000x16xf32, #tpu.memory_space<hbm>>
      %dma_start3A_20 = arith.constant 0 : i32
      %dma_start3A_21 = tpu.memref_slice %arg2[%mul3A_8, %dma_start3A_20] : memref<160000x16xf32, #tpu.memory_space<hbm>> -> memref<5000x16xf32, #tpu.memory_space<hbm>>
      tpu.enqueue_dma source(%dma_start3A_21 : memref<5000x16xf32, #tpu.memory_space<hbm>>) target(%arg7 : memref<5000x16xf32, #tpu.memory_space<vmem>>) target_semaphore(%run_scoped3A : memref<!tpu.dma_semaphore, #tpu.memory_space<semaphore_mem>>)
      %dma_wait3A = arith.constant 0 : i32
      %dma_wait3A_22 = tpu.memref_slice %arg2[%mul3A_8, %dma_wait3A] : memref<160000x16xf32, #tpu.memory_space<hbm>> -> memref<5000x16xf32, #tpu.memory_space<hbm>>
      %dma_wait3A_23 = arith.constant 0 : i32
      %dma_wait3A_24 = tpu.memref_slice %arg2[%mul3A_8, %dma_wait3A_23] : memref<160000x16xf32, #tpu.memory_space<hbm>> -> memref<5000x16xf32, #tpu.memory_space<hbm>>
      tpu.wait_dma2 semaphore(%run_scoped3A : memref<!tpu.dma_semaphore, #tpu.memory_space<semaphore_mem>>) src(%dma_wait3A_24 : memref<5000x16xf32, #tpu.memory_space<hbm>>) dst(%arg7 : memref<5000x16xf32, #tpu.memory_space<vmem>>)
      tpu.yield
    }) : () -> ()
    %barrier3A = arith.constant 0 : index
    tpu.barrier barrier_id(%barrier3A)
    %scan3A = arith.constant 0 : i32
    %scan3A_9 = arith.constant 0 : i32
    %scan3A_10 = arith.constant 5 : i32
    %scan3A_11 = arith.addi %scan3A_9, %scan3A_10 : i32
    %scan3A_12 = arith.constant 1 : i32
    scf.for %scan3A_19 = %scan3A_9 to %scan3A_11 step %scan3A_12  : i32 {
      %mul3A_20 = arith.constant 1000 : i32
      %mul3A_21 = arith.muli %scan3A_19, %mul3A_20 : i32
      "tpu.region"() ({
        %run_scoped3A = tpu.sem_alloc : memref<!tpu.dma_semaphore, #tpu.memory_space<semaphore_mem>>
        %dma_start3A = arith.constant 0 : i32
        %dma_start3A_22 = tpu.memref_slice %arg7[%mul3A_21, %dma_start3A] : memref<5000x16xf32, #tpu.memory_space<vmem>> -> memref<1000x16xf32, #tpu.memory_space<vmem>>
        %dma_start3A_23 = arith.constant 0 : i32
        %dma_start3A_24 = tpu.memref_slice %arg6[%scan3A_19, %dma_start3A_23] : memref<5x1000xi32, #tpu.memory_space<vmem>> -> memref<1x1000xi32, #tpu.memory_space<vmem>>
        %dma_start3A_25 = tpu.memref_squeeze %dma_start3A_24 : memref<1x1000xi32, #tpu.memory_space<vmem>> -> memref<1000xi32, #tpu.memory_space<vmem>>
        %dma_start3A_26 = arith.constant 0 : i32
        %dma_start3A_27 = arith.constant 0 : i32
        %dma_start3A_28 = tpu.memref_slice %arg8[%dma_start3A_26, %dma_start3A_27] : memref<10000x16xf32, #tpu.memory_space<vmem_shared>> -> memref<10000x16xf32, #tpu.memory_space<vmem_shared>>
        tpu.enqueue_indirect_dma source(%dma_start3A_22 : memref<1000x16xf32, #tpu.memory_space<vmem>>) target(%dma_start3A_28 : memref<10000x16xf32, #tpu.memory_space<vmem_shared>>) offsets(%dma_start3A_25 : memref<1000xi32, #tpu.memory_space<vmem>>) semaphore(%run_scoped3A : memref<!tpu.dma_semaphore, #tpu.memory_space<semaphore_mem>>) {add = true}
        %dma_wait3A = arith.constant 0 : i32
        %dma_wait3A_29 = tpu.memref_slice %arg7[%mul3A_21, %dma_wait3A] : memref<5000x16xf32, #tpu.memory_space<vmem>> -> memref<1000x16xf32, #tpu.memory_space<vmem>>
        %dma_wait3A_30 = arith.constant 0 : i32
        %dma_wait3A_31 = tpu.memref_slice %arg6[%scan3A_19, %dma_wait3A_30] : memref<5x1000xi32, #tpu.memory_space<vmem>> -> memref<1x1000xi32, #tpu.memory_space<vmem>>
        %dma_wait3A_32 = tpu.memref_squeeze %dma_wait3A_31 : memref<1x1000xi32, #tpu.memory_space<vmem>> -> memref<1000xi32, #tpu.memory_space<vmem>>
        %dma_wait3A_33 = arith.constant 0 : i32
        %dma_wait3A_34 = arith.constant 0 : i32
        %dma_wait3A_35 = tpu.memref_slice %arg8[%dma_wait3A_33, %dma_wait3A_34] : memref<10000x16xf32, #tpu.memory_space<vmem_shared>> -> memref<10000x16xf32, #tpu.memory_space<vmem_shared>>
        tpu.wait_indirect_dma semaphore(%run_scoped3A : memref<!tpu.dma_semaphore, #tpu.memory_space<semaphore_mem>>) src(%dma_wait3A_29 : memref<1000x16xf32, #tpu.memory_space<vmem>>) dst(%dma_wait3A_35 : memref<10000x16xf32, #tpu.memory_space<vmem_shared>>)
        tpu.yield
      }) : () -> ()
    }
    %scan3A_13 = arith.constant 5 : i32
    %barrier3A_14 = arith.constant 0 : index
    tpu.barrier barrier_id(%barrier3A_14)
    %mul3A_15 = arith.constant 625 : i32
    %mul3A_16 = arith.muli %arg1, %mul3A_15 : i32
    %mul3A_17 = arith.constant 625 : i32
    %mul3A_18 = arith.muli %arg1, %mul3A_17 : i32
    "tpu.region"() ({
      %run_scoped3A = tpu.sem_alloc : memref<!tpu.dma_semaphore, #tpu.memory_space<semaphore_mem>>
      %dma_start3A = arith.constant 0 : i32
      %dma_start3A_19 = arith.constant 0 : i32
      %dma_start3A_20 = tpu.memref_slice %arg5[%arg0, %dma_start3A, %dma_start3A_19] : memref<2x10000x16xf32, #tpu.memory_space<hbm>> -> memref<1x10000x16xf32, #tpu.memory_space<hbm>>
      %dma_start3A_21 = tpu.memref_squeeze %dma_start3A_20 : memref<1x10000x16xf32, #tpu.memory_space<hbm>> -> memref<10000x16xf32, #tpu.memory_space<hbm>>
      %dma_start3A_22 = arith.constant 0 : i32
      %dma_start3A_23 = tpu.memref_slice %dma_start3A_21[%mul3A_18, %dma_start3A_22] : memref<10000x16xf32, #tpu.memory_space<hbm>> -> memref<625x16xf32, #tpu.memory_space<hbm>>
      %dma_start3A_24 = arith.constant 0 : i32
      %dma_start3A_25 = tpu.memref_slice %arg8[%mul3A_16, %dma_start3A_24] : memref<10000x16xf32, #tpu.memory_space<vmem_shared>> -> memref<625x16xf32, #tpu.memory_space<vmem_shared>>
      tpu.enqueue_dma source(%dma_start3A_25 : memref<625x16xf32, #tpu.memory_space<vmem_shared>>) target(%dma_start3A_23 : memref<625x16xf32, #tpu.memory_space<hbm>>) target_semaphore(%run_scoped3A : memref<!tpu.dma_semaphore, #tpu.memory_space<semaphore_mem>>)
      %dma_wait3A = arith.constant 0 : i32
      %dma_wait3A_26 = arith.constant 0 : i32
      %dma_wait3A_27 = tpu.memref_slice %arg5[%arg0, %dma_wait3A, %dma_wait3A_26] : memref<2x10000x16xf32, #tpu.memory_space<hbm>> -> memref<1x10000x16xf32, #tpu.memory_space<hbm>>
      %dma_wait3A_28 = tpu.memref_squeeze %dma_wait3A_27 : memref<1x10000x16xf32, #tpu.memory_space<hbm>> -> memref<10000x16xf32, #tpu.memory_space<hbm>>
      %dma_wait3A_29 = arith.constant 0 : i32
      %dma_wait3A_30 = tpu.memref_slice %dma_wait3A_28[%mul3A_18, %dma_wait3A_29] : memref<10000x16xf32, #tpu.memory_space<hbm>> -> memref<625x16xf32, #tpu.memory_space<hbm>>
      %dma_wait3A_31 = arith.constant 0 : i32
      %dma_wait3A_32 = tpu.memref_slice %arg8[%mul3A_16, %dma_wait3A_31] : memref<10000x16xf32, #tpu.memory_space<vmem_shared>> -> memref<625x16xf32, #tpu.memory_space<vmem_shared>>
      tpu.wait_dma2 semaphore(%run_scoped3A : memref<!tpu.dma_semaphore, #tpu.memory_space<semaphore_mem>>) src(%dma_wait3A_32 : memref<625x16xf32, #tpu.memory_space<vmem_shared>>) dst(%dma_wait3A_30 : memref<625x16xf32, #tpu.memory_space<hbm>>)
      tpu.yield
    }) : () -> ()
    return
  }
}

module attributes {stable_mosaic.version = 14 : i64} {
  func.func @_inproj_body(%arg0: i32, %arg1: memref<2000x128xf32, #tpu.memory_space<vmem>>, %arg2: memref<128x16xf32, #tpu.memory_space<vmem>>, %arg3: memref<1x16xf32, #tpu.memory_space<vmem>>, %arg4: memref<2000x16xf32, #tpu.memory_space<vmem>>) attributes {dimension_semantics = [#tpu.dimension_semantics<arbitrary>], iteration_bounds = array<i64: 5>, scalar_prefetch = 0 : i64, scratch_operands = 0 : i64, tpu.core_type = #tpu.core_type<tc>, window_params = [{transform_indices = @transform_0, window_bounds = array<i64: 2000, 128>}, {pipeline_mode = #tpu.pipeline_mode<synchronous>, transform_indices = @transform_1, window_bounds = array<i64: 128, 16>}, {pipeline_mode = #tpu.pipeline_mode<synchronous>, transform_indices = @transform_2, window_bounds = array<i64: 1, 16>}, {transform_indices = @transform_3, window_bounds = array<i64: 2000, 16>}]} {
    %get3A = arith.constant 0 : index
    %get3A_0 = arith.constant 0 : index
    %get3A_1 = vector.load %arg1[%get3A, %get3A_0] : memref<2000x128xf32, #tpu.memory_space<vmem>>, vector<2000x128xf32>
    %get3A_2 = arith.constant 0 : index
    %get3A_3 = arith.constant 0 : index
    %get3A_4 = vector.load %arg2[%get3A_2, %get3A_3] : memref<128x16xf32, #tpu.memory_space<vmem>>, vector<128x16xf32>
    %dot_general3A = arith.constant dense<0.000000e+00> : vector<2000x16xf32>
    %dot_general3A_5 = tpu.matmul %get3A_1, %get3A_4, %dot_general3A {dimension_numbers = #tpu.dot_dimension_numbers<[1], [0], [0], [1], [0, 0, 1, 1], [], []>, transpose_lhs_hint = false} : vector<2000x128xf32>, vector<128x16xf32>, vector<2000x16xf32> -> vector<2000x16xf32>
    %get3A_6 = arith.constant 0 : index
    %get3A_7 = arith.constant 0 : index
    %get3A_8 = vector.load %arg3[%get3A_6, %get3A_7] : memref<1x16xf32, #tpu.memory_space<vmem>>, vector<1x16xf32>
    %add3A = vector.broadcast %get3A_8 : vector<1x16xf32> to vector<2000x16xf32>
    %add3A_9 = arith.addf %dot_general3A_5, %add3A : vector<2000x16xf32>
    %swap3A = arith.constant 0 : index
    %swap3A_10 = arith.constant 0 : index
    %swap3A_11 = vector.load %arg4[%swap3A, %swap3A_10] : memref<2000x16xf32, #tpu.memory_space<vmem>>, vector<2000x16xf32>
    tpu.vector_store %arg4[%swap3A, %swap3A_10], %add3A_9 {strides = array<i32>} : memref<2000x16xf32, #tpu.memory_space<vmem>>, vector<2000x16xf32>,
    return
  }
  func.func @transform_0(%arg0: i32) -> (i32, i32) {
    %c0_i32 = arith.constant 0 : i32
    %c0_i32_0 = arith.constant 0 : i32
    return %arg0, %c0_i32 : i32, i32
  }
  func.func @transform_1(%arg0: i32) -> (i32, i32) {
    %c0_i32 = arith.constant 0 : i32
    %c0_i32_0 = arith.constant 0 : i32
    %c0_i32_1 = arith.constant 0 : i32
    return %c0_i32, %c0_i32_0 : i32, i32
  }
  func.func @transform_2(%arg0: i32) -> (i32, i32) {
    %c0_i32 = arith.constant 0 : i32
    %c0_i32_0 = arith.constant 0 : i32
    %c0_i32_1 = arith.constant 0 : i32
    return %c0_i32, %c0_i32_0 : i32, i32
  }
  func.func @transform_3(%arg0: i32) -> (i32, i32) {
    %c0_i32 = arith.constant 0 : i32
    %c0_i32_0 = arith.constant 0 : i32
    return %arg0, %c0_i32 : i32, i32
  }
}

module attributes {stable_mosaic.version = 14 : i64} {
  func.func @_msg_body(%arg0: i32, %arg1: memref<6400x17xf32, #tpu.memory_space<vmem>>, %arg2: memref<6400x16xf32, #tpu.memory_space<vmem>>, %arg3: memref<17x33xf32, #tpu.memory_space<vmem>>, %arg4: memref<33x256xf32, #tpu.memory_space<vmem>>, %arg5: memref<256x16xf32, #tpu.memory_space<vmem>>, %arg6: memref<16x256xf32, #tpu.memory_space<vmem>>, %arg7: memref<6400x16xf32, #tpu.memory_space<vmem>>) attributes {dimension_semantics = [#tpu.dimension_semantics<arbitrary>], iteration_bounds = array<i64: 25>, scalar_prefetch = 0 : i64, scratch_operands = 0 : i64, tpu.core_type = #tpu.core_type<tc>, window_params = [{transform_indices = @transform_0, window_bounds = array<i64: 6400, 17>}, {transform_indices = @transform_1, window_bounds = array<i64: 6400, 16>}, {pipeline_mode = #tpu.pipeline_mode<synchronous>, transform_indices = @transform_2, window_bounds = array<i64: 17, 33>}, {pipeline_mode = #tpu.pipeline_mode<synchronous>, transform_indices = @transform_3, window_bounds = array<i64: 33, 256>}, {pipeline_mode = #tpu.pipeline_mode<synchronous>, transform_indices = @transform_4, window_bounds = array<i64: 256, 16>}, {pipeline_mode = #tpu.pipeline_mode<synchronous>, transform_indices = @transform_5, window_bounds = array<i64: 16, 256>}, {transform_indices = @transform_6, window_bounds = array<i64: 6400, 16>}]} {
    %get3A = arith.constant 0 : index
    %get3A_0 = arith.constant 0 : index
    %get3A_1 = vector.load %arg3[%get3A, %get3A_0] : memref<17x33xf32, #tpu.memory_space<vmem>>, vector<17x33xf32>
    %get3A_2 = arith.constant 0 : index
    %get3A_3 = arith.constant 0 : index
    %get3A_4 = vector.load %arg4[%get3A_2, %get3A_3] : memref<33x256xf32, #tpu.memory_space<vmem>>, vector<33x256xf32>
    %get3A_5 = arith.constant 0 : index
    %get3A_6 = arith.constant 0 : index
    %get3A_7 = vector.load %arg5[%get3A_5, %get3A_6] : memref<256x16xf32, #tpu.memory_space<vmem>>, vector<256x16xf32>
    %get3A_8 = arith.constant 0 : index
    %get3A_9 = arith.constant 0 : index
    %get3A_10 = vector.load %arg6[%get3A_8, %get3A_9] : memref<16x256xf32, #tpu.memory_space<vmem>>, vector<16x256xf32>
    %get3A_11 = arith.constant 0 : index
    %get3A_12 = arith.constant 0 : index
    %get3A_13 = vector.load %arg1[%get3A_11, %get3A_12] : memref<6400x17xf32, #tpu.memory_space<vmem>>, vector<1600x17xf32>
    %get3A_14 = arith.constant 0 : index
    %get3A_15 = arith.constant 0 : index
    %get3A_16 = vector.load %arg2[%get3A_14, %get3A_15] : memref<6400x16xf32, #tpu.memory_space<vmem>>, vector<1600x16xf32>
    %dot_general3A = arith.constant dense<0.000000e+00> : vector<1600x33xf32>
    %dot_general3A_17 = tpu.matmul %get3A_13, %get3A_1, %dot_general3A {dimension_numbers = #tpu.dot_dimension_numbers<[1], [0], [0], [1], [0, 0, 1, 1], [], []>, transpose_lhs_hint = false} : vector<1600x17xf32>, vector<17x33xf32>, vector<1600x33xf32> -> vector<1600x33xf32>
    %max3A = arith.constant 0.000000e+00 : f32
    %max3A_18 = vector.broadcast %max3A : f32 to vector<1600x33xf32>
    %max3A_19 = arith.maximumf %dot_general3A_17, %max3A_18 : vector<1600x33xf32>
    %dot_general3A_20 = arith.constant dense<0.000000e+00> : vector<1600x256xf32>
    %dot_general3A_21 = tpu.matmul %max3A_19, %get3A_4, %dot_general3A_20 {dimension_numbers = #tpu.dot_dimension_numbers<[1], [0], [0], [1], [0, 0, 1, 1], [], []>, transpose_lhs_hint = false} : vector<1600x33xf32>, vector<33x256xf32>, vector<1600x256xf32> -> vector<1600x256xf32>
    %dot_general3A_22 = arith.constant dense<0.000000e+00> : vector<1600x256xf32>
    %dot_general3A_23 = tpu.matmul %get3A_16, %get3A_10, %dot_general3A_22 {dimension_numbers = #tpu.dot_dimension_numbers<[1], [0], [0], [1], [0, 0, 1, 1], [], []>, transpose_lhs_hint = false} : vector<1600x16xf32>, vector<16x256xf32>, vector<1600x256xf32> -> vector<1600x256xf32>
    %mul3A = arith.mulf %dot_general3A_21, %dot_general3A_23 : vector<1600x256xf32>
    %dot_general3A_24 = arith.constant dense<0.000000e+00> : vector<1600x16xf32>
    %dot_general3A_25 = tpu.matmul %mul3A, %get3A_7, %dot_general3A_24 {dimension_numbers = #tpu.dot_dimension_numbers<[1], [0], [0], [1], [0, 0, 1, 1], [], []>, transpose_lhs_hint = false} : vector<1600x256xf32>, vector<256x16xf32>, vector<1600x16xf32> -> vector<1600x16xf32>
    %swap3A = arith.constant 0 : index
    %swap3A_26 = arith.constant 0 : index
    %swap3A_27 = vector.load %arg7[%swap3A, %swap3A_26] : memref<6400x16xf32, #tpu.memory_space<vmem>>, vector<1600x16xf32>
    tpu.vector_store %arg7[%swap3A, %swap3A_26], %dot_general3A_25 {strides = array<i32>} : memref<6400x16xf32, #tpu.memory_space<vmem>>, vector<1600x16xf32>,
    %get3A_28 = arith.constant 1600 : index
    %get3A_29 = arith.constant 0 : index
    %get3A_30 = vector.load %arg1[%get3A_28, %get3A_29] : memref<6400x17xf32, #tpu.memory_space<vmem>>, vector<1600x17xf32>
    %get3A_31 = arith.constant 1600 : index
    %get3A_32 = arith.constant 0 : index
    %get3A_33 = vector.load %arg2[%get3A_31, %get3A_32] : memref<6400x16xf32, #tpu.memory_space<vmem>>, vector<1600x16xf32>
    %dot_general3A_34 = arith.constant dense<0.000000e+00> : vector<1600x33xf32>
    %dot_general3A_35 = tpu.matmul %get3A_30, %get3A_1, %dot_general3A_34 {dimension_numbers = #tpu.dot_dimension_numbers<[1], [0], [0], [1], [0, 0, 1, 1], [], []>, transpose_lhs_hint = false} : vector<1600x17xf32>, vector<17x33xf32>, vector<1600x33xf32> -> vector<1600x33xf32>
    %max3A_36 = arith.constant 0.000000e+00 : f32
    %max3A_37 = vector.broadcast %max3A_36 : f32 to vector<1600x33xf32>
    %max3A_38 = arith.maximumf %dot_general3A_35, %max3A_37 : vector<1600x33xf32>
    %dot_general3A_39 = arith.constant dense<0.000000e+00> : vector<1600x256xf32>
    %dot_general3A_40 = tpu.matmul %max3A_38, %get3A_4, %dot_general3A_39 {dimension_numbers = #tpu.dot_dimension_numbers<[1], [0], [0], [1], [0, 0, 1, 1], [], []>, transpose_lhs_hint = false} : vector<1600x33xf32>, vector<33x256xf32>, vector<1600x256xf32> -> vector<1600x256xf32>
    %dot_general3A_41 = arith.constant dense<0.000000e+00> : vector<1600x256xf32>
    %dot_general3A_42 = tpu.matmul %get3A_33, %get3A_10, %dot_general3A_41 {dimension_numbers = #tpu.dot_dimension_numbers<[1], [0], [0], [1], [0, 0, 1, 1], [], []>, transpose_lhs_hint = false} : vector<1600x16xf32>, vector<16x256xf32>, vector<1600x256xf32> -> vector<1600x256xf32>
    %mul3A_43 = arith.mulf %dot_general3A_40, %dot_general3A_42 : vector<1600x256xf32>
    %dot_general3A_44 = arith.constant dense<0.000000e+00> : vector<1600x16xf32>
    %dot_general3A_45 = tpu.matmul %mul3A_43, %get3A_7, %dot_general3A_44 {dimension_numbers = #tpu.dot_dimension_numbers<[1], [0], [0], [1], [0, 0, 1, 1], [], []>, transpose_lhs_hint = false} : vector<1600x256xf32>, vector<256x16xf32>, vector<1600x16xf32> -> vector<1600x16xf32>
    %swap3A_46 = arith.constant 1600 : index
    %swap3A_47 = arith.constant 0 : index
    %swap3A_48 = vector.load %arg7[%swap3A_46, %swap3A_47] : memref<6400x16xf32, #tpu.memory_space<vmem>>, vector<1600x16xf32>
    tpu.vector_store %arg7[%swap3A_46, %swap3A_47], %dot_general3A_45 {strides = array<i32>} : memref<6400x16xf32, #tpu.memory_space<vmem>>, vector<1600x16xf32>,
    %get3A_49 = arith.constant 3200 : index
    %get3A_50 = arith.constant 0 : index
    %get3A_51 = vector.load %arg1[%get3A_49, %get3A_50] : memref<6400x17xf32, #tpu.memory_space<vmem>>, vector<1600x17xf32>
    %get3A_52 = arith.constant 3200 : index
    %get3A_53 = arith.constant 0 : index
    %get3A_54 = vector.load %arg2[%get3A_52, %get3A_53] : memref<6400x16xf32, #tpu.memory_space<vmem>>, vector<1600x16xf32>
    %dot_general3A_55 = arith.constant dense<0.000000e+00> : vector<1600x33xf32>
    %dot_general3A_56 = tpu.matmul %get3A_51, %get3A_1, %dot_general3A_55 {dimension_numbers = #tpu.dot_dimension_numbers<[1], [0], [0], [1], [0, 0, 1, 1], [], []>, transpose_lhs_hint = false} : vector<1600x17xf32>, vector<17x33xf32>, vector<1600x33xf32> -> vector<1600x33xf32>
    %max3A_57 = arith.constant 0.000000e+00 : f32
    %max3A_58 = vector.broadcast %max3A_57 : f32 to vector<1600x33xf32>
    %max3A_59 = arith.maximumf %dot_general3A_56, %max3A_58 : vector<1600x33xf32>
    %dot_general3A_60 = arith.constant dense<0.000000e+00> : vector<1600x256xf32>
    %dot_general3A_61 = tpu.matmul %max3A_59, %get3A_4, %dot_general3A_60 {dimension_numbers = #tpu.dot_dimension_numbers<[1], [0], [0], [1], [0, 0, 1, 1], [], []>, transpose_lhs_hint = false} : vector<1600x33xf32>, vector<33x256xf32>, vector<1600x256xf32> -> vector<1600x256xf32>
    %dot_general3A_62 = arith.constant dense<0.000000e+00> : vector<1600x256xf32>
    %dot_general3A_63 = tpu.matmul %get3A_54, %get3A_10, %dot_general3A_62 {dimension_numbers = #tpu.dot_dimension_numbers<[1], [0], [0], [1], [0, 0, 1, 1], [], []>, transpose_lhs_hint = false} : vector<1600x16xf32>, vector<16x256xf32>, vector<1600x256xf32> -> vector<1600x256xf32>
    %mul3A_64 = arith.mulf %dot_general3A_61, %dot_general3A_63 : vector<1600x256xf32>
    %dot_general3A_65 = arith.constant dense<0.000000e+00> : vector<1600x16xf32>
    %dot_general3A_66 = tpu.matmul %mul3A_64, %get3A_7, %dot_general3A_65 {dimension_numbers = #tpu.dot_dimension_numbers<[1], [0], [0], [1], [0, 0, 1, 1], [], []>, transpose_lhs_hint = false} : vector<1600x256xf32>, vector<256x16xf32>, vector<1600x16xf32> -> vector<1600x16xf32>
    %swap3A_67 = arith.constant 3200 : index
    %swap3A_68 = arith.constant 0 : index
    %swap3A_69 = vector.load %arg7[%swap3A_67, %swap3A_68] : memref<6400x16xf32, #tpu.memory_space<vmem>>, vector<1600x16xf32>
    tpu.vector_store %arg7[%swap3A_67, %swap3A_68], %dot_general3A_66 {strides = array<i32>} : memref<6400x16xf32, #tpu.memory_space<vmem>>, vector<1600x16xf32>,
    %get3A_70 = arith.constant 4800 : index
    %get3A_71 = arith.constant 0 : index
    %get3A_72 = vector.load %arg1[%get3A_70, %get3A_71] : memref<6400x17xf32, #tpu.memory_space<vmem>>, vector<1600x17xf32>
    %get3A_73 = arith.constant 4800 : index
    %get3A_74 = arith.constant 0 : index
    %get3A_75 = vector.load %arg2[%get3A_73, %get3A_74] : memref<6400x16xf32, #tpu.memory_space<vmem>>, vector<1600x16xf32>
    %dot_general3A_76 = arith.constant dense<0.000000e+00> : vector<1600x33xf32>
    %dot_general3A_77 = tpu.matmul %get3A_72, %get3A_1, %dot_general3A_76 {dimension_numbers = #tpu.dot_dimension_numbers<[1], [0], [0], [1], [0, 0, 1, 1], [], []>, transpose_lhs_hint = false} : vector<1600x17xf32>, vector<17x33xf32>, vector<1600x33xf32> -> vector<1600x33xf32>
    %max3A_78 = arith.constant 0.000000e+00 : f32
    %max3A_79 = vector.broadcast %max3A_78 : f32 to vector<1600x33xf32>
    %max3A_80 = arith.maximumf %dot_general3A_77, %max3A_79 : vector<1600x33xf32>
    %dot_general3A_81 = arith.constant dense<0.000000e+00> : vector<1600x256xf32>
    %dot_general3A_82 = tpu.matmul %max3A_80, %get3A_4, %dot_general3A_81 {dimension_numbers = #tpu.dot_dimension_numbers<[1], [0], [0], [1], [0, 0, 1, 1], [], []>, transpose_lhs_hint = false} : vector<1600x33xf32>, vector<33x256xf32>, vector<1600x256xf32> -> vector<1600x256xf32>
    %dot_general3A_83 = arith.constant dense<0.000000e+00> : vector<1600x256xf32>
    %dot_general3A_84 = tpu.matmul %get3A_75, %get3A_10, %dot_general3A_83 {dimension_numbers = #tpu.dot_dimension_numbers<[1], [0], [0], [1], [0, 0, 1, 1], [], []>, transpose_lhs_hint = false} : vector<1600x16xf32>, vector<16x256xf32>, vector<1600x256xf32> -> vector<1600x256xf32>
    %mul3A_85 = arith.mulf %dot_general3A_82, %dot_general3A_84 : vector<1600x256xf32>
    %dot_general3A_86 = arith.constant dense<0.000000e+00> : vector<1600x16xf32>
    %dot_general3A_87 = tpu.matmul %mul3A_85, %get3A_7, %dot_general3A_86 {dimension_numbers = #tpu.dot_dimension_numbers<[1], [0], [0], [1], [0, 0, 1, 1], [], []>, transpose_lhs_hint = false} : vector<1600x256xf32>, vector<256x16xf32>, vector<1600x16xf32> -> vector<1600x16xf32>
    %swap3A_88 = arith.constant 4800 : index
    %swap3A_89 = arith.constant 0 : index
    %swap3A_90 = vector.load %arg7[%swap3A_88, %swap3A_89] : memref<6400x16xf32, #tpu.memory_space<vmem>>, vector<1600x16xf32>
    tpu.vector_store %arg7[%swap3A_88, %swap3A_89], %dot_general3A_87 {strides = array<i32>} : memref<6400x16xf32, #tpu.memory_space<vmem>>, vector<1600x16xf32>,
    return
  }
  func.func @transform_0(%arg0: i32) -> (i32, i32) {
    %c0_i32 = arith.constant 0 : i32
    %c0_i32_0 = arith.constant 0 : i32
    return %arg0, %c0_i32 : i32, i32
  }
  func.func @transform_1(%arg0: i32) -> (i32, i32) {
    %c0_i32 = arith.constant 0 : i32
    %c0_i32_0 = arith.constant 0 : i32
    return %arg0, %c0_i32 : i32, i32
  }
  func.func @transform_2(%arg0: i32) -> (i32, i32) {
    %c0_i32 = arith.constant 0 : i32
    %c0_i32_0 = arith.constant 0 : i32
    %c0_i32_1 = arith.constant 0 : i32
    return %c0_i32, %c0_i32_0 : i32, i32
  }
  func.func @transform_3(%arg0: i32) -> (i32, i32) {
    %c0_i32 = arith.constant 0 : i32
    %c0_i32_0 = arith.constant 0 : i32
    %c0_i32_1 = arith.constant 0 : i32
    return %c0_i32, %c0_i32_0 : i32, i32
  }
  func.func @transform_4(%arg0: i32) -> (i32, i32) {
    %c0_i32 = arith.constant 0 : i32
    %c0_i32_0 = arith.constant 0 : i32
    %c0_i32_1 = arith.constant 0 : i32
    return %c0_i32, %c0_i32_0 : i32, i32
  }
  func.func @transform_5(%arg0: i32) -> (i32, i32) {
    %c0_i32 = arith.constant 0 : i32
    %c0_i32_0 = arith.constant 0 : i32
    %c0_i32_1 = arith.constant 0 : i32
    return %c0_i32, %c0_i32_0 : i32, i32
  }
  func.func @transform_6(%arg0: i32) -> (i32, i32) {
    %c0_i32 = arith.constant 0 : i32
    %c0_i32_0 = arith.constant 0 : i32
    return %arg0, %c0_i32 : i32, i32
  }
}

module attributes {stable_mosaic.version = 14 : i64} {
  func.func @_update_body(%arg0: i32, %arg1: memref<2000x16xf32, #tpu.memory_space<vmem>>, %arg2: memref<2000x16xf32, #tpu.memory_space<vmem>>, %arg3: memref<2000x16xf32, #tpu.memory_space<vmem>>, %arg4: memref<16x16xf32, #tpu.memory_space<vmem>>, %arg5: memref<1x16xf32, #tpu.memory_space<vmem>>, %arg6: memref<2000x16xf32, #tpu.memory_space<vmem>>) attributes {dimension_semantics = [#tpu.dimension_semantics<arbitrary>], iteration_bounds = array<i64: 5>, scalar_prefetch = 0 : i64, scratch_operands = 0 : i64, tpu.core_type = #tpu.core_type<tc>, window_params = [{transform_indices = @transform_0, window_bounds = array<i64: 2000, 16>}, {transform_indices = @transform_1, window_bounds = array<i64: 2000, 16>}, {transform_indices = @transform_2, window_bounds = array<i64: 2000, 16>}, {pipeline_mode = #tpu.pipeline_mode<synchronous>, transform_indices = @transform_3, window_bounds = array<i64: 16, 16>}, {pipeline_mode = #tpu.pipeline_mode<synchronous>, transform_indices = @transform_4, window_bounds = array<i64: 1, 16>}, {transform_indices = @transform_5, window_bounds = array<i64: 2000, 16>}]} {
    %get3A = arith.constant 0 : index
    %get3A_0 = arith.constant 0 : index
    %get3A_1 = vector.load %arg1[%get3A, %get3A_0] : memref<2000x16xf32, #tpu.memory_space<vmem>>, vector<2000x16xf32>
    %get3A_2 = arith.constant 0 : index
    %get3A_3 = arith.constant 0 : index
    %get3A_4 = vector.load %arg2[%get3A_2, %get3A_3] : memref<2000x16xf32, #tpu.memory_space<vmem>>, vector<2000x16xf32>
    %get3A_5 = arith.constant 0 : index
    %get3A_6 = arith.constant 0 : index
    %get3A_7 = vector.load %arg3[%get3A_5, %get3A_6] : memref<2000x16xf32, #tpu.memory_space<vmem>>, vector<2000x16xf32>
    %add3A = arith.addf %get3A_4, %get3A_7 : vector<2000x16xf32>
    %get3A_8 = arith.constant 0 : index
    %get3A_9 = arith.constant 0 : index
    %get3A_10 = vector.load %arg4[%get3A_8, %get3A_9] : memref<16x16xf32, #tpu.memory_space<vmem>>, vector<16x16xf32>
    %dot_general3A = arith.constant dense<0.000000e+00> : vector<2000x16xf32>
    %dot_general3A_11 = tpu.matmul %get3A_1, %get3A_10, %dot_general3A {dimension_numbers = #tpu.dot_dimension_numbers<[1], [0], [0], [1], [0, 0, 1, 1], [], []>, transpose_lhs_hint = false} : vector<2000x16xf32>, vector<16x16xf32>, vector<2000x16xf32> -> vector<2000x16xf32>
    %add3A_12 = arith.addf %add3A, %dot_general3A_11 : vector<2000x16xf32>
    %get3A_13 = arith.constant 0 : index
    %get3A_14 = arith.constant 0 : index
    %get3A_15 = vector.load %arg5[%get3A_13, %get3A_14] : memref<1x16xf32, #tpu.memory_space<vmem>>, vector<1x16xf32>
    %add3A_16 = vector.broadcast %get3A_15 : vector<1x16xf32> to vector<2000x16xf32>
    %add3A_17 = arith.addf %add3A_12, %add3A_16 : vector<2000x16xf32>
    %max3A = arith.constant 0.000000e+00 : f32
    %max3A_18 = vector.broadcast %max3A : f32 to vector<2000x16xf32>
    %max3A_19 = arith.maximumf %add3A_17, %max3A_18 : vector<2000x16xf32>
    %add3A_20 = arith.addf %max3A_19, %get3A_1 : vector<2000x16xf32>
    %swap3A = arith.constant 0 : index
    %swap3A_21 = arith.constant 0 : index
    %swap3A_22 = vector.load %arg6[%swap3A, %swap3A_21] : memref<2000x16xf32, #tpu.memory_space<vmem>>, vector<2000x16xf32>
    tpu.vector_store %arg6[%swap3A, %swap3A_21], %add3A_20 {strides = array<i32>} : memref<2000x16xf32, #tpu.memory_space<vmem>>, vector<2000x16xf32>,
    return
  }
  func.func @transform_0(%arg0: i32) -> (i32, i32) {
    %c0_i32 = arith.constant 0 : i32
    %c0_i32_0 = arith.constant 0 : i32
    return %arg0, %c0_i32 : i32, i32
  }
  func.func @transform_1(%arg0: i32) -> (i32, i32) {
    %c0_i32 = arith.constant 0 : i32
    %c0_i32_0 = arith.constant 0 : i32
    return %arg0, %c0_i32 : i32, i32
  }
  func.func @transform_2(%arg0: i32) -> (i32, i32) {
    %c0_i32 = arith.constant 0 : i32
    %c0_i32_0 = arith.constant 0 : i32
    return %arg0, %c0_i32 : i32, i32
  }
  func.func @transform_3(%arg0: i32) -> (i32, i32) {
    %c0_i32 = arith.constant 0 : i32
    %c0_i32_0 = arith.constant 0 : i32
    %c0_i32_1 = arith.constant 0 : i32
    return %c0_i32, %c0_i32_0 : i32, i32
  }
  func.func @transform_4(%arg0: i32) -> (i32, i32) {
    %c0_i32 = arith.constant 0 : i32
    %c0_i32_0 = arith.constant 0 : i32
    %c0_i32_1 = arith.constant 0 : i32
    return %c0_i32, %c0_i32_0 : i32, i32
  }
  func.func @transform_5(%arg0: i32) -> (i32, i32) {
    %c0_i32 = arith.constant 0 : i32
    %c0_i32_0 = arith.constant 0 : i32
    return %arg0, %c0_i32 : i32, i32
  }
}

module attributes {stable_mosaic.version = 14 : i64} {
  func.func @_pool_body(%arg0: i32, %arg1: memref<1x1x2000xi32, #tpu.memory_space<vmem>>, %arg2: memref<2000x16xf32, #tpu.memory_space<vmem>>, %arg3: memref<16x16xf32, #tpu.memory_space<vmem>>, %arg4: memref<1x16xf32, #tpu.memory_space<vmem>>, %arg5: memref<16x1xf32, #tpu.memory_space<vmem>>, %arg6: memref<1x1xf32, #tpu.memory_space<vmem>>, %arg7: memref<64x1xf32, #tpu.memory_space<vmem>>, %arg8: memref<64x16xf32, #tpu.memory_space<vmem>>, %arg9: memref<64x1xf32, #tpu.memory_space<vmem>>) attributes {dimension_semantics = [#tpu.dimension_semantics<arbitrary>], iteration_bounds = array<i64: 5>, scalar_prefetch = 0 : i64, scratch_operands = 2 : i64, tpu.core_type = #tpu.core_type<tc>, window_params = [{transform_indices = @transform_0, window_bounds = array<i64: 1, 1, 2000>}, {transform_indices = @transform_1, window_bounds = array<i64: 2000, 16>}, {pipeline_mode = #tpu.pipeline_mode<synchronous>, transform_indices = @transform_2, window_bounds = array<i64: 16, 16>}, {pipeline_mode = #tpu.pipeline_mode<synchronous>, transform_indices = @transform_3, window_bounds = array<i64: 1, 16>}, {pipeline_mode = #tpu.pipeline_mode<synchronous>, transform_indices = @transform_4, window_bounds = array<i64: 16, 1>}, {pipeline_mode = #tpu.pipeline_mode<synchronous>, transform_indices = @transform_5, window_bounds = array<i64: 1, 1>}, {pipeline_mode = #tpu.pipeline_mode<synchronous>, transform_indices = @transform_6, window_bounds = array<i64: 64, 1>}]} {
    %eq3A = arith.constant 0 : i32
    %eq3A_0 = arith.cmpi eq, %arg0, %eq3A : i32
    %convert_element_type3A = arith.extui %eq3A_0 : i1 to i32
    %cond3A = arith.constant 0 : i32
    %cond3A_1 = arith.cmpi ne, %convert_element_type3A, %cond3A : i32
    scf.if %cond3A_1 {
      %broadcast_in_dim3A_33 = arith.constant 0.000000e+00 : f32
      %broadcast_in_dim3A_34 = vector.broadcast %broadcast_in_dim3A_33 : f32 to vector<64x16xf32>
      %swap3A_35 = arith.constant 0 : index
      %swap3A_36 = arith.constant 0 : index
      %swap3A_37 = vector.load %arg8[%swap3A_35, %swap3A_36] : memref<64x16xf32, #tpu.memory_space<vmem>>, vector<64x16xf32>
      tpu.vector_store %arg8[%swap3A_35, %swap3A_36], %broadcast_in_dim3A_34 {strides = array<i32>} : memref<64x16xf32, #tpu.memory_space<vmem>>, vector<64x16xf32>,
      %broadcast_in_dim3A_38 = arith.constant 0.000000e+00 : f32
      %broadcast_in_dim3A_39 = vector.broadcast %broadcast_in_dim3A_38 : f32 to vector<64x1xf32>
      %swap3A_40 = arith.constant 0 : index
      %swap3A_41 = arith.constant 0 : index
      %swap3A_42 = vector.load %arg9[%swap3A_40, %swap3A_41] : memref<64x1xf32, #tpu.memory_space<vmem>>, vector<64x1xf32>
      tpu.vector_store %arg9[%swap3A_40, %swap3A_41], %broadcast_in_dim3A_39 {strides = array<i32>} : memref<64x1xf32, #tpu.memory_space<vmem>>, vector<64x1xf32>,
    } else {
    }
    %get3A = arith.constant 0 : index
    %get3A_2 = arith.constant 0 : index
    %get3A_3 = arith.constant 0 : index
    %get3A_4 = vector.load %arg1[%get3A, %get3A_2, %get3A_3] : memref<1x1x2000xi32, #tpu.memory_space<vmem>>, vector<1x1x2000xi32>
    %get3A_5 = vector.shape_cast %get3A_4 : vector<1x1x2000xi32> to vector<1x2000xi32>
    %iota3A = tpu.iota {dimensions = array<i32: 0>} : vector<64x1xi32>
    %eq3A_6 = vector.broadcast %get3A_5 : vector<1x2000xi32> to vector<64x2000xi32>
    %eq3A_7 = vector.broadcast %iota3A : vector<64x1xi32> to vector<64x2000xi32>
    %eq3A_8 = arith.cmpi eq, %eq3A_6, %eq3A_7 : vector<64x2000xi32>
    %convert_element_type3A_9 = arith.extui %eq3A_8 : vector<64x2000xi1> to vector<64x2000xi32>
    %convert_element_type3A_10 = arith.sitofp %convert_element_type3A_9 : vector<64x2000xi32> to vector<64x2000xf32>
    %get3A_11 = arith.constant 0 : index
    %get3A_12 = arith.constant 0 : index
    %get3A_13 = vector.load %arg8[%get3A_11, %get3A_12] : memref<64x16xf32, #tpu.memory_space<vmem>>, vector<64x16xf32>
    %get3A_14 = arith.constant 0 : index
    %get3A_15 = arith.constant 0 : index
    %get3A_16 = vector.load %arg2[%get3A_14, %get3A_15] : memref<2000x16xf32, #tpu.memory_space<vmem>>, vector<2000x16xf32>
    %dot_general3A = arith.constant dense<0.000000e+00> : vector<64x16xf32>
    %dot_general3A_17 = tpu.matmul %convert_element_type3A_10, %get3A_16, %dot_general3A {dimension_numbers = #tpu.dot_dimension_numbers<[1], [0], [0], [1], [0, 0, 1, 1], [], []>, transpose_lhs_hint = false} : vector<64x2000xf32>, vector<2000x16xf32>, vector<64x16xf32> -> vector<64x16xf32>
    %add3A = arith.addf %get3A_13, %dot_general3A_17 : vector<64x16xf32>
    %swap3A = arith.constant 0 : index
    %swap3A_18 = arith.constant 0 : index
    %swap3A_19 = vector.load %arg8[%swap3A, %swap3A_18] : memref<64x16xf32, #tpu.memory_space<vmem>>, vector<64x16xf32>
    tpu.vector_store %arg8[%swap3A, %swap3A_18], %add3A {strides = array<i32>} : memref<64x16xf32, #tpu.memory_space<vmem>>, vector<64x16xf32>,
    %get3A_20 = arith.constant 0 : index
    %get3A_21 = arith.constant 0 : index
    %get3A_22 = vector.load %arg9[%get3A_20, %get3A_21] : memref<64x1xf32, #tpu.memory_space<vmem>>, vector<64x1xf32>
    %reduce_sum3A = arith.constant dense<0.000000e+00> : vector<64xf32>
    %reduce_sum3A_23 = vector.multi_reduction <add>, %convert_element_type3A_10, %reduce_sum3A [1] : vector<64x2000xf32> to vector<64xf32>
    %broadcast_in_dim3A = vector.shape_cast %reduce_sum3A_23 : vector<64xf32> to vector<64x1xf32>
    %add3A_24 = arith.addf %get3A_22, %broadcast_in_dim3A : vector<64x1xf32>
    %swap3A_25 = arith.constant 0 : index
    %swap3A_26 = arith.constant 0 : index
    %swap3A_27 = vector.load %arg9[%swap3A_25, %swap3A_26] : memref<64x1xf32, #tpu.memory_space<vmem>>, vector<64x1xf32>
    tpu.vector_store %arg9[%swap3A_25, %swap3A_26], %add3A_24 {strides = array<i32>} : memref<64x1xf32, #tpu.memory_space<vmem>>, vector<64x1xf32>,
    %eq3A_28 = arith.constant 4 : i32
    %eq3A_29 = arith.cmpi eq, %arg0, %eq3A_28 : i32
    %convert_element_type3A_30 = arith.extui %eq3A_29 : i1 to i32
    %cond3A_31 = arith.constant 0 : i32
    %cond3A_32 = arith.cmpi ne, %convert_element_type3A_30, %cond3A_31 : i32
    scf.if %cond3A_32 {
      %get3A_33 = arith.constant 0 : index
      %get3A_34 = arith.constant 0 : index
      %get3A_35 = vector.load %arg8[%get3A_33, %get3A_34] : memref<64x16xf32, #tpu.memory_space<vmem>>, vector<64x16xf32>
      %get3A_36 = arith.constant 0 : index
      %get3A_37 = arith.constant 0 : index
      %get3A_38 = vector.load %arg9[%get3A_36, %get3A_37] : memref<64x1xf32, #tpu.memory_space<vmem>>, vector<64x1xf32>
      %max3A = arith.constant 1.000000e+00 : f32
      %max3A_39 = vector.broadcast %max3A : f32 to vector<64x1xf32>
      %max3A_40 = arith.maximumf %get3A_38, %max3A_39 : vector<64x1xf32>
      %div3A = vector.broadcast %max3A_40 : vector<64x1xf32> to vector<64x16xf32>
      %div3A_41 = arith.divf %get3A_35, %div3A : vector<64x16xf32>
      %get3A_42 = arith.constant 0 : index
      %get3A_43 = arith.constant 0 : index
      %get3A_44 = vector.load %arg3[%get3A_42, %get3A_43] : memref<16x16xf32, #tpu.memory_space<vmem>>, vector<16x16xf32>
      %dot_general3A_45 = arith.constant dense<0.000000e+00> : vector<64x16xf32>
      %dot_general3A_46 = tpu.matmul %div3A_41, %get3A_44, %dot_general3A_45 {dimension_numbers = #tpu.dot_dimension_numbers<[1], [0], [0], [1], [0, 0, 1, 1], [], []>, transpose_lhs_hint = false} : vector<64x16xf32>, vector<16x16xf32>, vector<64x16xf32> -> vector<64x16xf32>
      %get3A_47 = arith.constant 0 : index
      %get3A_48 = arith.constant 0 : index
      %get3A_49 = vector.load %arg4[%get3A_47, %get3A_48] : memref<1x16xf32, #tpu.memory_space<vmem>>, vector<1x16xf32>
      %add3A_50 = vector.broadcast %get3A_49 : vector<1x16xf32> to vector<64x16xf32>
      %add3A_51 = arith.addf %dot_general3A_46, %add3A_50 : vector<64x16xf32>
      %max3A_52 = arith.constant 0.000000e+00 : f32
      %max3A_53 = vector.broadcast %max3A_52 : f32 to vector<64x16xf32>
      %max3A_54 = arith.maximumf %add3A_51, %max3A_53 : vector<64x16xf32>
      %get3A_55 = arith.constant 0 : index
      %get3A_56 = arith.constant 0 : index
      %get3A_57 = vector.load %arg5[%get3A_55, %get3A_56] : memref<16x1xf32, #tpu.memory_space<vmem>>, vector<16x1xf32>
      %dot_general3A_58 = arith.constant dense<0.000000e+00> : vector<64x1xf32>
      %dot_general3A_59 = tpu.matmul %max3A_54, %get3A_57, %dot_general3A_58 {dimension_numbers = #tpu.dot_dimension_numbers<[1], [0], [0], [1], [0, 0, 1, 1], [], []>, transpose_lhs_hint = false} : vector<64x16xf32>, vector<16x1xf32>, vector<64x1xf32> -> vector<64x1xf32>
      %get3A_60 = arith.constant 0 : index
      %get3A_61 = arith.constant 0 : index
      %get3A_62 = vector.load %arg6[%get3A_60, %get3A_61] : memref<1x1xf32, #tpu.memory_space<vmem>>, vector<1x1xf32>
      %add3A_63 = vector.broadcast %get3A_62 : vector<1x1xf32> to vector<64x1xf32>
      %add3A_64 = arith.addf %dot_general3A_59, %add3A_63 : vector<64x1xf32>
      %swap3A_65 = arith.constant 0 : index
      %swap3A_66 = arith.constant 0 : index
      %swap3A_67 = vector.load %arg7[%swap3A_65, %swap3A_66] : memref<64x1xf32, #tpu.memory_space<vmem>>, vector<64x1xf32>
      tpu.vector_store %arg7[%swap3A_65, %swap3A_66], %add3A_64 {strides = array<i32>} : memref<64x1xf32, #tpu.memory_space<vmem>>, vector<64x1xf32>,
    } else {
    }
    return
  }
  func.func @transform_0(%arg0: i32) -> (i32, i32, i32) {
    %c0_i32 = arith.constant 0 : i32
    %c0_i32_0 = arith.constant 0 : i32
    %c0_i32_1 = arith.constant 0 : i32
    return %arg0, %c0_i32, %c0_i32_0 : i32, i32, i32
  }
  func.func @transform_1(%arg0: i32) -> (i32, i32) {
    %c0_i32 = arith.constant 0 : i32
    %c0_i32_0 = arith.constant 0 : i32
    return %arg0, %c0_i32 : i32, i32
  }
  func.func @transform_2(%arg0: i32) -> (i32, i32) {
    %c0_i32 = arith.constant 0 : i32
    %c0_i32_0 = arith.constant 0 : i32
    %c0_i32_1 = arith.constant 0 : i32
    return %c0_i32, %c0_i32_0 : i32, i32
  }
  func.func @transform_3(%arg0: i32) -> (i32, i32) {
    %c0_i32 = arith.constant 0 : i32
    %c0_i32_0 = arith.constant 0 : i32
    %c0_i32_1 = arith.constant 0 : i32
    return %c0_i32, %c0_i32_0 : i32, i32
  }
  func.func @transform_4(%arg0: i32) -> (i32, i32) {
    %c0_i32 = arith.constant 0 : i32
    %c0_i32_0 = arith.constant 0 : i32
    %c0_i32_1 = arith.constant 0 : i32
    return %c0_i32, %c0_i32_0 : i32, i32
  }
  func.func @transform_5(%arg0: i32) -> (i32, i32) {
    %c0_i32 = arith.constant 0 : i32
    %c0_i32_0 = arith.constant 0 : i32
    %c0_i32_1 = arith.constant 0 : i32
    return %c0_i32, %c0_i32_0 : i32, i32
  }
  func.func @transform_6(%arg0: i32) -> (i32, i32) {
    %c0_i32 = arith.constant 0 : i32
    %c0_i32_0 = arith.constant 0 : i32
    %c0_i32_1 = arith.constant 0 : i32
    return %c0_i32, %c0_i32_0 : i32, i32
  }
}

</mosaic_0001>

<sc_bundles>
// kernel: kernel.16.cloned.1.call-start
scs
__scs_entry_jumppad:
0x0: {  	(pc) =	sbr.rel $0x88, $3  }
0x1: {  	(tag) =	ssettag $0x0;
	lr =	simm.s32 $0x1  }
0x2: {  	[smem:$0x3F91] =	sst lr;
	_ =	strace $0xD0000000  }
0x3: {  	_ = 	snop  }
0x4: {  	_ = 	snop  }
0x5: {  	_ = 	snop  }
0x6: {  	_ = 	snop  }
0x7: {  	_ = 	snop  }
__scs_overlays_trampoline_lowered:
0x8: {  	[smem:$0x3FA0] =	sst s0  }
0x9: {  	[smem:$0x3FA1] =	sst s1  }
0xa: {  	[smem:$0x3FA2] =	sst s2  }
0xb: {  	[smem:$0x3FA3] =	sst s3  }
0xc: {  	[smem:$0x3FA4] =	sst s4  }
0xd: {  	[smem:$0x3FA5] =	sst s5  }
0xe: {  	[smem:$0x3FA6] =	sst s6  }
0xf: {  	[smem:$0x3FA7] =	sst s7  }
0x10: {  	[smem:$0x3FA8] =	sst s8  }
0x11: {  	[smem:$0x3FA9] =	sst s9;
	s0 =	simm.s32 @!p0 $0x0  }
0x12: {  	s1 =	sld [smem:$0x3F8F];
	s0 =	simm.s32 @p0 $0x1  }
0x13: {  	[smem:$0x3FAA] =	sst s0;
	s0 =	simm.s32 @!p1 $0x0  }
0x14: {  	s2 =	sld [smem:$0x3F8E];
	s0 =	simm.s32 @p1 $0x1  }
0x15: {  	[smem:$0x3FAB] =	sst s0;
	s0 =	simm.s32 @!p2 $0x0  }
0x16: {  	s3 =	sld [smem:$0x3FDB];
	s0 =	simm.s32 @p2 $0x1  }
0x17: {  	s4 =	simm.s32 $0x1BF5;
	[smem:$0x3FAD] =	sst s0  }
0x18: {  	s0 =	sld [smem:$0x3F90];
	_ =	swait.ge [sflag:s4], $0x0  }
0x19: {  	s7 =	sld [smem:$0x3F91]  }
0x1a: {  	s8 =	sadd.s32 $0xFFFFE003, lr  }
0x1b: {  	s9 =	sadd.s32 $0xFFFFFEF7, lr;
	s5 =	simm.s32 $0xFFFFFFFF;
	p2 =	slt.u32 s8, $0xFFFFF086  }
0x1c: {  	p1 =	slt.u32 s9, $0xF7A;
	s5 =	simm.s32 @!p2 $0x0  }
0x1d: {  	s5 =	simm.s32 @p1 $0x1;
	p0 =	seq.s32 s7, s2  }
0x1e: {  	s7 =	smul.u32 @!p0 $0xF7A, s2;
	p2 =	seq.s32 @!p0 s5, $0x0  }
0x1f: {  	s9 =	smul.u32 $0xF7A, s1;
	s8 =	simm.s32 @!p0 $0x1BF5;
	p2 =	por !p2, p0  }
0x20: {  	[sflag:s8] =	ssyncset.s32 @!p0 $0xFFFFF086;
	s6 =	sadd.s32 @!p0 s3, s7;
	s7 =	simm.s32 @!p0 $0x108  }
0x21: {  	s3 =	sadd.s32 s3, s9;
	s6 =	sadd.s32 @!p0 $0x88, s6;
	s7 =	simm.s32 @p2 $0x1082  }
0x22: {  	[simem:s7], [sflag:s8] =	dma.local @!p0 [hbm:s6], $0xF7A  }
0x23: {  	s9 =	sor.u32 $0xD0000000, s2;
	s6 =	simm.s32 $0x108;
	_ =	swait.ge @!p0 [sflag:s8], $0x0  }
0x24: {  	s3 =	sadd.s32 $0x88, s3;
	s6 =	simm.s32 @!p1 $0x1082;
	[sflag:s4] =	ssyncset.s32 $0xFFFFF086  }
0x25: {  	[simem:s6], [sflag:s4] =	dma.local [hbm:s3], $0xF7A  }
0x26: {  	[smem:$0x3F91] =	sst s1;
	(tag) =	ssettag s2;
	_ =	strace s9  }
0x27: {  	s1 =	sld [smem:$0x3FA1]  }
0x28: {  	s2 =	sld [smem:$0x3FA2]  }
0x29: {  	s4 =	sld [smem:$0x3FA4]  }
0x2a: {  	p0 =	seq.s32 s5, $0x0;
	s5 =	sld [smem:$0x3FA5]  }
0x2b: {  	s6 =	sld [smem:$0x3FA6]  }
0x2c: {  	s7 =	sld [smem:$0x3FA7]  }
0x2d: {  	s3 =	simm.s32 $0x108;
	s8 =	sld [smem:$0x3FA8]  }
0x2e: {  	s3 =	simm.s32 @!p0 $0x1082;
	s9 =	sld [smem:$0x3FA9]  }
0x2f: {  	lr =	sadd.s32 s0, s3;
	s0 =	sld [smem:$0x3FA0]  }
0x30: {  	s3 =	sld [smem:$0x3FA3]  }
0x31: {  	[smem:$0x3FAC] =	sst s10  }
0x32: {  	s10 =	sld [smem:$0x3FAA];
	_ =	sdelay $0x3  }
0x33: {  	p0 =	seq.s32 s10, $0x1;
	s10 =	sld [smem:$0x3FAC];
	_ =	sdelay $0x3  }
0x34: {  	[smem:$0x3FAC] =	sst s10  }
0x35: {  	s10 =	sld [smem:$0x3FAB];
	_ =	sdelay $0x3  }
0x36: {  	p1 =	seq.s32 s10, $0x1;
	s10 =	sld [smem:$0x3FAC];
	_ =	sdelay $0x3  }
0x37: {  	[smem:$0x3FAC] =	sst s10  }
0x38: {  	s10 =	sld [smem:$0x3FAD]  }
0x39: {  	_ = 	snop;
	(pc) =	sbr.ind lr, $3  }
0x3a: {  	_ = 	snop  }
0x3b: {  	_ = 	snop  }
0x3c: {  	p2 =	seq.s32 s10, $0x1;
	s10 =	sld [smem:$0x3FAC]  }
0x3d: {  	_ =	shalt  }
0x3e: {  	_ =	shalt  }
0x3f: {  	_ =	shalt  }
0x40: {  	_ =	shalt  }
0x41: {  	_ =	shalt  }
0x42: {  	_ =	shalt  }
0x43: {  	_ =	shalt  }
0x44: {  	_ =	shalt  }
0x45: {  	_ =	shalt  }
0x46: {  	_ =	shalt  }
0x47: {  	_ =	shalt  }
0x48: {  	_ =	shalt  }
0x49: {  	_ =	shalt  }
0x4a: {  	_ =	shalt  }
0x4b: {  	_ =	shalt  }
0x4c: {  	_ =	shalt  }
0x4d: {  	_ =	shalt  }
0x4e: {  	_ =	shalt  }
0x4f: {  	_ =	shalt  }
0x50: {  	_ =	shalt  }
0x51: {  	_ =	shalt  }
0x52: {  	_ =	shalt  }
0x53: {  	_ =	shalt  }
0x54: {  	_ =	shalt  }
0x55: {  	_ =	shalt  }
0x56: {  	_ =	shalt  }
0x57: {  	_ =	shalt  }
0x58: {  	_ =	shalt  }
0x59: {  	_ =	shalt  }
0x5a: {  	_ =	shalt  }
0x5b: {  	_ =	shalt  }
0x5c: {  	_ =	shalt  }
0x5d: {  	_ =	shalt  }
0x5e: {  	_ =	shalt  }
0x5f: {  	_ =	shalt  }
0x60: {  	_ =	shalt  }
0x61: {  	_ =	shalt  }
0x62: {  	_ =	shalt  }
0x63: {  	_ =	shalt  }
0x64: {  	_ =	shalt  }
0x65: {  	_ =	shalt  }
0x66: {  	_ =	shalt  }
0x67: {  	_ =	shalt  }
0x68: {  	_ =	shalt  }
0x69: {  	_ =	shalt  }
0x6a: {  	_ =	shalt  }
0x6b: {  	_ =	shalt  }
0x6c: {  	_ =	shalt  }
0x6d: {  	_ =	shalt  }
0x6e: {  	_ =	shalt  }
0x6f: {  	_ =	shalt  }
0x70: {  	_ =	shalt  }
0x71: {  	_ =	shalt  }
0x72: {  	_ =	shalt  }
0x73: {  	_ =	shalt  }
0x74: {  	_ =	shalt  }
0x75: {  	_ =	shalt  }
0x76: {  	_ =	shalt  }
0x77: {  	_ =	shalt  }
0x78: {  	_ =	shalt  }
0x79: {  	_ =	shalt  }
0x7a: {  	_ =	shalt  }
0x7b: {  	_ =	shalt  }
0x7c: {  	_ =	shalt  }
0x7d: {  	_ =	shalt  }
0x7e: {  	_ =	shalt  }
0x7f: {  	_ =	shalt  }
0x80: {  	_ =	shalt  }
0x81: {  	_ =	shalt  }
0x82: {  	_ =	shalt  }
0x83: {  	_ =	shalt  }
0x84: {  	_ =	shalt  }
0x85: {  	_ =	shalt  }
0x86: {  	_ =	shalt  }
0x87: {  	_ =	shalt  }
.Lfunc_end0:
.L_simem_size_0:
called_computation_lowered:
.L_overlay_start_0:
0x88: {  	s2 =	sld [smem:$0x3FD9]  }
0x89: {  	s3 =	sld [smem:$0x3FFE];
	_ =	sdelay $0x1  }
0x8a: {  	s1 =	srdreg.scid  }
0x8b: {  	s0 =	sand.u32 $0x1, s1  }
0x8c: {  	s16 =	sshll.u32 s0, $0xA;
	s2 =	sadd.s32 s3, s2  }
0x8d: {  	s2 =	sadd.s32 s2, s16  }
0x8e: {  	[smem:$0x3FB8] =	sst s2  }
0x8f: {  	_ = 	snop  }
0x90: {  	(tm) =	ssettm $0x1  }
0x91: {  	s17 =	sld [smem:$0x3FFB];
	_ =	sdelay $0x3  }
0x92: {  	_ =	strace s17  }
0x93: {  	s2 =	sld [smem:$0x3FFC];
	_ =	sdelay $0x3  }
0x94: {  	_ =	strace s2  }
0x95: {  	s2 =	sld [smem:$0x3FFD];
	_ =	sdelay $0x3  }
0x96: {  	_ =	strace s2  }
0x97: {  	_ =	strace $0x8FFFFFFF  }
0x98: {  	s18 =	sld [smem:$0x3FDB];
	_ =	sdelay $0x1  }
0x99: {  	s19 =	simm.s32 $_scs_section_size  }
0x9a: {  	s4 =	simm.s32 $_size__tile_overlayer_lowered;
	s5 =	simm.s32 $_tile_overlayer_lowered  }
0x9b: {  	s22 =	simm.s32 $0x1BFF;
	s21 =	sshll.u32 s5, $0x1;
	s2 =	sadd.s32 s19, s18  }
0x9c: {  	s6 =	simm.s32 $0x0;
	s20 =	sshll.u32 s4, $0x1;
	s4 =	sadd.s32 s21, s2  }
0x9d: {  	[timem:s6], [sflag:s22] =	dma.local [hbm:s4], s20  }
0x9e: {  	_ =	swait.ge [sflag:s22], s20  }
0x9f: {  	s3 =	ssub.s32 $0x0, s20;
	[sflag:s22] =	ssyncset.done $0x0  }
0xa0: {  	[sflag:s22] =	ssyncadd.s32 s3;
	_ =	sdelay $0x1  }
0xa1: {  	s23 =	simm.s32 $0x1B8B  }
0xa2: {  	_ =	swait.ge [sflag:s23], $0x1  }
0xa3: {  	[sflag:s23] =	ssyncset.done $0x0  }
0xa4: {  	s25 =	simm.s32 $0x1B8E;
	s24 =	sld [smem:$0x3FFE];
	[sflag:s23] =	ssyncadd.s32 $0xFFFFFFFF  }
0xa5: {  	s26 =	simm.s32 $execute0_lowered;
	[smem:$0x3FD2] =	sst s25  }
0xa6: {  	s4 =	sshll.u32 s26, $0x1;
	_ =	strace $0x80000046;
	[dreg:$0x1] =	wrdreg $0xFFFFFFFF  }
0xa7: {  	s28 =	simm.s32 $_size_execute0_lowered;
	s2 =	sadd.s32 s2, s4;
	[dreg:$0x0] =	wrdreg $0x0  }
0xa8: {  	s4 =	sshll.u32 s28, $0x1;
	[dreg:$0x2] =	wrdreg s2  }
0xa9: {  	[dreg:$0x3] =	wrdreg s4  }
0xaa: {  	[dreg:$0x4] =	wrdreg $0xC0  }
0xab: {  	_ =	task [dreg:s6], $0x5FFFF  }
0xac: {  	[dreg:$0x1] =	wrdreg $0xFFFFFFFF  }
0xad: {  	[dreg:$0x0] =	wrdreg $0x60  }
0xae: {  	[dreg:$0x2] =	wrdreg s24  }
0xaf: {  	[dreg:$0x3] =	wrdreg $0x9  }
0xb0: {  	_ =	task.clear_ibuf [dreg:s6], $0x4FFFF;
	_ =	strace $0x90000046  }
0xb1: {  	s29 =	simm.s32 $0x9;
	_ =	strace $0x80000048  }
0xb2: {  	_ =	swait.ge [sflag:s29], $0x1  }
0xb3: {  	[sflag:s29] =	ssyncadd.s32 $0xFFFFFFFF  }
0xb4: {  	_ =	strace $0x90000048  }
0xb5: {  	_ =	sfence  }
0xb6: {  	s30 =	sld [smem:$0x0];
	_ =	sdelay $0x2  }
0xb7: {  	s31 =	sshll.u32 s1, $0xD;
	s1 =	sshrl.u32 s1, $0x2  }
0xb8: {  	s3 =	sand.u32 $0x4000, s31;
	s1 =	sadd.s32 s1, s30  }
0xb9: {  	s0 =	sor.u32 s3, s0;
	s1 =	sshll.u32 s1, $0x11  }
0xba: {  	s0 =	sor.u32 s1, s0  }
0xbb: {  	s0 =	sadd.s32 $0x8F2B, s0  }
0xbc: {  	[sflag:s0] =	ssyncadd.remote.s32 $0x1  }
0xbd: {  	_ =	sfence.sel $0xFFFF  }
0xbe: {  	[dreg:$0x0] =	wrdreg $0xFFFFFFFF;
	(pc) =	sbr.abs _section_cstart, $3  }
0xbf: {  	[dreg:$0x1] =	wrdreg $0xFFFFFFFF  }
0xc0: {  	_ =	task.clear_ibuf [dreg:s6], $0x2FFFF;
	_ =	strace $0x9FFFFFFF  }
0xc1: {  	(tm) =	ssettm $0x7FFFFFFF  }
tec
execute0_lowered:
.L_overlay_start_1:
0x0: {  	(tag) =	ssettag $0x1  }
0x1: {  	s1 =	srdreg.scid;
	s0 =	stileid.u32  }
0x2: {  	s14 =	sand.u32 $0x1, s1;
	s30 =	sshll.u32 s0, $0x1  }
0x3: {  	s15 =	sor.u32 s14, s30  }
0x4: {  	s16 =	rddreg [dreg:$0x0];
	s3 =	smul.u32 $0x271, s15  }
0x5: {  	s2 =	simm.s32 $0x0;
	s1 =	rddreg [dreg:$0x1]  }
0x6: {  	[smem:$0x7FF] =	sst s2;
	s3 =	sadd.s32 s3, s16  }
0x7: {  	_ =	strace $0x80000047;
	s4 =	sadd.s32 $0x6A00, s3;
	s3 =	simm.s32 $0x2  }
0x8: {  	[tilespmem:s2], [sflag:$0x2] =	stream.linear.gather [hbm4b:s4+s2], $0x1388, $0x38;
	[tilespmem:$0x14C08] =	vst v63  }
0x9: {  	_ =	swait.ge [sflag:s3], $0x1388  }
0xa: {  	s6 =	simm.s32 $0x3E8;
	s7 =	simm.s32 $0x1388;
	[sflag:s3] =	ssyncset.done $0x0  }
0xb: {  	s8 =	simm.s32 $0x1;
	s5 =	sadd.s32 $0x37C00, s16;
	[sflag:s3] =	ssyncadd.s32 $0xFFFFEC78  }
0xc: {  	[tilespmem:s7], [sflag:$0x1] =	stream.indirect.gather [hbm4b:s5+s6], $0x10, s2, s6, $0xb8;
	[tilespmem:$0x14C08] =	vst v63  }
0xd: {  	_ =	swait.ge [sflag:s8], $0x3E80  }
0xe: {  	[sflag:s8] =	ssyncset.done $0x0  }
0xf: {  	s9 =	simm.s32 $0x5208;
	[sflag:s8] =	ssyncadd.s32 $0xFFFFC180  }
0x10: {  	[tilespmem:s9], [sflag:$0x1] =	stream.indirect.gather [hbm4b:s5+s6], $0x10, s6, s6, $0xb8;
	[tilespmem:$0x14C08] =	vst v63  }
0x11: {  	_ =	swait.ge [sflag:s8], $0x3E80  }
0x12: {  	[sflag:s8] =	ssyncset.done $0x0  }
0x13: {  	s10 =	simm.s32 $0x7D0;
	s11 =	simm.s32 $0x9088;
	[sflag:s8] =	ssyncadd.s32 $0xFFFFC180  }
0x14: {  	[tilespmem:s11], [sflag:$0x1] =	stream.indirect.gather [hbm4b:s5+s6], $0x10, s10, s6, $0xb8;
	[tilespmem:$0x14C08] =	vst v63  }
0x15: {  	_ =	swait.ge [sflag:s8], $0x3E80  }
0x16: {  	s12 =	simm.s32 $0xBB8;
	s13 =	simm.s32 $0xCF08;
	[sflag:s8] =	ssyncset.done $0x0  }
0x17: {  	s18 =	ssub.s32 $0x2, s14;
	s14 =	simm.s32 $0xFA0;
	[sflag:s8] =	ssyncadd.s32 $0xFFFFC180  }
0x18: {  	[tilespmem:s13], [sflag:$0x1] =	stream.indirect.gather [hbm4b:s5+s6], $0x10, s12, s6, $0xb8;
	[tilespmem:$0x14C08] =	vst v63  }
0x19: {  	s17 =	smul.u32 $0x2710, s15;
	s19 =	sshrl.u32 s18, $0x1;
	_ =	swait.ge [sflag:s8], $0x3E80  }
0x1a: {  	s15 =	simm.s32 $0x10D88;
	s31 =	ssub.s32 s18, s19;
	[sflag:s8] =	ssyncset.done $0x0  }
0x1b: {  	s16 =	sadd.s32 s17, s16;
	s17 =	smax.u32 s31, $0x1;
	[sflag:s8] =	ssyncadd.s32 $0xFFFFC180  }
0x1c: {  	[tilespmem:s15], [sflag:$0x1] =	stream.indirect.gather [hbm4b:s5+s6], $0x10, s14, s6, $0xb8;
	[tilespmem:$0x14C08] =	vst v63  }
0x1d: {  	p0 =	sne.s32 s17, $0x1;
	_ =	swait.ge [sflag:s8], $0x3E80  }
.Ltmp0:
0x1e: {  	[sflag:s8] =	ssyncset.done $0x0;
	(pc) =	sbr.rel @!p0 .LBB2_2-.Ltmp0, $4  }
0x1f: {  	s16 =	sadd.s32 $0x3CC00, s16;
	[sflag:s8] =	ssyncadd.s32 $0xFFFFC180  }
0x20: {  	[hbm4b:s16+s2] =	stream.linear.scatter [tilespmem:s7], [sflag:$0x2], $0x13880, $0x38;
	[tilespmem:$0x14C08] =	vst v63  }
0x21: {  	_ =	swait.ge [sflag:s3], $0x13880  }
0x22: {  	s17 =	sadd.s32 $0xFFFFFFFF, s17;
	[sflag:s3] =	ssyncset.done $0x0  }
.LBB2_1:
0x23: {  	p0 =	sne.s32 s17, $0x1;
	s17 =	sadd.s32 $0xFFFFFFFF, s17;
	[sflag:s3] =	ssyncadd.s32 $0xFFFEC780  }
0x24: {  	[tilespmem:s2], [sflag:$0x2] =	stream.linear.gather [hbm4b:s4+s2], $0x1388, $0x38;
	[tilespmem:$0x14C08] =	vst v63  }
0x25: {  	_ =	swait.ge [sflag:s3], $0x1388  }
0x26: {  	[sflag:s3] =	ssyncset.done $0x0  }
0x27: {  	[sflag:s3] =	ssyncadd.s32 $0xFFFFEC78  }
0x28: {  	[tilespmem:s7], [sflag:$0x1] =	stream.indirect.gather [hbm4b:s5+s6], $0x10, s2, s6, $0xb8;
	[tilespmem:$0x14C08] =	vst v63  }
0x29: {  	_ =	swait.ge [sflag:s8], $0x3E80  }
0x2a: {  	[sflag:s8] =	ssyncset.done $0x0  }
0x2b: {  	[sflag:s8] =	ssyncadd.s32 $0xFFFFC180  }
0x2c: {  	[tilespmem:s9], [sflag:$0x1] =	stream.indirect.gather [hbm4b:s5+s6], $0x10, s6, s6, $0xb8;
	[tilespmem:$0x14C08] =	vst v63  }
0x2d: {  	_ =	swait.ge [sflag:s8], $0x3E80  }
0x2e: {  	[sflag:s8] =	ssyncset.done $0x0  }
0x2f: {  	[sflag:s8] =	ssyncadd.s32 $0xFFFFC180  }
0x30: {  	[tilespmem:s11], [sflag:$0x1] =	stream.indirect.gather [hbm4b:s5+s6], $0x10, s10, s6, $0xb8;
	[tilespmem:$0x14C08] =	vst v63  }
0x31: {  	_ =	swait.ge [sflag:s8], $0x3E80  }
0x32: {  	[sflag:s8] =	ssyncset.done $0x0  }
0x33: {  	[sflag:s8] =	ssyncadd.s32 $0xFFFFC180  }
0x34: {  	[tilespmem:s13], [sflag:$0x1] =	stream.indirect.gather [hbm4b:s5+s6], $0x10, s12, s6, $0xb8;
	[tilespmem:$0x14C08] =	vst v63  }
0x35: {  	_ =	swait.ge [sflag:s8], $0x3E80  }
0x36: {  	[sflag:s8] =	ssyncset.done $0x0  }
0x37: {  	[sflag:s8] =	ssyncadd.s32 $0xFFFFC180  }
0x38: {  	[tilespmem:s15], [sflag:$0x1] =	stream.indirect.gather [hbm4b:s5+s6], $0x10, s14, s6, $0xb8;
	[tilespmem:$0x14C08] =	vst v63  }
0x39: {  	_ =	swait.ge [sflag:s8], $0x3E80  }
.Ltmp1:
0x3a: {  	[sflag:s8] =	ssyncset.done $0x0;
	(pc) =	sbr.rel @p0 .LBB2_1-.Ltmp1, $4  }
0x3b: {  	[sflag:s8] =	ssyncadd.s32 $0xFFFFC180  }
0x3c: {  	[hbm4b:s16+s2] =	stream.linear.scatter [tilespmem:s7], [sflag:$0x2], $0x13880, $0x38;
	[tilespmem:$0x14C08] =	vst v63  }
0x3d: {  	_ =	swait.ge [sflag:s3], $0x13880  }
0x3e: {  	[sflag:s3] =	ssyncset.done $0x0  }
.LBB2_2:
0x3f: {  	[sflag:s3] =	ssyncadd.s32 $0xFFFEC780  }
0x40: {  	_ =	sfence.sel $0x180000  }
0x41: {  	[bflag:$0x0] =	sbarrier.arrive $0xFFFF  }
0x42: {  	p0 =	sne.s32 s0, $0x0;
	_ =	strace $0x90000047  }
0x43: {  	s0 =	sadd.s32 @!p0 $0x100000, s1;
	[bflag:$0x2] =	sbarrier.arrive $0xFFFF  }
0x44: {  	[sflag:s0] =	ssyncadd.tile.s32 @!p0 $0x1;
	_ =	shalt  }
.Lfunc_end2:
_tile_overlayer_lowered:
.L_overlay_start_2:
0x45: {  	(tag) =	ssettag $0x2  }
0x46: {  	s0 =	rddreg [dreg:$0x0];
	s2 =	stileid.u32  }
0x47: {  	s1 =	rddreg [dreg:$0x1];
	p0 =	sne.s32 s2, $0x0  }
0x48: {  	s3 =	rddreg [dreg:$0x2];
	[bflag:$0x3] =	sbarrier.arrive $0xFFFF;
	s2 =	simm.s32 @!p0 $0x1C02  }
0x49: {  	[timem:s3], [sflag:s2] =	dma.local @!p0 [hbm:s0], s1  }
0x4a: {  	s0 =	simm.s32 @!p0 $0x2  }
0x4b: {  	_ =	swait.ge @!p0 [sflag:s0], s1  }
0x4c: {  	s1 =	ssub.s32 @!p0 $0x0, s1;
	[sflag:s0] =	ssyncset.done @!p0 $0x0  }
0x4d: {  	[sflag:s0] =	ssyncadd.s32 @!p0 s1  }
0x4e: {  	[bflag:$0x3] =	sbarrier.arrive $0xFFFF  }
0x4f: {  	_ =	shalt  }

// kernel: kernel.19.cloned.1.call-start
scs
__scs_entry_jumppad:
0x0: {  	(pc) =	sbr.rel $0x88, $3  }
0x1: {  	(tag) =	ssettag $0x0;
	lr =	simm.s32 $0x1  }
0x2: {  	[smem:$0x3F91] =	sst lr;
	_ =	strace $0xD0000000  }
0x3: {  	_ = 	snop  }
0x4: {  	_ = 	snop  }
0x5: {  	_ = 	snop  }
0x6: {  	_ = 	snop  }
0x7: {  	_ = 	snop  }
__scs_overlays_trampoline_lowered:
0x8: {  	[smem:$0x3FA0] =	sst s0  }
0x9: {  	[smem:$0x3FA1] =	sst s1  }
0xa: {  	[smem:$0x3FA2] =	sst s2  }
0xb: {  	[smem:$0x3FA3] =	sst s3  }
0xc: {  	[smem:$0x3FA4] =	sst s4  }
0xd: {  	[smem:$0x3FA5] =	sst s5  }
0xe: {  	[smem:$0x3FA6] =	sst s6  }
0xf: {  	[smem:$0x3FA7] =	sst s7  }
0x10: {  	[smem:$0x3FA8] =	sst s8  }
0x11: {  	[smem:$0x3FA9] =	sst s9;
	s0 =	simm.s32 @!p0 $0x0  }
0x12: {  	s1 =	sld [smem:$0x3F8F];
	s0 =	simm.s32 @p0 $0x1  }
0x13: {  	[smem:$0x3FAA] =	sst s0;
	s0 =	simm.s32 @!p1 $0x0  }
0x14: {  	s2 =	sld [smem:$0x3F8E];
	s0 =	simm.s32 @p1 $0x1  }
0x15: {  	[smem:$0x3FAB] =	sst s0;
	s0 =	simm.s32 @!p2 $0x0  }
0x16: {  	s3 =	sld [smem:$0x3FDB];
	s0 =	simm.s32 @p2 $0x1  }
0x17: {  	s4 =	simm.s32 $0x1BF5;
	[smem:$0x3FAD] =	sst s0  }
0x18: {  	s0 =	sld [smem:$0x3F90];
	_ =	swait.ge [sflag:s4], $0x0  }
0x19: {  	s7 =	sld [smem:$0x3F91]  }
0x1a: {  	s8 =	sadd.s32 $0xFFFFE003, lr  }
0x1b: {  	s9 =	sadd.s32 $0xFFFFFEF7, lr;
	s5 =	simm.s32 $0xFFFFFFFF;
	p2 =	slt.u32 s8, $0xFFFFF086  }
0x1c: {  	p1 =	slt.u32 s9, $0xF7A;
	s5 =	simm.s32 @!p2 $0x0  }
0x1d: {  	s5 =	simm.s32 @p1 $0x1;
	p0 =	seq.s32 s7, s2  }
0x1e: {  	s7 =	smul.u32 @!p0 $0xF7A, s2;
	p2 =	seq.s32 @!p0 s5, $0x0  }
0x1f: {  	s9 =	smul.u32 $0xF7A, s1;
	s8 =	simm.s32 @!p0 $0x1BF5;
	p2 =	por !p2, p0  }
0x20: {  	[sflag:s8] =	ssyncset.s32 @!p0 $0xFFFFF086;
	s6 =	sadd.s32 @!p0 s3, s7;
	s7 =	simm.s32 @!p0 $0x108  }
0x21: {  	s3 =	sadd.s32 s3, s9;
	s6 =	sadd.s32 @!p0 $0x88, s6;
	s7 =	simm.s32 @p2 $0x1082  }
0x22: {  	[simem:s7], [sflag:s8] =	dma.local @!p0 [hbm:s6], $0xF7A  }
0x23: {  	s9 =	sor.u32 $0xD0000000, s2;
	s6 =	simm.s32 $0x108;
	_ =	swait.ge @!p0 [sflag:s8], $0x0  }
0x24: {  	s3 =	sadd.s32 $0x88, s3;
	s6 =	simm.s32 @!p1 $0x1082;
	[sflag:s4] =	ssyncset.s32 $0xFFFFF086  }
0x25: {  	[simem:s6], [sflag:s4] =	dma.local [hbm:s3], $0xF7A  }
0x26: {  	[smem:$0x3F91] =	sst s1;
	(tag) =	ssettag s2;
	_ =	strace s9  }
0x27: {  	s1 =	sld [smem:$0x3FA1]  }
0x28: {  	s2 =	sld [smem:$0x3FA2]  }
0x29: {  	s4 =	sld [smem:$0x3FA4]  }
0x2a: {  	p0 =	seq.s32 s5, $0x0;
	s5 =	sld [smem:$0x3FA5]  }
0x2b: {  	s6 =	sld [smem:$0x3FA6]  }
0x2c: {  	s7 =	sld [smem:$0x3FA7]  }
0x2d: {  	s3 =	simm.s32 $0x108;
	s8 =	sld [smem:$0x3FA8]  }
0x2e: {  	s3 =	simm.s32 @!p0 $0x1082;
	s9 =	sld [smem:$0x3FA9]  }
0x2f: {  	lr =	sadd.s32 s0, s3;
	s0 =	sld [smem:$0x3FA0]  }
0x30: {  	s3 =	sld [smem:$0x3FA3]  }
0x31: {  	[smem:$0x3FAC] =	sst s10  }
0x32: {  	s10 =	sld [smem:$0x3FAA];
	_ =	sdelay $0x3  }
0x33: {  	p0 =	seq.s32 s10, $0x1;
	s10 =	sld [smem:$0x3FAC];
	_ =	sdelay $0x3  }
0x34: {  	[smem:$0x3FAC] =	sst s10  }
0x35: {  	s10 =	sld [smem:$0x3FAB];
	_ =	sdelay $0x3  }
0x36: {  	p1 =	seq.s32 s10, $0x1;
	s10 =	sld [smem:$0x3FAC];
	_ =	sdelay $0x3  }
0x37: {  	[smem:$0x3FAC] =	sst s10  }
0x38: {  	s10 =	sld [smem:$0x3FAD]  }
0x39: {  	_ = 	snop;
	(pc) =	sbr.ind lr, $3  }
0x3a: {  	_ = 	snop  }
0x3b: {  	_ = 	snop  }
0x3c: {  	p2 =	seq.s32 s10, $0x1;
	s10 =	sld [smem:$0x3FAC]  }
0x3d: {  	_ =	shalt  }
0x3e: {  	_ =	shalt  }
0x3f: {  	_ =	shalt  }
0x40: {  	_ =	shalt  }
0x41: {  	_ =	shalt  }
0x42: {  	_ =	shalt  }
0x43: {  	_ =	shalt  }
0x44: {  	_ =	shalt  }
0x45: {  	_ =	shalt  }
0x46: {  	_ =	shalt  }
0x47: {  	_ =	shalt  }
0x48: {  	_ =	shalt  }
0x49: {  	_ =	shalt  }
0x4a: {  	_ =	shalt  }
0x4b: {  	_ =	shalt  }
0x4c: {  	_ =	shalt  }
0x4d: {  	_ =	shalt  }
0x4e: {  	_ =	shalt  }
0x4f: {  	_ =	shalt  }
0x50: {  	_ =	shalt  }
0x51: {  	_ =	shalt  }
0x52: {  	_ =	shalt  }
0x53: {  	_ =	shalt  }
0x54: {  	_ =	shalt  }
0x55: {  	_ =	shalt  }
0x56: {  	_ =	shalt  }
0x57: {  	_ =	shalt  }
0x58: {  	_ =	shalt  }
0x59: {  	_ =	shalt  }
0x5a: {  	_ =	shalt  }
0x5b: {  	_ =	shalt  }
0x5c: {  	_ =	shalt  }
0x5d: {  	_ =	shalt  }
0x5e: {  	_ =	shalt  }
0x5f: {  	_ =	shalt  }
0x60: {  	_ =	shalt  }
0x61: {  	_ =	shalt  }
0x62: {  	_ =	shalt  }
0x63: {  	_ =	shalt  }
0x64: {  	_ =	shalt  }
0x65: {  	_ =	shalt  }
0x66: {  	_ =	shalt  }
0x67: {  	_ =	shalt  }
0x68: {  	_ =	shalt  }
0x69: {  	_ =	shalt  }
0x6a: {  	_ =	shalt  }
0x6b: {  	_ =	shalt  }
0x6c: {  	_ =	shalt  }
0x6d: {  	_ =	shalt  }
0x6e: {  	_ =	shalt  }
0x6f: {  	_ =	shalt  }
0x70: {  	_ =	shalt  }
0x71: {  	_ =	shalt  }
0x72: {  	_ =	shalt  }
0x73: {  	_ =	shalt  }
0x74: {  	_ =	shalt  }
0x75: {  	_ =	shalt  }
0x76: {  	_ =	shalt  }
0x77: {  	_ =	shalt  }
0x78: {  	_ =	shalt  }
0x79: {  	_ =	shalt  }
0x7a: {  	_ =	shalt  }
0x7b: {  	_ =	shalt  }
0x7c: {  	_ =	shalt  }
0x7d: {  	_ =	shalt  }
0x7e: {  	_ =	shalt  }
0x7f: {  	_ =	shalt  }
0x80: {  	_ =	shalt  }
0x81: {  	_ =	shalt  }
0x82: {  	_ =	shalt  }
0x83: {  	_ =	shalt  }
0x84: {  	_ =	shalt  }
0x85: {  	_ =	shalt  }
0x86: {  	_ =	shalt  }
0x87: {  	_ =	shalt  }
.Lfunc_end0:
.L_simem_size_0:
called_computation.1_lowered:
.L_overlay_start_0:
0x88: {  	s2 =	sld [smem:$0x3FD9]  }
0x89: {  	s3 =	sld [smem:$0x3FFE];
	_ =	sdelay $0x1  }
0x8a: {  	s1 =	srdreg.scid  }
0x8b: {  	s0 =	sand.u32 $0x1, s1  }
0x8c: {  	s16 =	sshll.u32 s0, $0xA;
	s2 =	sadd.s32 s3, s2  }
0x8d: {  	s2 =	sadd.s32 s2, s16  }
0x8e: {  	[smem:$0x3FB8] =	sst s2  }
0x8f: {  	_ = 	snop  }
0x90: {  	(tm) =	ssettm $0x1  }
0x91: {  	s17 =	sld [smem:$0x3FFB];
	_ =	sdelay $0x3  }
0x92: {  	_ =	strace s17  }
0x93: {  	s2 =	sld [smem:$0x3FFC];
	_ =	sdelay $0x3  }
0x94: {  	_ =	strace s2  }
0x95: {  	s2 =	sld [smem:$0x3FFD];
	_ =	sdelay $0x3  }
0x96: {  	_ =	strace s2  }
0x97: {  	_ =	strace $0x8FFFFFFF  }
0x98: {  	s18 =	sld [smem:$0x3FDB];
	_ =	sdelay $0x1  }
0x99: {  	s19 =	simm.s32 $_scs_section_size  }
0x9a: {  	s4 =	simm.s32 $_size__tile_overlayer_lowered;
	s5 =	simm.s32 $_tile_overlayer_lowered  }
0x9b: {  	s22 =	simm.s32 $0x1BFF;
	s21 =	sshll.u32 s5, $0x1;
	s2 =	sadd.s32 s19, s18  }
0x9c: {  	s6 =	simm.s32 $0x0;
	s20 =	sshll.u32 s4, $0x1;
	s4 =	sadd.s32 s21, s2  }
0x9d: {  	[timem:s6], [sflag:s22] =	dma.local [hbm:s4], s20  }
0x9e: {  	_ =	swait.ge [sflag:s22], s20  }
0x9f: {  	s3 =	ssub.s32 $0x0, s20;
	[sflag:s22] =	ssyncset.done $0x0  }
0xa0: {  	[sflag:s22] =	ssyncadd.s32 s3;
	_ =	sdelay $0x1  }
0xa1: {  	s23 =	simm.s32 $0x1B8B  }
0xa2: {  	_ =	swait.ge [sflag:s23], $0x1  }
0xa3: {  	[sflag:s23] =	ssyncset.done $0x0  }
0xa4: {  	s25 =	simm.s32 $0x1B8E;
	s24 =	sld [smem:$0x3FFE];
	[sflag:s23] =	ssyncadd.s32 $0xFFFFFFFF  }
0xa5: {  	s26 =	simm.s32 $execute0_lowered;
	[smem:$0x3FD2] =	sst s25  }
0xa6: {  	s4 =	sshll.u32 s26, $0x1;
	_ =	strace $0x80000049;
	[dreg:$0x1] =	wrdreg $0xFFFFFFFF  }
0xa7: {  	s28 =	simm.s32 $_size_execute0_lowered;
	s2 =	sadd.s32 s2, s4;
	[dreg:$0x0] =	wrdreg $0x0  }
0xa8: {  	s4 =	sshll.u32 s28, $0x1;
	[dreg:$0x2] =	wrdreg s2  }
0xa9: {  	[dreg:$0x3] =	wrdreg s4  }
0xaa: {  	[dreg:$0x4] =	wrdreg $0xC0  }
0xab: {  	_ =	task [dreg:s6], $0x5FFFF  }
0xac: {  	[dreg:$0x1] =	wrdreg $0xFFFFFFFF  }
0xad: {  	[dreg:$0x0] =	wrdreg $0x60  }
0xae: {  	[dreg:$0x2] =	wrdreg s24  }
0xaf: {  	[dreg:$0x3] =	wrdreg $0x14C080  }
0xb0: {  	[dreg:$0x4] =	wrdreg $0x9  }
0xb1: {  	_ =	task.clear_ibuf [dreg:s6], $0x5FFFF;
	_ =	strace $0x90000049  }
0xb2: {  	s29 =	simm.s32 $0x9;
	_ =	strace $0x8000004B  }
0xb3: {  	_ =	swait.ge [sflag:s29], $0x1  }
0xb4: {  	[sflag:s29] =	ssyncadd.s32 $0xFFFFFFFF  }
0xb5: {  	_ =	strace $0x9000004B  }
0xb6: {  	_ =	sfence  }
0xb7: {  	s30 =	sld [smem:$0x0];
	_ =	sdelay $0x2  }
0xb8: {  	s31 =	sshll.u32 s1, $0xD;
	s1 =	sshrl.u32 s1, $0x2  }
0xb9: {  	s3 =	sand.u32 $0x4000, s31;
	s1 =	sadd.s32 s1, s30  }
0xba: {  	s0 =	sor.u32 s3, s0;
	s1 =	sshll.u32 s1, $0x11  }
0xbb: {  	s0 =	sor.u32 s1, s0  }
0xbc: {  	s0 =	sadd.s32 $0x8F2B, s0  }
0xbd: {  	[sflag:s0] =	ssyncadd.remote.s32 $0x1  }
0xbe: {  	_ =	sfence.sel $0xFFFF  }
0xbf: {  	[dreg:$0x0] =	wrdreg $0xFFFFFFFF;
	(pc) =	sbr.abs _section_cstart, $3  }
0xc0: {  	[dreg:$0x1] =	wrdreg $0xFFFFFFFF  }
0xc1: {  	_ =	task.clear_ibuf [dreg:s6], $0x2FFFF;
	_ =	strace $0x9FFFFFFF  }
0xc2: {  	(tm) =	ssettm $0x7FFFFFFF  }
0xc3: {  	_ =	shalt  }
tec
execute0_lowered:
.L_overlay_start_1:
0x0: {  	(tag) =	ssettag $0x1  }
0x1: {  	s19 =	rddreg [dreg:$0x0]  }
0x2: {  	s2 =	rddreg [dreg:$0x1]  }
0x3: {  	s0 =	rddreg [dreg:$0x2]  }
0x4: {  	s1 =	stileid.u32;
	s4 =	srdreg.scid;
	s3 =	simm.s32 $0x0  }
0x5: {  	s5 =	smul.u32 $0x2710, s1;
	s21 =	sand.u32 $0x1, s4;
	s26 =	sshll.u32 s1, $0x1  }
0x6: {  	[smem:$0x7FF] =	sst s3;
	s29 =	sshll.u32 s1, $0x6;
	s8 =	sor.u32 s21, s26  }
0x7: {  	_ =	strace $0x8000004A;
	s20 =	sshrl.u32 s5, $0x3;
	s9 =	smul.u32 $0x271, s8  }
0x8: {  	s6 =	sadd.s32 s5, s2;
	s5 =	sor.u32 $0x1C01, s29;
	s28 =	sadd.s32 s20, s19  }
0x9: {  	s7 =	sshrl.u32 s6, $0x3;
	s6 =	simm.s32 $0x1;
	s4 =	sadd.s32 $0x85E00, s28  }
0xa: {  	[spmem:s7], [sflag:s5] =	dma.local [hbm:s4], $0x4E2  }
0xb: {  	_ =	swait.ge [sflag:s6], $0x4E2  }
0xc: {  	s9 =	sadd.s32 s9, s19;
	[sflag:s6] =	ssyncset.done $0x0  }
0xd: {  	s10 =	smul.u32 $0x2710, s8;
	s8 =	sadd.s32 $0xBA00, s9;
	[sflag:s6] =	ssyncadd.s32 $0xFFFFFB1E  }
0xe: {  	[tilespmem:s3], [sflag:$0x1] =	stream.linear.gather [hbm4b:s8+s3], $0x1388, $0x38;
	[tilespmem:$0x17318] =	vst v63  }
0xf: {  	_ =	swait.ge [sflag:s6], $0x1388  }
0x10: {  	s30 =	sadd.s32 s10, s19;
	[sflag:s6] =	ssyncset.done $0x0  }
0x11: {  	s10 =	simm.s32 $0x1388;
	s9 =	sadd.s32 $0x37C00, s30;
	[sflag:s6] =	ssyncadd.s32 $0xFFFFEC78  }
0x12: {  	[tilespmem:s10], [sflag:$0x1] =	stream.linear.gather [hbm4b:s9+s3], $0x13880, $0x38;
	[tilespmem:$0x17318] =	vst v63  }
0x13: {  	_ =	swait.ge [sflag:s6], $0x13880  }
0x14: {  	[sflag:s6] =	ssyncset.done $0x0  }
0x15: {  	[sflag:s6] =	ssyncadd.s32 $0xFFFEC780  }
0x16: {  	s11 =	simm.s32 $0x3E8;
	[bflag:$0x0] =	sbarrier.arrive $0xFFFF  }
0x17: {  	[spmem:s2] =	stream.indirect.scatter.add.f32 [tilespmem:s10], [sflag:$0x1], $0x10, s3, s11, $0xb8;
	[tilespmem:$0x17318] =	vst v63  }
0x18: {  	_ =	swait.ge [sflag:s6], $0x3E80  }
0x19: {  	[sflag:s6] =	ssyncset.done $0x0  }
0x1a: {  	s12 =	simm.s32 $0x5208;
	[sflag:s6] =	ssyncadd.s32 $0xFFFFC180  }
0x1b: {  	[spmem:s2] =	stream.indirect.scatter.add.f32 [tilespmem:s12], [sflag:$0x1], $0x10, s11, s11, $0xb8;
	[tilespmem:$0x17318] =	vst v63  }
0x1c: {  	_ =	swait.ge [sflag:s6], $0x3E80  }
0x1d: {  	[sflag:s6] =	ssyncset.done $0x0  }
0x1e: {  	s13 =	simm.s32 $0x7D0;
	s14 =	simm.s32 $0x9088;
	[sflag:s6] =	ssyncadd.s32 $0xFFFFC180  }
0x1f: {  	[spmem:s2] =	stream.indirect.scatter.add.f32 [tilespmem:s14], [sflag:$0x1], $0x10, s13, s11, $0xb8;
	[tilespmem:$0x17318] =	vst v63  }
0x20: {  	_ =	swait.ge [sflag:s6], $0x3E80  }
0x21: {  	[sflag:s6] =	ssyncset.done $0x0  }
0x22: {  	s15 =	simm.s32 $0xBB8;
	s16 =	simm.s32 $0xCF08;
	[sflag:s6] =	ssyncadd.s32 $0xFFFFC180  }
0x23: {  	[spmem:s2] =	stream.indirect.scatter.add.f32 [tilespmem:s16], [sflag:$0x1], $0x10, s15, s11, $0xb8;
	[tilespmem:$0x17318] =	vst v63  }
0x24: {  	s22 =	smul.u32 $0x4E20, s21;
	s21 =	ssub.s32 $0x2, s21;
	_ =	swait.ge [sflag:s6], $0x3E80  }
0x25: {  	s17 =	simm.s32 $0xFA0;
	s31 =	sshrl.u32 s21, $0x1;
	[sflag:s6] =	ssyncset.done $0x0  }
0x26: {  	s18 =	simm.s32 $0x10D88;
	s21 =	ssub.s32 s21, s31;
	[sflag:s6] =	ssyncadd.s32 $0xFFFFC180  }
0x27: {  	[spmem:s2] =	stream.indirect.scatter.add.f32 [tilespmem:s18], [sflag:$0x1], $0x10, s17, s11, $0xb8;
	[tilespmem:$0x17318] =	vst v63  }
0x28: {  	s21 =	smax.u32 s21, $0x1;
	_ =	swait.ge [sflag:s6], $0x3E80  }
0x29: {  	s19 =	sadd.s32 s22, s19;
	p0 =	sne.s32 s21, $0x1;
	[sflag:s6] =	ssyncset.done $0x0  }
.Ltmp0:
0x2a: {  	s19 =	sadd.s32 $0x8BC00, s19;
	[sflag:s6] =	ssyncadd.s32 $0xFFFFC180;
	(pc) =	sbr.rel @!p0 .LBB2_2-.Ltmp0, $4  }
0x2b: {  	s19 =	sadd.s32 s20, s19;
	[bflag:$0x0] =	sbarrier.arrive $0xFFFF  }
0x2c: {  	[hbm:s19], [sflag:s5] =	dma.local [spmem:s7], $0x4E2  }
0x2d: {  	_ =	swait.ge [sflag:s6], $0x4E2  }
0x2e: {  	s20 =	sadd.s32 $0xFFFFFFFF, s21;
	[sflag:s6] =	ssyncset.done $0x0  }
.LBB2_1:
0x2f: {  	p0 =	sne.s32 s20, $0x1;
	s20 =	sadd.s32 $0xFFFFFFFF, s20;
	[sflag:s6] =	ssyncadd.s32 $0xFFFFFB1E  }
0x30: {  	[spmem:s7], [sflag:s5] =	dma.local [hbm:s4], $0x4E2  }
0x31: {  	_ =	swait.ge [sflag:s6], $0x4E2  }
0x32: {  	[sflag:s6] =	ssyncset.done $0x0  }
0x33: {  	[sflag:s6] =	ssyncadd.s32 $0xFFFFFB1E  }
0x34: {  	[tilespmem:s3], [sflag:$0x1] =	stream.linear.gather [hbm4b:s8+s3], $0x1388, $0x38;
	[tilespmem:$0x17318] =	vst v63  }
0x35: {  	_ =	swait.ge [sflag:s6], $0x1388  }
0x36: {  	[sflag:s6] =	ssyncset.done $0x0  }
0x37: {  	[sflag:s6] =	ssyncadd.s32 $0xFFFFEC78  }
0x38: {  	[tilespmem:s10], [sflag:$0x1] =	stream.linear.gather [hbm4b:s9+s3], $0x13880, $0x38;
	[tilespmem:$0x17318] =	vst v63  }
0x39: {  	_ =	swait.ge [sflag:s6], $0x13880  }
0x3a: {  	[sflag:s6] =	ssyncset.done $0x0  }
0x3b: {  	[sflag:s6] =	ssyncadd.s32 $0xFFFEC780  }
0x3c: {  	[bflag:$0x0] =	sbarrier.arrive $0xFFFF  }
0x3d: {  	[spmem:s2] =	stream.indirect.scatter.add.f32 [tilespmem:s10], [sflag:$0x1], $0x10, s3, s11, $0xb8;
	[tilespmem:$0x17318] =	vst v63  }
0x3e: {  	_ =	swait.ge [sflag:s6], $0x3E80  }
0x3f: {  	[sflag:s6] =	ssyncset.done $0x0  }
0x40: {  	[sflag:s6] =	ssyncadd.s32 $0xFFFFC180  }
0x41: {  	[spmem:s2] =	stream.indirect.scatter.add.f32 [tilespmem:s12], [sflag:$0x1], $0x10, s11, s11, $0xb8;
	[tilespmem:$0x17318] =	vst v63  }
0x42: {  	_ =	swait.ge [sflag:s6], $0x3E80  }
0x43: {  	[sflag:s6] =	ssyncset.done $0x0  }
0x44: {  	[sflag:s6] =	ssyncadd.s32 $0xFFFFC180  }
0x45: {  	[spmem:s2] =	stream.indirect.scatter.add.f32 [tilespmem:s14], [sflag:$0x1], $0x10, s13, s11, $0xb8;
	[tilespmem:$0x17318] =	vst v63  }
0x46: {  	_ =	swait.ge [sflag:s6], $0x3E80  }
0x47: {  	[sflag:s6] =	ssyncset.done $0x0  }
0x48: {  	[sflag:s6] =	ssyncadd.s32 $0xFFFFC180  }
0x49: {  	[spmem:s2] =	stream.indirect.scatter.add.f32 [tilespmem:s16], [sflag:$0x1], $0x10, s15, s11, $0xb8;
	[tilespmem:$0x17318] =	vst v63  }
0x4a: {  	_ =	swait.ge [sflag:s6], $0x3E80  }
0x4b: {  	[sflag:s6] =	ssyncset.done $0x0  }
0x4c: {  	[sflag:s6] =	ssyncadd.s32 $0xFFFFC180  }
0x4d: {  	[spmem:s2] =	stream.indirect.scatter.add.f32 [tilespmem:s18], [sflag:$0x1], $0x10, s17, s11, $0xb8;
	[tilespmem:$0x17318] =	vst v63  }
0x4e: {  	_ =	swait.ge [sflag:s6], $0x3E80  }
0x4f: {  	[sflag:s6] =	ssyncset.done $0x0  }
.Ltmp1:
0x50: {  	[sflag:s6] =	ssyncadd.s32 $0xFFFFC180;
	(pc) =	sbr.rel @p0 .LBB2_1-.Ltmp1, $4  }
0x51: {  	[bflag:$0x0] =	sbarrier.arrive $0xFFFF  }
0x52: {  	[hbm:s19], [sflag:s5] =	dma.local [spmem:s7], $0x4E2  }
0x53: {  	_ =	swait.ge [sflag:s6], $0x4E2  }
0x54: {  	[sflag:s6] =	ssyncset.done $0x0  }
.LBB2_2:
0x55: {  	[sflag:s6] =	ssyncadd.s32 $0xFFFFFB1E  }
0x56: {  	_ =	sfence.sel $0x180000  }
0x57: {  	[bflag:$0x0] =	sbarrier.arrive $0xFFFF  }
0x58: {  	p0 =	sne.s32 s1, $0x0;
	_ =	strace $0x9000004A  }
0x59: {  	s0 =	sadd.s32 @!p0 $0x100000, s0;
	[bflag:$0x2] =	sbarrier.arrive $0xFFFF  }
0x5a: {  	[sflag:s0] =	ssyncadd.tile.s32 @!p0 $0x1;
	_ =	shalt  }
.Lfunc_end2:
_tile_overlayer_lowered:
.L_overlay_start_2:
0x5b: {  	(tag) =	ssettag $0x2  }
0x5c: {  	s0 =	rddreg [dreg:$0x0];
	s2 =	stileid.u32  }
0x5d: {  	s1 =	rddreg [dreg:$0x1];
	p0 =	sne.s32 s2, $0x0  }
0x5e: {  	s3 =	rddreg [dreg:$0x2];
	[bflag:$0x3] =	sbarrier.arrive $0xFFFF;
	s2 =	simm.s32 @!p0 $0x1C01  }
0x5f: {  	[timem:s3], [sflag:s2] =	dma.local @!p0 [hbm:s0], s1  }
0x60: {  	s0 =	simm.s32 @!p0 $0x1  }
0x61: {  	_ =	swait.ge @!p0 [sflag:s0], s1  }
0x62: {  	s1 =	ssub.s32 @!p0 $0x0, s1;
	[sflag:s0] =	ssyncset.done @!p0 $0x0  }
0x63: {  	[sflag:s0] =	ssyncadd.s32 @!p0 s1  }
0x64: {  	[bflag:$0x3] =	sbarrier.arrive $0xFFFF  }
0x65: {  	_ =	shalt  }

// kernel: kernel.22.cloned.1.call-start
scs
__scs_entry_jumppad:
0x0: {  	(pc) =	sbr.rel $0x88, $3  }
0x1: {  	(tag) =	ssettag $0x0;
	lr =	simm.s32 $0x1  }
0x2: {  	[smem:$0x3F91] =	sst lr;
	_ =	strace $0xD0000000  }
0x3: {  	_ = 	snop  }
0x4: {  	_ = 	snop  }
0x5: {  	_ = 	snop  }
0x6: {  	_ = 	snop  }
0x7: {  	_ = 	snop  }
__scs_overlays_trampoline_lowered:
0x8: {  	[smem:$0x3FA0] =	sst s0  }
0x9: {  	[smem:$0x3FA1] =	sst s1  }
0xa: {  	[smem:$0x3FA2] =	sst s2  }
0xb: {  	[smem:$0x3FA3] =	sst s3  }
0xc: {  	[smem:$0x3FA4] =	sst s4  }
0xd: {  	[smem:$0x3FA5] =	sst s5  }
0xe: {  	[smem:$0x3FA6] =	sst s6  }
0xf: {  	[smem:$0x3FA7] =	sst s7  }
0x10: {  	[smem:$0x3FA8] =	sst s8  }
0x11: {  	[smem:$0x3FA9] =	sst s9;
	s0 =	simm.s32 @!p0 $0x0  }
0x12: {  	s1 =	sld [smem:$0x3F8F];
	s0 =	simm.s32 @p0 $0x1  }
0x13: {  	[smem:$0x3FAA] =	sst s0;
	s0 =	simm.s32 @!p1 $0x0  }
0x14: {  	s2 =	sld [smem:$0x3F8E];
	s0 =	simm.s32 @p1 $0x1  }
0x15: {  	[smem:$0x3FAB] =	sst s0;
	s0 =	simm.s32 @!p2 $0x0  }
0x16: {  	s3 =	sld [smem:$0x3FDB];
	s0 =	simm.s32 @p2 $0x1  }
0x17: {  	s4 =	simm.s32 $0x1BF5;
	[smem:$0x3FAD] =	sst s0  }
0x18: {  	s0 =	sld [smem:$0x3F90];
	_ =	swait.ge [sflag:s4], $0x0  }
0x19: {  	s7 =	sld [smem:$0x3F91]  }
0x1a: {  	s8 =	sadd.s32 $0xFFFFE003, lr  }
0x1b: {  	s9 =	sadd.s32 $0xFFFFFEF7, lr;
	s5 =	simm.s32 $0xFFFFFFFF;
	p2 =	slt.u32 s8, $0xFFFFF086  }
0x1c: {  	p1 =	slt.u32 s9, $0xF7A;
	s5 =	simm.s32 @!p2 $0x0  }
0x1d: {  	s5 =	simm.s32 @p1 $0x1;
	p0 =	seq.s32 s7, s2  }
0x1e: {  	s7 =	smul.u32 @!p0 $0xF7A, s2;
	p2 =	seq.s32 @!p0 s5, $0x0  }
0x1f: {  	s9 =	smul.u32 $0xF7A, s1;
	s8 =	simm.s32 @!p0 $0x1BF5;
	p2 =	por !p2, p0  }
0x20: {  	[sflag:s8] =	ssyncset.s32 @!p0 $0xFFFFF086;
	s6 =	sadd.s32 @!p0 s3, s7;
	s7 =	simm.s32 @!p0 $0x108  }
0x21: {  	s3 =	sadd.s32 s3, s9;
	s6 =	sadd.s32 @!p0 $0x88, s6;
	s7 =	simm.s32 @p2 $0x1082  }
0x22: {  	[simem:s7], [sflag:s8] =	dma.local @!p0 [hbm:s6], $0xF7A  }
0x23: {  	s9 =	sor.u32 $0xD0000000, s2;
	s6 =	simm.s32 $0x108;
	_ =	swait.ge @!p0 [sflag:s8], $0x0  }
0x24: {  	s3 =	sadd.s32 $0x88, s3;
	s6 =	simm.s32 @!p1 $0x1082;
	[sflag:s4] =	ssyncset.s32 $0xFFFFF086  }
0x25: {  	[simem:s6], [sflag:s4] =	dma.local [hbm:s3], $0xF7A  }
0x26: {  	[smem:$0x3F91] =	sst s1;
	(tag) =	ssettag s2;
	_ =	strace s9  }
0x27: {  	s1 =	sld [smem:$0x3FA1]  }
0x28: {  	s2 =	sld [smem:$0x3FA2]  }
0x29: {  	s4 =	sld [smem:$0x3FA4]  }
0x2a: {  	p0 =	seq.s32 s5, $0x0;
	s5 =	sld [smem:$0x3FA5]  }
0x2b: {  	s6 =	sld [smem:$0x3FA6]  }
0x2c: {  	s7 =	sld [smem:$0x3FA7]  }
0x2d: {  	s3 =	simm.s32 $0x108;
	s8 =	sld [smem:$0x3FA8]  }
0x2e: {  	s3 =	simm.s32 @!p0 $0x1082;
	s9 =	sld [smem:$0x3FA9]  }
0x2f: {  	lr =	sadd.s32 s0, s3;
	s0 =	sld [smem:$0x3FA0]  }
0x30: {  	s3 =	sld [smem:$0x3FA3]  }
0x31: {  	[smem:$0x3FAC] =	sst s10  }
0x32: {  	s10 =	sld [smem:$0x3FAA];
	_ =	sdelay $0x3  }
0x33: {  	p0 =	seq.s32 s10, $0x1;
	s10 =	sld [smem:$0x3FAC];
	_ =	sdelay $0x3  }
0x34: {  	[smem:$0x3FAC] =	sst s10  }
0x35: {  	s10 =	sld [smem:$0x3FAB];
	_ =	sdelay $0x3  }
0x36: {  	p1 =	seq.s32 s10, $0x1;
	s10 =	sld [smem:$0x3FAC];
	_ =	sdelay $0x3  }
0x37: {  	[smem:$0x3FAC] =	sst s10  }
0x38: {  	s10 =	sld [smem:$0x3FAD]  }
0x39: {  	_ = 	snop;
	(pc) =	sbr.ind lr, $3  }
0x3a: {  	_ = 	snop  }
0x3b: {  	_ = 	snop  }
0x3c: {  	p2 =	seq.s32 s10, $0x1;
	s10 =	sld [smem:$0x3FAC]  }
0x3d: {  	_ =	shalt  }
0x3e: {  	_ =	shalt  }
0x3f: {  	_ =	shalt  }
0x40: {  	_ =	shalt  }
0x41: {  	_ =	shalt  }
0x42: {  	_ =	shalt  }
0x43: {  	_ =	shalt  }
0x44: {  	_ =	shalt  }
0x45: {  	_ =	shalt  }
0x46: {  	_ =	shalt  }
0x47: {  	_ =	shalt  }
0x48: {  	_ =	shalt  }
0x49: {  	_ =	shalt  }
0x4a: {  	_ =	shalt  }
0x4b: {  	_ =	shalt  }
0x4c: {  	_ =	shalt  }
0x4d: {  	_ =	shalt  }
0x4e: {  	_ =	shalt  }
0x4f: {  	_ =	shalt  }
0x50: {  	_ =	shalt  }
0x51: {  	_ =	shalt  }
0x52: {  	_ =	shalt  }
0x53: {  	_ =	shalt  }
0x54: {  	_ =	shalt  }
0x55: {  	_ =	shalt  }
0x56: {  	_ =	shalt  }
0x57: {  	_ =	shalt  }
0x58: {  	_ =	shalt  }
0x59: {  	_ =	shalt  }
0x5a: {  	_ =	shalt  }
0x5b: {  	_ =	shalt  }
0x5c: {  	_ =	shalt  }
0x5d: {  	_ =	shalt  }
0x5e: {  	_ =	shalt  }
0x5f: {  	_ =	shalt  }
0x60: {  	_ =	shalt  }
0x61: {  	_ =	shalt  }
0x62: {  	_ =	shalt  }
0x63: {  	_ =	shalt  }
0x64: {  	_ =	shalt  }
0x65: {  	_ =	shalt  }
0x66: {  	_ =	shalt  }
0x67: {  	_ =	shalt  }
0x68: {  	_ =	shalt  }
0x69: {  	_ =	shalt  }
0x6a: {  	_ =	shalt  }
0x6b: {  	_ =	shalt  }
0x6c: {  	_ =	shalt  }
0x6d: {  	_ =	shalt  }
0x6e: {  	_ =	shalt  }
0x6f: {  	_ =	shalt  }
0x70: {  	_ =	shalt  }
0x71: {  	_ =	shalt  }
0x72: {  	_ =	shalt  }
0x73: {  	_ =	shalt  }
0x74: {  	_ =	shalt  }
0x75: {  	_ =	shalt  }
0x76: {  	_ =	shalt  }
0x77: {  	_ =	shalt  }
0x78: {  	_ =	shalt  }
0x79: {  	_ =	shalt  }
0x7a: {  	_ =	shalt  }
0x7b: {  	_ =	shalt  }
0x7c: {  	_ =	shalt  }
0x7d: {  	_ =	shalt  }
0x7e: {  	_ =	shalt  }
0x7f: {  	_ =	shalt  }
0x80: {  	_ =	shalt  }
0x81: {  	_ =	shalt  }
0x82: {  	_ =	shalt  }
0x83: {  	_ =	shalt  }
0x84: {  	_ =	shalt  }
0x85: {  	_ =	shalt  }
0x86: {  	_ =	shalt  }
0x87: {  	_ =	shalt  }
.Lfunc_end0:
.L_simem_size_0:
called_computation.2_lowered:
.L_overlay_start_0:
0x88: {  	s2 =	sld [smem:$0x3FD9]  }
0x89: {  	s3 =	sld [smem:$0x3FFE];
	_ =	sdelay $0x1  }
0x8a: {  	s1 =	srdreg.scid  }
0x8b: {  	s0 =	sand.u32 $0x1, s1  }
0x8c: {  	s16 =	sshll.u32 s0, $0xA;
	s2 =	sadd.s32 s3, s2  }
0x8d: {  	s2 =	sadd.s32 s2, s16  }
0x8e: {  	[smem:$0x3FB8] =	sst s2  }
0x8f: {  	_ = 	snop  }
0x90: {  	(tm) =	ssettm $0x1  }
0x91: {  	s17 =	sld [smem:$0x3FFB];
	_ =	sdelay $0x3  }
0x92: {  	_ =	strace s17  }
0x93: {  	s2 =	sld [smem:$0x3FFC];
	_ =	sdelay $0x3  }
0x94: {  	_ =	strace s2  }
0x95: {  	s2 =	sld [smem:$0x3FFD];
	_ =	sdelay $0x3  }
0x96: {  	_ =	strace s2  }
0x97: {  	_ =	strace $0x8FFFFFFF  }
0x98: {  	s18 =	sld [smem:$0x3FDB];
	_ =	sdelay $0x1  }
0x99: {  	s19 =	simm.s32 $_scs_section_size  }
0x9a: {  	s4 =	simm.s32 $_size__tile_overlayer_lowered;
	s5 =	simm.s32 $_tile_overlayer_lowered  }
0x9b: {  	s22 =	simm.s32 $0x1BFF;
	s21 =	sshll.u32 s5, $0x1;
	s2 =	sadd.s32 s19, s18  }
0x9c: {  	s6 =	simm.s32 $0x0;
	s20 =	sshll.u32 s4, $0x1;
	s4 =	sadd.s32 s21, s2  }
0x9d: {  	[timem:s6], [sflag:s22] =	dma.local [hbm:s4], s20  }
0x9e: {  	_ =	swait.ge [sflag:s22], s20  }
0x9f: {  	s3 =	ssub.s32 $0x0, s20;
	[sflag:s22] =	ssyncset.done $0x0  }
0xa0: {  	[sflag:s22] =	ssyncadd.s32 s3;
	_ =	sdelay $0x1  }
0xa1: {  	s23 =	simm.s32 $0x1B8B  }
0xa2: {  	_ =	swait.ge [sflag:s23], $0x1  }
0xa3: {  	[sflag:s23] =	ssyncset.done $0x0  }
0xa4: {  	s25 =	simm.s32 $0x1B8E;
	s24 =	sld [smem:$0x3FFE];
	[sflag:s23] =	ssyncadd.s32 $0xFFFFFFFF  }
0xa5: {  	s26 =	simm.s32 $execute0_lowered;
	[smem:$0x3FD2] =	sst s25  }
0xa6: {  	s4 =	sshll.u32 s26, $0x1;
	_ =	strace $0x8000004C;
	[dreg:$0x1] =	wrdreg $0xFFFFFFFF  }
0xa7: {  	s28 =	simm.s32 $_size_execute0_lowered;
	s2 =	sadd.s32 s2, s4;
	[dreg:$0x0] =	wrdreg $0x0  }
0xa8: {  	s4 =	sshll.u32 s28, $0x1;
	[dreg:$0x2] =	wrdreg s2  }
0xa9: {  	[dreg:$0x3] =	wrdreg s4  }
0xaa: {  	[dreg:$0x4] =	wrdreg $0xC0  }
0xab: {  	_ =	task [dreg:s6], $0x5FFFF  }
0xac: {  	[dreg:$0x1] =	wrdreg $0xFFFFFFFF  }
0xad: {  	[dreg:$0x0] =	wrdreg $0x60  }
0xae: {  	[dreg:$0x2] =	wrdreg s24  }
0xaf: {  	[dreg:$0x3] =	wrdreg $0x9  }
0xb0: {  	_ =	task.clear_ibuf [dreg:s6], $0x4FFFF;
	_ =	strace $0x9000004C  }
0xb1: {  	s29 =	simm.s32 $0x9;
	_ =	strace $0x8000004E  }
0xb2: {  	_ =	swait.ge [sflag:s29], $0x1  }
0xb3: {  	[sflag:s29] =	ssyncadd.s32 $0xFFFFFFFF  }
0xb4: {  	_ =	strace $0x9000004E  }
0xb5: {  	_ =	sfence  }
0xb6: {  	s30 =	sld [smem:$0x0];
	_ =	sdelay $0x2  }
0xb7: {  	s31 =	sshll.u32 s1, $0xD;
	s1 =	sshrl.u32 s1, $0x2  }
0xb8: {  	s3 =	sand.u32 $0x4000, s31;
	s1 =	sadd.s32 s1, s30  }
0xb9: {  	s0 =	sor.u32 s3, s0;
	s1 =	sshll.u32 s1, $0x11  }
0xba: {  	s0 =	sor.u32 s1, s0  }
0xbb: {  	s0 =	sadd.s32 $0x8F2B, s0  }
0xbc: {  	[sflag:s0] =	ssyncadd.remote.s32 $0x1  }
0xbd: {  	_ =	sfence.sel $0xFFFF  }
0xbe: {  	[dreg:$0x0] =	wrdreg $0xFFFFFFFF;
	(pc) =	sbr.abs _section_cstart, $3  }
0xbf: {  	[dreg:$0x1] =	wrdreg $0xFFFFFFFF  }
0xc0: {  	_ =	task.clear_ibuf [dreg:s6], $0x2FFFF;
	_ =	strace $0x9FFFFFFF  }
0xc1: {  	(tm) =	ssettm $0x7FFFFFFF  }
tec
execute0_lowered:
.L_overlay_start_1:
0x0: {  	(tag) =	ssettag $0x1  }
0x1: {  	s1 =	srdreg.scid;
	s0 =	stileid.u32  }
0x2: {  	s14 =	sand.u32 $0x1, s1;
	s30 =	sshll.u32 s0, $0x1  }
0x3: {  	s15 =	sor.u32 s14, s30  }
0x4: {  	s16 =	rddreg [dreg:$0x0];
	s3 =	smul.u32 $0x271, s15  }
0x5: {  	s2 =	simm.s32 $0x0;
	s1 =	rddreg [dreg:$0x1]  }
0x6: {  	[smem:$0x7FF] =	sst s2;
	s3 =	sadd.s32 s3, s16  }
0x7: {  	_ =	strace $0x8000004D;
	s4 =	sadd.s32 $0x6A00, s3;
	s3 =	simm.s32 $0x2  }
0x8: {  	[tilespmem:s2], [sflag:$0x2] =	stream.linear.gather [hbm4b:s4+s2], $0x1388, $0x38;
	[tilespmem:$0x14C08] =	vst v63  }
0x9: {  	_ =	swait.ge [sflag:s3], $0x1388  }
0xa: {  	s6 =	simm.s32 $0x3E8;
	s7 =	simm.s32 $0x1388;
	[sflag:s3] =	ssyncset.done $0x0  }
0xb: {  	s8 =	simm.s32 $0x1;
	s5 =	sadd.s32 $0x8BC00, s16;
	[sflag:s3] =	ssyncadd.s32 $0xFFFFEC78  }
0xc: {  	[tilespmem:s7], [sflag:$0x1] =	stream.indirect.gather [hbm4b:s5+s6], $0x10, s2, s6, $0xb8;
	[tilespmem:$0x14C08] =	vst v63  }
0xd: {  	_ =	swait.ge [sflag:s8], $0x3E80  }
0xe: {  	[sflag:s8] =	ssyncset.done $0x0  }
0xf: {  	s9 =	simm.s32 $0x5208;
	[sflag:s8] =	ssyncadd.s32 $0xFFFFC180  }
0x10: {  	[tilespmem:s9], [sflag:$0x1] =	stream.indirect.gather [hbm4b:s5+s6], $0x10, s6, s6, $0xb8;
	[tilespmem:$0x14C08] =	vst v63  }
0x11: {  	_ =	swait.ge [sflag:s8], $0x3E80  }
0x12: {  	[sflag:s8] =	ssyncset.done $0x0  }
0x13: {  	s10 =	simm.s32 $0x7D0;
	s11 =	simm.s32 $0x9088;
	[sflag:s8] =	ssyncadd.s32 $0xFFFFC180  }
0x14: {  	[tilespmem:s11], [sflag:$0x1] =	stream.indirect.gather [hbm4b:s5+s6], $0x10, s10, s6, $0xb8;
	[tilespmem:$0x14C08] =	vst v63  }
0x15: {  	_ =	swait.ge [sflag:s8], $0x3E80  }
0x16: {  	s12 =	simm.s32 $0xBB8;
	s13 =	simm.s32 $0xCF08;
	[sflag:s8] =	ssyncset.done $0x0  }
0x17: {  	s18 =	ssub.s32 $0x2, s14;
	s14 =	simm.s32 $0xFA0;
	[sflag:s8] =	ssyncadd.s32 $0xFFFFC180  }
0x18: {  	[tilespmem:s13], [sflag:$0x1] =	stream.indirect.gather [hbm4b:s5+s6], $0x10, s12, s6, $0xb8;
	[tilespmem:$0x14C08] =	vst v63  }
0x19: {  	s17 =	smul.u32 $0x2710, s15;
	s19 =	sshrl.u32 s18, $0x1;
	_ =	swait.ge [sflag:s8], $0x3E80  }
0x1a: {  	s15 =	simm.s32 $0x10D88;
	s31 =	ssub.s32 s18, s19;
	[sflag:s8] =	ssyncset.done $0x0  }
0x1b: {  	s16 =	sadd.s32 s17, s16;
	s17 =	smax.u32 s31, $0x1;
	[sflag:s8] =	ssyncadd.s32 $0xFFFFC180  }
0x1c: {  	[tilespmem:s15], [sflag:$0x1] =	stream.indirect.gather [hbm4b:s5+s6], $0x10, s14, s6, $0xb8;
	[tilespmem:$0x14C08] =	vst v63  }
0x1d: {  	p0 =	sne.s32 s17, $0x1;
	_ =	swait.ge [sflag:s8], $0x3E80  }
.Ltmp0:
0x1e: {  	[sflag:s8] =	ssyncset.done $0x0;
	(pc) =	sbr.rel @!p0 .LBB2_2-.Ltmp0, $4  }
0x1f: {  	s16 =	sadd.s32 $0x37C00, s16;
	[sflag:s8] =	ssyncadd.s32 $0xFFFFC180  }
0x20: {  	[hbm4b:s16+s2] =	stream.linear.scatter [tilespmem:s7], [sflag:$0x2], $0x13880, $0x38;
	[tilespmem:$0x14C08] =	vst v63  }
0x21: {  	_ =	swait.ge [sflag:s3], $0x13880  }
0x22: {  	s17 =	sadd.s32 $0xFFFFFFFF, s17;
	[sflag:s3] =	ssyncset.done $0x0  }
.LBB2_1:
0x23: {  	p0 =	sne.s32 s17, $0x1;
	s17 =	sadd.s32 $0xFFFFFFFF, s17;
	[sflag:s3] =	ssyncadd.s32 $0xFFFEC780  }
0x24: {  	[tilespmem:s2], [sflag:$0x2] =	stream.linear.gather [hbm4b:s4+s2], $0x1388, $0x38;
	[tilespmem:$0x14C08] =	vst v63  }
0x25: {  	_ =	swait.ge [sflag:s3], $0x1388  }
0x26: {  	[sflag:s3] =	ssyncset.done $0x0  }
0x27: {  	[sflag:s3] =	ssyncadd.s32 $0xFFFFEC78  }
0x28: {  	[tilespmem:s7], [sflag:$0x1] =	stream.indirect.gather [hbm4b:s5+s6], $0x10, s2, s6, $0xb8;
	[tilespmem:$0x14C08] =	vst v63  }
0x29: {  	_ =	swait.ge [sflag:s8], $0x3E80  }
0x2a: {  	[sflag:s8] =	ssyncset.done $0x0  }
0x2b: {  	[sflag:s8] =	ssyncadd.s32 $0xFFFFC180  }
0x2c: {  	[tilespmem:s9], [sflag:$0x1] =	stream.indirect.gather [hbm4b:s5+s6], $0x10, s6, s6, $0xb8;
	[tilespmem:$0x14C08] =	vst v63  }
0x2d: {  	_ =	swait.ge [sflag:s8], $0x3E80  }
0x2e: {  	[sflag:s8] =	ssyncset.done $0x0  }
0x2f: {  	[sflag:s8] =	ssyncadd.s32 $0xFFFFC180  }
0x30: {  	[tilespmem:s11], [sflag:$0x1] =	stream.indirect.gather [hbm4b:s5+s6], $0x10, s10, s6, $0xb8;
	[tilespmem:$0x14C08] =	vst v63  }
0x31: {  	_ =	swait.ge [sflag:s8], $0x3E80  }
0x32: {  	[sflag:s8] =	ssyncset.done $0x0  }
0x33: {  	[sflag:s8] =	ssyncadd.s32 $0xFFFFC180  }
0x34: {  	[tilespmem:s13], [sflag:$0x1] =	stream.indirect.gather [hbm4b:s5+s6], $0x10, s12, s6, $0xb8;
	[tilespmem:$0x14C08] =	vst v63  }
0x35: {  	_ =	swait.ge [sflag:s8], $0x3E80  }
0x36: {  	[sflag:s8] =	ssyncset.done $0x0  }
0x37: {  	[sflag:s8] =	ssyncadd.s32 $0xFFFFC180  }
0x38: {  	[tilespmem:s15], [sflag:$0x1] =	stream.indirect.gather [hbm4b:s5+s6], $0x10, s14, s6, $0xb8;
	[tilespmem:$0x14C08] =	vst v63  }
0x39: {  	_ =	swait.ge [sflag:s8], $0x3E80  }
.Ltmp1:
0x3a: {  	[sflag:s8] =	ssyncset.done $0x0;
	(pc) =	sbr.rel @p0 .LBB2_1-.Ltmp1, $4  }
0x3b: {  	[sflag:s8] =	ssyncadd.s32 $0xFFFFC180  }
0x3c: {  	[hbm4b:s16+s2] =	stream.linear.scatter [tilespmem:s7], [sflag:$0x2], $0x13880, $0x38;
	[tilespmem:$0x14C08] =	vst v63  }
0x3d: {  	_ =	swait.ge [sflag:s3], $0x13880  }
0x3e: {  	[sflag:s3] =	ssyncset.done $0x0  }
.LBB2_2:
0x3f: {  	[sflag:s3] =	ssyncadd.s32 $0xFFFEC780  }
0x40: {  	_ =	sfence.sel $0x180000  }
0x41: {  	[bflag:$0x0] =	sbarrier.arrive $0xFFFF  }
0x42: {  	p0 =	sne.s32 s0, $0x0;
	_ =	strace $0x9000004D  }
0x43: {  	s0 =	sadd.s32 @!p0 $0x100000, s1;
	[bflag:$0x2] =	sbarrier.arrive $0xFFFF  }
0x44: {  	[sflag:s0] =	ssyncadd.tile.s32 @!p0 $0x1;
	_ =	shalt  }
.Lfunc_end2:
_tile_overlayer_lowered:
.L_overlay_start_2:
0x45: {  	(tag) =	ssettag $0x2  }
0x46: {  	s0 =	rddreg [dreg:$0x0];
	s2 =	stileid.u32  }
0x47: {  	s1 =	rddreg [dreg:$0x1];
	p0 =	sne.s32 s2, $0x0  }
0x48: {  	s3 =	rddreg [dreg:$0x2];
	[bflag:$0x3] =	sbarrier.arrive $0xFFFF;
	s2 =	simm.s32 @!p0 $0x1C02  }
0x49: {  	[timem:s3], [sflag:s2] =	dma.local @!p0 [hbm:s0], s1  }
0x4a: {  	s0 =	simm.s32 @!p0 $0x2  }
0x4b: {  	_ =	swait.ge @!p0 [sflag:s0], s1  }
0x4c: {  	s1 =	ssub.s32 @!p0 $0x0, s1;
	[sflag:s0] =	ssyncset.done @!p0 $0x0  }
0x4d: {  	[sflag:s0] =	ssyncadd.s32 @!p0 s1  }
0x4e: {  	[bflag:$0x3] =	sbarrier.arrive $0xFFFF  }
0x4f: {  	_ =	shalt  }

// kernel: kernel.25.cloned.1.call-start
scs
__scs_entry_jumppad:
0x0: {  	(pc) =	sbr.rel $0x88, $3  }
0x1: {  	(tag) =	ssettag $0x0;
	lr =	simm.s32 $0x1  }
0x2: {  	[smem:$0x3F91] =	sst lr;
	_ =	strace $0xD0000000  }
0x3: {  	_ = 	snop  }
0x4: {  	_ = 	snop  }
0x5: {  	_ = 	snop  }
0x6: {  	_ = 	snop  }
0x7: {  	_ = 	snop  }
__scs_overlays_trampoline_lowered:
0x8: {  	[smem:$0x3FA0] =	sst s0  }
0x9: {  	[smem:$0x3FA1] =	sst s1  }
0xa: {  	[smem:$0x3FA2] =	sst s2  }
0xb: {  	[smem:$0x3FA3] =	sst s3  }
0xc: {  	[smem:$0x3FA4] =	sst s4  }
0xd: {  	[smem:$0x3FA5] =	sst s5  }
0xe: {  	[smem:$0x3FA6] =	sst s6  }
0xf: {  	[smem:$0x3FA7] =	sst s7  }
0x10: {  	[smem:$0x3FA8] =	sst s8  }
0x11: {  	[smem:$0x3FA9] =	sst s9;
	s0 =	simm.s32 @!p0 $0x0  }
0x12: {  	s1 =	sld [smem:$0x3F8F];
	s0 =	simm.s32 @p0 $0x1  }
0x13: {  	[smem:$0x3FAA] =	sst s0;
	s0 =	simm.s32 @!p1 $0x0  }
0x14: {  	s2 =	sld [smem:$0x3F8E];
	s0 =	simm.s32 @p1 $0x1  }
0x15: {  	[smem:$0x3FAB] =	sst s0;
	s0 =	simm.s32 @!p2 $0x0  }
0x16: {  	s3 =	sld [smem:$0x3FDB];
	s0 =	simm.s32 @p2 $0x1  }
0x17: {  	s4 =	simm.s32 $0x1BF5;
	[smem:$0x3FAD] =	sst s0  }
0x18: {  	s0 =	sld [smem:$0x3F90];
	_ =	swait.ge [sflag:s4], $0x0  }
0x19: {  	s7 =	sld [smem:$0x3F91]  }
0x1a: {  	s8 =	sadd.s32 $0xFFFFE003, lr  }
0x1b: {  	s9 =	sadd.s32 $0xFFFFFEF7, lr;
	s5 =	simm.s32 $0xFFFFFFFF;
	p2 =	slt.u32 s8, $0xFFFFF086  }
0x1c: {  	p1 =	slt.u32 s9, $0xF7A;
	s5 =	simm.s32 @!p2 $0x0  }
0x1d: {  	s5 =	simm.s32 @p1 $0x1;
	p0 =	seq.s32 s7, s2  }
0x1e: {  	s7 =	smul.u32 @!p0 $0xF7A, s2;
	p2 =	seq.s32 @!p0 s5, $0x0  }
0x1f: {  	s9 =	smul.u32 $0xF7A, s1;
	s8 =	simm.s32 @!p0 $0x1BF5;
	p2 =	por !p2, p0  }
0x20: {  	[sflag:s8] =	ssyncset.s32 @!p0 $0xFFFFF086;
	s6 =	sadd.s32 @!p0 s3, s7;
	s7 =	simm.s32 @!p0 $0x108  }
0x21: {  	s3 =	sadd.s32 s3, s9;
	s6 =	sadd.s32 @!p0 $0x88, s6;
	s7 =	simm.s32 @p2 $0x1082  }
0x22: {  	[simem:s7], [sflag:s8] =	dma.local @!p0 [hbm:s6], $0xF7A  }
0x23: {  	s9 =	sor.u32 $0xD0000000, s2;
	s6 =	simm.s32 $0x108;
	_ =	swait.ge @!p0 [sflag:s8], $0x0  }
0x24: {  	s3 =	sadd.s32 $0x88, s3;
	s6 =	simm.s32 @!p1 $0x1082;
	[sflag:s4] =	ssyncset.s32 $0xFFFFF086  }
0x25: {  	[simem:s6], [sflag:s4] =	dma.local [hbm:s3], $0xF7A  }
0x26: {  	[smem:$0x3F91] =	sst s1;
	(tag) =	ssettag s2;
	_ =	strace s9  }
0x27: {  	s1 =	sld [smem:$0x3FA1]  }
0x28: {  	s2 =	sld [smem:$0x3FA2]  }
0x29: {  	s4 =	sld [smem:$0x3FA4]  }
0x2a: {  	p0 =	seq.s32 s5, $0x0;
	s5 =	sld [smem:$0x3FA5]  }
0x2b: {  	s6 =	sld [smem:$0x3FA6]  }
0x2c: {  	s7 =	sld [smem:$0x3FA7]  }
0x2d: {  	s3 =	simm.s32 $0x108;
	s8 =	sld [smem:$0x3FA8]  }
0x2e: {  	s3 =	simm.s32 @!p0 $0x1082;
	s9 =	sld [smem:$0x3FA9]  }
0x2f: {  	lr =	sadd.s32 s0, s3;
	s0 =	sld [smem:$0x3FA0]  }
0x30: {  	s3 =	sld [smem:$0x3FA3]  }
0x31: {  	[smem:$0x3FAC] =	sst s10  }
0x32: {  	s10 =	sld [smem:$0x3FAA];
	_ =	sdelay $0x3  }
0x33: {  	p0 =	seq.s32 s10, $0x1;
	s10 =	sld [smem:$0x3FAC];
	_ =	sdelay $0x3  }
0x34: {  	[smem:$0x3FAC] =	sst s10  }
0x35: {  	s10 =	sld [smem:$0x3FAB];
	_ =	sdelay $0x3  }
0x36: {  	p1 =	seq.s32 s10, $0x1;
	s10 =	sld [smem:$0x3FAC];
	_ =	sdelay $0x3  }
0x37: {  	[smem:$0x3FAC] =	sst s10  }
0x38: {  	s10 =	sld [smem:$0x3FAD]  }
0x39: {  	_ = 	snop;
	(pc) =	sbr.ind lr, $3  }
0x3a: {  	_ = 	snop  }
0x3b: {  	_ = 	snop  }
0x3c: {  	p2 =	seq.s32 s10, $0x1;
	s10 =	sld [smem:$0x3FAC]  }
0x3d: {  	_ =	shalt  }
0x3e: {  	_ =	shalt  }
0x3f: {  	_ =	shalt  }
0x40: {  	_ =	shalt  }
0x41: {  	_ =	shalt  }
0x42: {  	_ =	shalt  }
0x43: {  	_ =	shalt  }
0x44: {  	_ =	shalt  }
0x45: {  	_ =	shalt  }
0x46: {  	_ =	shalt  }
0x47: {  	_ =	shalt  }
0x48: {  	_ =	shalt  }
0x49: {  	_ =	shalt  }
0x4a: {  	_ =	shalt  }
0x4b: {  	_ =	shalt  }
0x4c: {  	_ =	shalt  }
0x4d: {  	_ =	shalt  }
0x4e: {  	_ =	shalt  }
0x4f: {  	_ =	shalt  }
0x50: {  	_ =	shalt  }
0x51: {  	_ =	shalt  }
0x52: {  	_ =	shalt  }
0x53: {  	_ =	shalt  }
0x54: {  	_ =	shalt  }
0x55: {  	_ =	shalt  }
0x56: {  	_ =	shalt  }
0x57: {  	_ =	shalt  }
0x58: {  	_ =	shalt  }
0x59: {  	_ =	shalt  }
0x5a: {  	_ =	shalt  }
0x5b: {  	_ =	shalt  }
0x5c: {  	_ =	shalt  }
0x5d: {  	_ =	shalt  }
0x5e: {  	_ =	shalt  }
0x5f: {  	_ =	shalt  }
0x60: {  	_ =	shalt  }
0x61: {  	_ =	shalt  }
0x62: {  	_ =	shalt  }
0x63: {  	_ =	shalt  }
0x64: {  	_ =	shalt  }
0x65: {  	_ =	shalt  }
0x66: {  	_ =	shalt  }
0x67: {  	_ =	shalt  }
0x68: {  	_ =	shalt  }
0x69: {  	_ =	shalt  }
0x6a: {  	_ =	shalt  }
0x6b: {  	_ =	shalt  }
0x6c: {  	_ =	shalt  }
0x6d: {  	_ =	shalt  }
0x6e: {  	_ =	shalt  }
0x6f: {  	_ =	shalt  }
0x70: {  	_ =	shalt  }
0x71: {  	_ =	shalt  }
0x72: {  	_ =	shalt  }
0x73: {  	_ =	shalt  }
0x74: {  	_ =	shalt  }
0x75: {  	_ =	shalt  }
0x76: {  	_ =	shalt  }
0x77: {  	_ =	shalt  }
0x78: {  	_ =	shalt  }
0x79: {  	_ =	shalt  }
0x7a: {  	_ =	shalt  }
0x7b: {  	_ =	shalt  }
0x7c: {  	_ =	shalt  }
0x7d: {  	_ =	shalt  }
0x7e: {  	_ =	shalt  }
0x7f: {  	_ =	shalt  }
0x80: {  	_ =	shalt  }
0x81: {  	_ =	shalt  }
0x82: {  	_ =	shalt  }
0x83: {  	_ =	shalt  }
0x84: {  	_ =	shalt  }
0x85: {  	_ =	shalt  }
0x86: {  	_ =	shalt  }
0x87: {  	_ =	shalt  }
.Lfunc_end0:
.L_simem_size_0:
called_computation.3_lowered:
.L_overlay_start_0:
0x88: {  	s2 =	sld [smem:$0x3FD9]  }
0x89: {  	s3 =	sld [smem:$0x3FFE];
	_ =	sdelay $0x1  }
0x8a: {  	s1 =	srdreg.scid  }
0x8b: {  	s0 =	sand.u32 $0x1, s1  }
0x8c: {  	s16 =	sshll.u32 s0, $0xA;
	s2 =	sadd.s32 s3, s2  }
0x8d: {  	s2 =	sadd.s32 s2, s16  }
0x8e: {  	[smem:$0x3FB8] =	sst s2  }
0x8f: {  	_ = 	snop  }
0x90: {  	(tm) =	ssettm $0x1  }
0x91: {  	s17 =	sld [smem:$0x3FFB];
	_ =	sdelay $0x3  }
0x92: {  	_ =	strace s17  }
0x93: {  	s2 =	sld [smem:$0x3FFC];
	_ =	sdelay $0x3  }
0x94: {  	_ =	strace s2  }
0x95: {  	s2 =	sld [smem:$0x3FFD];
	_ =	sdelay $0x3  }
0x96: {  	_ =	strace s2  }
0x97: {  	_ =	strace $0x8FFFFFFF  }
0x98: {  	s18 =	sld [smem:$0x3FDB];
	_ =	sdelay $0x1  }
0x99: {  	s19 =	simm.s32 $_scs_section_size  }
0x9a: {  	s4 =	simm.s32 $_size__tile_overlayer_lowered;
	s5 =	simm.s32 $_tile_overlayer_lowered  }
0x9b: {  	s22 =	simm.s32 $0x1BFF;
	s21 =	sshll.u32 s5, $0x1;
	s2 =	sadd.s32 s19, s18  }
0x9c: {  	s6 =	simm.s32 $0x0;
	s20 =	sshll.u32 s4, $0x1;
	s4 =	sadd.s32 s21, s2  }
0x9d: {  	[timem:s6], [sflag:s22] =	dma.local [hbm:s4], s20  }
0x9e: {  	_ =	swait.ge [sflag:s22], s20  }
0x9f: {  	s3 =	ssub.s32 $0x0, s20;
	[sflag:s22] =	ssyncset.done $0x0  }
0xa0: {  	[sflag:s22] =	ssyncadd.s32 s3;
	_ =	sdelay $0x1  }
0xa1: {  	s23 =	simm.s32 $0x1B8B  }
0xa2: {  	_ =	swait.ge [sflag:s23], $0x1  }
0xa3: {  	[sflag:s23] =	ssyncset.done $0x0  }
0xa4: {  	s25 =	simm.s32 $0x1B8E;
	s24 =	sld [smem:$0x3FFE];
	[sflag:s23] =	ssyncadd.s32 $0xFFFFFFFF  }
0xa5: {  	s26 =	simm.s32 $execute0_lowered;
	[smem:$0x3FD2] =	sst s25  }
0xa6: {  	s4 =	sshll.u32 s26, $0x1;
	_ =	strace $0x8000004F;
	[dreg:$0x1] =	wrdreg $0xFFFFFFFF  }
0xa7: {  	s28 =	simm.s32 $_size_execute0_lowered;
	s2 =	sadd.s32 s2, s4;
	[dreg:$0x0] =	wrdreg $0x0  }
0xa8: {  	s4 =	sshll.u32 s28, $0x1;
	[dreg:$0x2] =	wrdreg s2  }
0xa9: {  	[dreg:$0x3] =	wrdreg s4  }
0xaa: {  	[dreg:$0x4] =	wrdreg $0xC0  }
0xab: {  	_ =	task [dreg:s6], $0x5FFFF  }
0xac: {  	[dreg:$0x1] =	wrdreg $0xFFFFFFFF  }
0xad: {  	[dreg:$0x0] =	wrdreg $0x60  }
0xae: {  	[dreg:$0x2] =	wrdreg s24  }
0xaf: {  	[dreg:$0x3] =	wrdreg $0x14C080  }
0xb0: {  	[dreg:$0x4] =	wrdreg $0x9  }
0xb1: {  	_ =	task.clear_ibuf [dreg:s6], $0x5FFFF;
	_ =	strace $0x9000004F  }
0xb2: {  	s29 =	simm.s32 $0x9;
	_ =	strace $0x80000051  }
0xb3: {  	_ =	swait.ge [sflag:s29], $0x1  }
0xb4: {  	[sflag:s29] =	ssyncadd.s32 $0xFFFFFFFF  }
0xb5: {  	_ =	strace $0x90000051  }
0xb6: {  	_ =	sfence  }
0xb7: {  	s30 =	sld [smem:$0x0];
	_ =	sdelay $0x2  }
0xb8: {  	s31 =	sshll.u32 s1, $0xD;
	s1 =	sshrl.u32 s1, $0x2  }
0xb9: {  	s3 =	sand.u32 $0x4000, s31;
	s1 =	sadd.s32 s1, s30  }
0xba: {  	s0 =	sor.u32 s3, s0;
	s1 =	sshll.u32 s1, $0x11  }
0xbb: {  	s0 =	sor.u32 s1, s0  }
0xbc: {  	s0 =	sadd.s32 $0x8F2B, s0  }
0xbd: {  	[sflag:s0] =	ssyncadd.remote.s32 $0x1  }
0xbe: {  	_ =	sfence.sel $0xFFFF  }
0xbf: {  	[dreg:$0x0] =	wrdreg $0xFFFFFFFF;
	(pc) =	sbr.abs _section_cstart, $3  }
0xc0: {  	[dreg:$0x1] =	wrdreg $0xFFFFFFFF  }
0xc1: {  	_ =	task.clear_ibuf [dreg:s6], $0x2FFFF;
	_ =	strace $0x9FFFFFFF  }
0xc2: {  	(tm) =	ssettm $0x7FFFFFFF  }
0xc3: {  	_ =	shalt  }
tec
execute0_lowered:
.L_overlay_start_1:
0x0: {  	(tag) =	ssettag $0x1  }
0x1: {  	s19 =	rddreg [dreg:$0x0]  }
0x2: {  	s2 =	rddreg [dreg:$0x1]  }
0x3: {  	s0 =	rddreg [dreg:$0x2]  }
0x4: {  	s1 =	stileid.u32;
	s4 =	srdreg.scid;
	s3 =	simm.s32 $0x0  }
0x5: {  	s5 =	smul.u32 $0x2710, s1;
	s21 =	sand.u32 $0x1, s4;
	s26 =	sshll.u32 s1, $0x1  }
0x6: {  	[smem:$0x7FF] =	sst s3;
	s29 =	sshll.u32 s1, $0x6;
	s8 =	sor.u32 s21, s26  }
0x7: {  	_ =	strace $0x80000050;
	s20 =	sshrl.u32 s5, $0x3;
	s9 =	smul.u32 $0x271, s8  }
0x8: {  	s6 =	sadd.s32 s5, s2;
	s5 =	sor.u32 $0x1C01, s29;
	s28 =	sadd.s32 s20, s19  }
0x9: {  	s7 =	sshrl.u32 s6, $0x3;
	s6 =	simm.s32 $0x1;
	s4 =	sadd.s32 $0x85E00, s28  }
0xa: {  	[spmem:s7], [sflag:s5] =	dma.local [hbm:s4], $0x4E2  }
0xb: {  	_ =	swait.ge [sflag:s6], $0x4E2  }
0xc: {  	s9 =	sadd.s32 s9, s19;
	[sflag:s6] =	ssyncset.done $0x0  }
0xd: {  	s10 =	smul.u32 $0x2710, s8;
	s8 =	sadd.s32 $0xBA00, s9;
	[sflag:s6] =	ssyncadd.s32 $0xFFFFFB1E  }
0xe: {  	[tilespmem:s3], [sflag:$0x1] =	stream.linear.gather [hbm4b:s8+s3], $0x1388, $0x38;
	[tilespmem:$0x17318] =	vst v63  }
0xf: {  	_ =	swait.ge [sflag:s6], $0x1388  }
0x10: {  	s30 =	sadd.s32 s10, s19;
	[sflag:s6] =	ssyncset.done $0x0  }
0x11: {  	s10 =	simm.s32 $0x1388;
	s9 =	sadd.s32 $0x37C00, s30;
	[sflag:s6] =	ssyncadd.s32 $0xFFFFEC78  }
0x12: {  	[tilespmem:s10], [sflag:$0x1] =	stream.linear.gather [hbm4b:s9+s3], $0x13880, $0x38;
	[tilespmem:$0x17318] =	vst v63  }
0x13: {  	_ =	swait.ge [sflag:s6], $0x13880  }
0x14: {  	[sflag:s6] =	ssyncset.done $0x0  }
0x15: {  	[sflag:s6] =	ssyncadd.s32 $0xFFFEC780  }
0x16: {  	s11 =	simm.s32 $0x3E8;
	[bflag:$0x0] =	sbarrier.arrive $0xFFFF  }
0x17: {  	[spmem:s2] =	stream.indirect.scatter.add.f32 [tilespmem:s10], [sflag:$0x1], $0x10, s3, s11, $0xb8;
	[tilespmem:$0x17318] =	vst v63  }
0x18: {  	_ =	swait.ge [sflag:s6], $0x3E80  }
0x19: {  	[sflag:s6] =	ssyncset.done $0x0  }
0x1a: {  	s12 =	simm.s32 $0x5208;
	[sflag:s6] =	ssyncadd.s32 $0xFFFFC180  }
0x1b: {  	[spmem:s2] =	stream.indirect.scatter.add.f32 [tilespmem:s12], [sflag:$0x1], $0x10, s11, s11, $0xb8;
	[tilespmem:$0x17318] =	vst v63  }
0x1c: {  	_ =	swait.ge [sflag:s6], $0x3E80  }
0x1d: {  	[sflag:s6] =	ssyncset.done $0x0  }
0x1e: {  	s13 =	simm.s32 $0x7D0;
	s14 =	simm.s32 $0x9088;
	[sflag:s6] =	ssyncadd.s32 $0xFFFFC180  }
0x1f: {  	[spmem:s2] =	stream.indirect.scatter.add.f32 [tilespmem:s14], [sflag:$0x1], $0x10, s13, s11, $0xb8;
	[tilespmem:$0x17318] =	vst v63  }
0x20: {  	_ =	swait.ge [sflag:s6], $0x3E80  }
0x21: {  	[sflag:s6] =	ssyncset.done $0x0  }
0x22: {  	s15 =	simm.s32 $0xBB8;
	s16 =	simm.s32 $0xCF08;
	[sflag:s6] =	ssyncadd.s32 $0xFFFFC180  }
0x23: {  	[spmem:s2] =	stream.indirect.scatter.add.f32 [tilespmem:s16], [sflag:$0x1], $0x10, s15, s11, $0xb8;
	[tilespmem:$0x17318] =	vst v63  }
0x24: {  	s22 =	smul.u32 $0x4E20, s21;
	s21 =	ssub.s32 $0x2, s21;
	_ =	swait.ge [sflag:s6], $0x3E80  }
0x25: {  	s17 =	simm.s32 $0xFA0;
	s31 =	sshrl.u32 s21, $0x1;
	[sflag:s6] =	ssyncset.done $0x0  }
0x26: {  	s18 =	simm.s32 $0x10D88;
	s21 =	ssub.s32 s21, s31;
	[sflag:s6] =	ssyncadd.s32 $0xFFFFC180  }
0x27: {  	[spmem:s2] =	stream.indirect.scatter.add.f32 [tilespmem:s18], [sflag:$0x1], $0x10, s17, s11, $0xb8;
	[tilespmem:$0x17318] =	vst v63  }
0x28: {  	s21 =	smax.u32 s21, $0x1;
	_ =	swait.ge [sflag:s6], $0x3E80  }
0x29: {  	s19 =	sadd.s32 s22, s19;
	p0 =	sne.s32 s21, $0x1;
	[sflag:s6] =	ssyncset.done $0x0  }
.Ltmp0:
0x2a: {  	s19 =	sadd.s32 $0x8BA00, s19;
	[sflag:s6] =	ssyncadd.s32 $0xFFFFC180;
	(pc) =	sbr.rel @!p0 .LBB2_2-.Ltmp0, $4  }
0x2b: {  	s19 =	sadd.s32 s20, s19;
	[bflag:$0x0] =	sbarrier.arrive $0xFFFF  }
0x2c: {  	[hbm:s19], [sflag:s5] =	dma.local [spmem:s7], $0x4E2  }
0x2d: {  	_ =	swait.ge [sflag:s6], $0x4E2  }
0x2e: {  	s20 =	sadd.s32 $0xFFFFFFFF, s21;
	[sflag:s6] =	ssyncset.done $0x0  }
.LBB2_1:
0x2f: {  	p0 =	sne.s32 s20, $0x1;
	s20 =	sadd.s32 $0xFFFFFFFF, s20;
	[sflag:s6] =	ssyncadd.s32 $0xFFFFFB1E  }
0x30: {  	[spmem:s7], [sflag:s5] =	dma.local [hbm:s4], $0x4E2  }
0x31: {  	_ =	swait.ge [sflag:s6], $0x4E2  }
0x32: {  	[sflag:s6] =	ssyncset.done $0x0  }
0x33: {  	[sflag:s6] =	ssyncadd.s32 $0xFFFFFB1E  }
0x34: {  	[tilespmem:s3], [sflag:$0x1] =	stream.linear.gather [hbm4b:s8+s3], $0x1388, $0x38;
	[tilespmem:$0x17318] =	vst v63  }
0x35: {  	_ =	swait.ge [sflag:s6], $0x1388  }
0x36: {  	[sflag:s6] =	ssyncset.done $0x0  }
0x37: {  	[sflag:s6] =	ssyncadd.s32 $0xFFFFEC78  }
0x38: {  	[tilespmem:s10], [sflag:$0x1] =	stream.linear.gather [hbm4b:s9+s3], $0x13880, $0x38;
	[tilespmem:$0x17318] =	vst v63  }
0x39: {  	_ =	swait.ge [sflag:s6], $0x13880  }
0x3a: {  	[sflag:s6] =	ssyncset.done $0x0  }
0x3b: {  	[sflag:s6] =	ssyncadd.s32 $0xFFFEC780  }
0x3c: {  	[bflag:$0x0] =	sbarrier.arrive $0xFFFF  }
0x3d: {  	[spmem:s2] =	stream.indirect.scatter.add.f32 [tilespmem:s10], [sflag:$0x1], $0x10, s3, s11, $0xb8;
	[tilespmem:$0x17318] =	vst v63  }
0x3e: {  	_ =	swait.ge [sflag:s6], $0x3E80  }
0x3f: {  	[sflag:s6] =	ssyncset.done $0x0  }
0x40: {  	[sflag:s6] =	ssyncadd.s32 $0xFFFFC180  }
0x41: {  	[spmem:s2] =	stream.indirect.scatter.add.f32 [tilespmem:s12], [sflag:$0x1], $0x10, s11, s11, $0xb8;
	[tilespmem:$0x17318] =	vst v63  }
0x42: {  	_ =	swait.ge [sflag:s6], $0x3E80  }
0x43: {  	[sflag:s6] =	ssyncset.done $0x0  }
0x44: {  	[sflag:s6] =	ssyncadd.s32 $0xFFFFC180  }
0x45: {  	[spmem:s2] =	stream.indirect.scatter.add.f32 [tilespmem:s14], [sflag:$0x1], $0x10, s13, s11, $0xb8;
	[tilespmem:$0x17318] =	vst v63  }
0x46: {  	_ =	swait.ge [sflag:s6], $0x3E80  }
0x47: {  	[sflag:s6] =	ssyncset.done $0x0  }
0x48: {  	[sflag:s6] =	ssyncadd.s32 $0xFFFFC180  }
0x49: {  	[spmem:s2] =	stream.indirect.scatter.add.f32 [tilespmem:s16], [sflag:$0x1], $0x10, s15, s11, $0xb8;
	[tilespmem:$0x17318] =	vst v63  }
0x4a: {  	_ =	swait.ge [sflag:s6], $0x3E80  }
0x4b: {  	[sflag:s6] =	ssyncset.done $0x0  }
0x4c: {  	[sflag:s6] =	ssyncadd.s32 $0xFFFFC180  }
0x4d: {  	[spmem:s2] =	stream.indirect.scatter.add.f32 [tilespmem:s18], [sflag:$0x1], $0x10, s17, s11, $0xb8;
	[tilespmem:$0x17318] =	vst v63  }
0x4e: {  	_ =	swait.ge [sflag:s6], $0x3E80  }
0x4f: {  	[sflag:s6] =	ssyncset.done $0x0  }
.Ltmp1:
0x50: {  	[sflag:s6] =	ssyncadd.s32 $0xFFFFC180;
	(pc) =	sbr.rel @p0 .LBB2_1-.Ltmp1, $4  }
0x51: {  	[bflag:$0x0] =	sbarrier.arrive $0xFFFF  }
0x52: {  	[hbm:s19], [sflag:s5] =	dma.local [spmem:s7], $0x4E2  }
0x53: {  	_ =	swait.ge [sflag:s6], $0x4E2  }
0x54: {  	[sflag:s6] =	ssyncset.done $0x0  }
.LBB2_2:
0x55: {  	[sflag:s6] =	ssyncadd.s32 $0xFFFFFB1E  }
0x56: {  	_ =	sfence.sel $0x180000  }
0x57: {  	[bflag:$0x0] =	sbarrier.arrive $0xFFFF  }
0x58: {  	p0 =	sne.s32 s1, $0x0;
	_ =	strace $0x90000050  }
0x59: {  	s0 =	sadd.s32 @!p0 $0x100000, s0;
	[bflag:$0x2] =	sbarrier.arrive $0xFFFF  }
0x5a: {  	[sflag:s0] =	ssyncadd.tile.s32 @!p0 $0x1;
	_ =	shalt  }
.Lfunc_end2:
_tile_overlayer_lowered:
.L_overlay_start_2:
0x5b: {  	(tag) =	ssettag $0x2  }
0x5c: {  	s0 =	rddreg [dreg:$0x0];
	s2 =	stileid.u32  }
0x5d: {  	s1 =	rddreg [dreg:$0x1];
	p0 =	sne.s32 s2, $0x0  }
0x5e: {  	s3 =	rddreg [dreg:$0x2];
	[bflag:$0x3] =	sbarrier.arrive $0xFFFF;
	s2 =	simm.s32 @!p0 $0x1C01  }
0x5f: {  	[timem:s3], [sflag:s2] =	dma.local @!p0 [hbm:s0], s1  }
0x60: {  	s0 =	simm.s32 @!p0 $0x1  }
0x61: {  	_ =	swait.ge @!p0 [sflag:s0], s1  }
0x62: {  	s1 =	ssub.s32 @!p0 $0x0, s1;
	[sflag:s0] =	ssyncset.done @!p0 $0x0  }
0x63: {  	[sflag:s0] =	ssyncadd.s32 @!p0 s1  }
0x64: {  	[bflag:$0x3] =	sbarrier.arrive $0xFFFF  }
0x65: {  	_ =	shalt  }

// kernel: kernel.28.cloned.1.call-start
scs
__scs_entry_jumppad:
0x0: {  	(pc) =	sbr.rel $0x88, $3  }
0x1: {  	(tag) =	ssettag $0x0;
	lr =	simm.s32 $0x1  }
0x2: {  	[smem:$0x3F91] =	sst lr;
	_ =	strace $0xD0000000  }
0x3: {  	_ = 	snop  }
0x4: {  	_ = 	snop  }
0x5: {  	_ = 	snop  }
0x6: {  	_ = 	snop  }
0x7: {  	_ = 	snop  }
__scs_overlays_trampoline_lowered:
0x8: {  	[smem:$0x3FA0] =	sst s0  }
0x9: {  	[smem:$0x3FA1] =	sst s1  }
0xa: {  	[smem:$0x3FA2] =	sst s2  }
0xb: {  	[smem:$0x3FA3] =	sst s3  }
0xc: {  	[smem:$0x3FA4] =	sst s4  }
0xd: {  	[smem:$0x3FA5] =	sst s5  }
0xe: {  	[smem:$0x3FA6] =	sst s6  }
0xf: {  	[smem:$0x3FA7] =	sst s7  }
0x10: {  	[smem:$0x3FA8] =	sst s8  }
0x11: {  	[smem:$0x3FA9] =	sst s9;
	s0 =	simm.s32 @!p0 $0x0  }
0x12: {  	s1 =	sld [smem:$0x3F8F];
	s0 =	simm.s32 @p0 $0x1  }
0x13: {  	[smem:$0x3FAA] =	sst s0;
	s0 =	simm.s32 @!p1 $0x0  }
0x14: {  	s2 =	sld [smem:$0x3F8E];
	s0 =	simm.s32 @p1 $0x1  }
0x15: {  	[smem:$0x3FAB] =	sst s0;
	s0 =	simm.s32 @!p2 $0x0  }
0x16: {  	s3 =	sld [smem:$0x3FDB];
	s0 =	simm.s32 @p2 $0x1  }
0x17: {  	s4 =	simm.s32 $0x1BF5;
	[smem:$0x3FAD] =	sst s0  }
0x18: {  	s0 =	sld [smem:$0x3F90];
	_ =	swait.ge [sflag:s4], $0x0  }
0x19: {  	s7 =	sld [smem:$0x3F91]  }
0x1a: {  	s8 =	sadd.s32 $0xFFFFE003, lr  }
0x1b: {  	s9 =	sadd.s32 $0xFFFFFEF7, lr;
	s5 =	simm.s32 $0xFFFFFFFF;
	p2 =	slt.u32 s8, $0xFFFFF086  }
0x1c: {  	p1 =	slt.u32 s9, $0xF7A;
	s5 =	simm.s32 @!p2 $0x0  }
0x1d: {  	s5 =	simm.s32 @p1 $0x1;
	p0 =	seq.s32 s7, s2  }
0x1e: {  	s7 =	smul.u32 @!p0 $0xF7A, s2;
	p2 =	seq.s32 @!p0 s5, $0x0  }
0x1f: {  	s9 =	smul.u32 $0xF7A, s1;
	s8 =	simm.s32 @!p0 $0x1BF5;
	p2 =	por !p2, p0  }
0x20: {  	[sflag:s8] =	ssyncset.s32 @!p0 $0xFFFFF086;
	s6 =	sadd.s32 @!p0 s3, s7;
	s7 =	simm.s32 @!p0 $0x108  }
0x21: {  	s3 =	sadd.s32 s3, s9;
	s6 =	sadd.s32 @!p0 $0x88, s6;
	s7 =	simm.s32 @p2 $0x1082  }
0x22: {  	[simem:s7], [sflag:s8] =	dma.local @!p0 [hbm:s6], $0xF7A  }
0x23: {  	s9 =	sor.u32 $0xD0000000, s2;
	s6 =	simm.s32 $0x108;
	_ =	swait.ge @!p0 [sflag:s8], $0x0  }
0x24: {  	s3 =	sadd.s32 $0x88, s3;
	s6 =	simm.s32 @!p1 $0x1082;
	[sflag:s4] =	ssyncset.s32 $0xFFFFF086  }
0x25: {  	[simem:s6], [sflag:s4] =	dma.local [hbm:s3], $0xF7A  }
0x26: {  	[smem:$0x3F91] =	sst s1;
	(tag) =	ssettag s2;
	_ =	strace s9  }
0x27: {  	s1 =	sld [smem:$0x3FA1]  }
0x28: {  	s2 =	sld [smem:$0x3FA2]  }
0x29: {  	s4 =	sld [smem:$0x3FA4]  }
0x2a: {  	p0 =	seq.s32 s5, $0x0;
	s5 =	sld [smem:$0x3FA5]  }
0x2b: {  	s6 =	sld [smem:$0x3FA6]  }
0x2c: {  	s7 =	sld [smem:$0x3FA7]  }
0x2d: {  	s3 =	simm.s32 $0x108;
	s8 =	sld [smem:$0x3FA8]  }
0x2e: {  	s3 =	simm.s32 @!p0 $0x1082;
	s9 =	sld [smem:$0x3FA9]  }
0x2f: {  	lr =	sadd.s32 s0, s3;
	s0 =	sld [smem:$0x3FA0]  }
0x30: {  	s3 =	sld [smem:$0x3FA3]  }
0x31: {  	[smem:$0x3FAC] =	sst s10  }
0x32: {  	s10 =	sld [smem:$0x3FAA];
	_ =	sdelay $0x3  }
0x33: {  	p0 =	seq.s32 s10, $0x1;
	s10 =	sld [smem:$0x3FAC];
	_ =	sdelay $0x3  }
0x34: {  	[smem:$0x3FAC] =	sst s10  }
0x35: {  	s10 =	sld [smem:$0x3FAB];
	_ =	sdelay $0x3  }
0x36: {  	p1 =	seq.s32 s10, $0x1;
	s10 =	sld [smem:$0x3FAC];
	_ =	sdelay $0x3  }
0x37: {  	[smem:$0x3FAC] =	sst s10  }
0x38: {  	s10 =	sld [smem:$0x3FAD]  }
0x39: {  	_ = 	snop;
	(pc) =	sbr.ind lr, $3  }
0x3a: {  	_ = 	snop  }
0x3b: {  	_ = 	snop  }
0x3c: {  	p2 =	seq.s32 s10, $0x1;
	s10 =	sld [smem:$0x3FAC]  }
0x3d: {  	_ =	shalt  }
0x3e: {  	_ =	shalt  }
0x3f: {  	_ =	shalt  }
0x40: {  	_ =	shalt  }
0x41: {  	_ =	shalt  }
0x42: {  	_ =	shalt  }
0x43: {  	_ =	shalt  }
0x44: {  	_ =	shalt  }
0x45: {  	_ =	shalt  }
0x46: {  	_ =	shalt  }
0x47: {  	_ =	shalt  }
0x48: {  	_ =	shalt  }
0x49: {  	_ =	shalt  }
0x4a: {  	_ =	shalt  }
0x4b: {  	_ =	shalt  }
0x4c: {  	_ =	shalt  }
0x4d: {  	_ =	shalt  }
0x4e: {  	_ =	shalt  }
0x4f: {  	_ =	shalt  }
0x50: {  	_ =	shalt  }
0x51: {  	_ =	shalt  }
0x52: {  	_ =	shalt  }
0x53: {  	_ =	shalt  }
0x54: {  	_ =	shalt  }
0x55: {  	_ =	shalt  }
0x56: {  	_ =	shalt  }
0x57: {  	_ =	shalt  }
0x58: {  	_ =	shalt  }
0x59: {  	_ =	shalt  }
0x5a: {  	_ =	shalt  }
0x5b: {  	_ =	shalt  }
0x5c: {  	_ =	shalt  }
0x5d: {  	_ =	shalt  }
0x5e: {  	_ =	shalt  }
0x5f: {  	_ =	shalt  }
0x60: {  	_ =	shalt  }
0x61: {  	_ =	shalt  }
0x62: {  	_ =	shalt  }
0x63: {  	_ =	shalt  }
0x64: {  	_ =	shalt  }
0x65: {  	_ =	shalt  }
0x66: {  	_ =	shalt  }
0x67: {  	_ =	shalt  }
0x68: {  	_ =	shalt  }
0x69: {  	_ =	shalt  }
0x6a: {  	_ =	shalt  }
0x6b: {  	_ =	shalt  }
0x6c: {  	_ =	shalt  }
0x6d: {  	_ =	shalt  }
0x6e: {  	_ =	shalt  }
0x6f: {  	_ =	shalt  }
0x70: {  	_ =	shalt  }
0x71: {  	_ =	shalt  }
0x72: {  	_ =	shalt  }
0x73: {  	_ =	shalt  }
0x74: {  	_ =	shalt  }
0x75: {  	_ =	shalt  }
0x76: {  	_ =	shalt  }
0x77: {  	_ =	shalt  }
0x78: {  	_ =	shalt  }
0x79: {  	_ =	shalt  }
0x7a: {  	_ =	shalt  }
0x7b: {  	_ =	shalt  }
0x7c: {  	_ =	shalt  }
0x7d: {  	_ =	shalt  }
0x7e: {  	_ =	shalt  }
0x7f: {  	_ =	shalt  }
0x80: {  	_ =	shalt  }
0x81: {  	_ =	shalt  }
0x82: {  	_ =	shalt  }
0x83: {  	_ =	shalt  }
0x84: {  	_ =	shalt  }
0x85: {  	_ =	shalt  }
0x86: {  	_ =	shalt  }
0x87: {  	_ =	shalt  }
.Lfunc_end0:
.L_simem_size_0:
called_computation.4_lowered:
.L_overlay_start_0:
0x88: {  	s2 =	sld [smem:$0x3FD9]  }
0x89: {  	s3 =	sld [smem:$0x3FFE];
	_ =	sdelay $0x1  }
0x8a: {  	s1 =	srdreg.scid  }
0x8b: {  	s0 =	sand.u32 $0x1, s1  }
0x8c: {  	s16 =	sshll.u32 s0, $0xA;
	s2 =	sadd.s32 s3, s2  }
0x8d: {  	s2 =	sadd.s32 s2, s16  }
0x8e: {  	[smem:$0x3FB8] =	sst s2  }
0x8f: {  	_ = 	snop  }
0x90: {  	(tm) =	ssettm $0x1  }
0x91: {  	s17 =	sld [smem:$0x3FFB];
	_ =	sdelay $0x3  }
0x92: {  	_ =	strace s17  }
0x93: {  	s2 =	sld [smem:$0x3FFC];
	_ =	sdelay $0x3  }
0x94: {  	_ =	strace s2  }
0x95: {  	s2 =	sld [smem:$0x3FFD];
	_ =	sdelay $0x3  }
0x96: {  	_ =	strace s2  }
0x97: {  	_ =	strace $0x8FFFFFFF  }
0x98: {  	s18 =	sld [smem:$0x3FDB];
	_ =	sdelay $0x1  }
0x99: {  	s19 =	simm.s32 $_scs_section_size  }
0x9a: {  	s4 =	simm.s32 $_size__tile_overlayer_lowered;
	s5 =	simm.s32 $_tile_overlayer_lowered  }
0x9b: {  	s22 =	simm.s32 $0x1BFF;
	s21 =	sshll.u32 s5, $0x1;
	s2 =	sadd.s32 s19, s18  }
0x9c: {  	s6 =	simm.s32 $0x0;
	s20 =	sshll.u32 s4, $0x1;
	s4 =	sadd.s32 s21, s2  }
0x9d: {  	[timem:s6], [sflag:s22] =	dma.local [hbm:s4], s20  }
0x9e: {  	_ =	swait.ge [sflag:s22], s20  }
0x9f: {  	s3 =	ssub.s32 $0x0, s20;
	[sflag:s22] =	ssyncset.done $0x0  }
0xa0: {  	[sflag:s22] =	ssyncadd.s32 s3;
	_ =	sdelay $0x1  }
0xa1: {  	s23 =	simm.s32 $0x1B8B  }
0xa2: {  	_ =	swait.ge [sflag:s23], $0x1  }
0xa3: {  	[sflag:s23] =	ssyncset.done $0x0  }
0xa4: {  	s25 =	simm.s32 $0x1B8E;
	s24 =	sld [smem:$0x3FFE];
	[sflag:s23] =	ssyncadd.s32 $0xFFFFFFFF  }
0xa5: {  	s26 =	simm.s32 $execute0_lowered;
	[smem:$0x3FD2] =	sst s25  }
0xa6: {  	s4 =	sshll.u32 s26, $0x1;
	_ =	strace $0x80000052;
	[dreg:$0x1] =	wrdreg $0xFFFFFFFF  }
0xa7: {  	s28 =	simm.s32 $_size_execute0_lowered;
	s2 =	sadd.s32 s2, s4;
	[dreg:$0x0] =	wrdreg $0x0  }
0xa8: {  	s4 =	sshll.u32 s28, $0x1;
	[dreg:$0x2] =	wrdreg s2  }
0xa9: {  	[dreg:$0x3] =	wrdreg s4  }
0xaa: {  	[dreg:$0x4] =	wrdreg $0xC0  }
0xab: {  	_ =	task [dreg:s6], $0x5FFFF  }
0xac: {  	[dreg:$0x1] =	wrdreg $0xFFFFFFFF  }
0xad: {  	[dreg:$0x0] =	wrdreg $0x60  }
0xae: {  	[dreg:$0x2] =	wrdreg s24  }
0xaf: {  	[dreg:$0x3] =	wrdreg $0x9  }
0xb0: {  	_ =	task.clear_ibuf [dreg:s6], $0x4FFFF;
	_ =	strace $0x90000052  }
0xb1: {  	s29 =	simm.s32 $0x9;
	_ =	strace $0x80000054  }
0xb2: {  	_ =	swait.ge [sflag:s29], $0x1  }
0xb3: {  	[sflag:s29] =	ssyncadd.s32 $0xFFFFFFFF  }
0xb4: {  	_ =	strace $0x90000054  }
0xb5: {  	_ =	sfence  }
0xb6: {  	s30 =	sld [smem:$0x0];
	_ =	sdelay $0x2  }
0xb7: {  	s31 =	sshll.u32 s1, $0xD;
	s1 =	sshrl.u32 s1, $0x2  }
0xb8: {  	s3 =	sand.u32 $0x4000, s31;
	s1 =	sadd.s32 s1, s30  }
0xb9: {  	s0 =	sor.u32 s3, s0;
	s1 =	sshll.u32 s1, $0x11  }
0xba: {  	s0 =	sor.u32 s1, s0  }
0xbb: {  	s0 =	sadd.s32 $0x8F2B, s0  }
0xbc: {  	[sflag:s0] =	ssyncadd.remote.s32 $0x1  }
0xbd: {  	_ =	sfence.sel $0xFFFF  }
0xbe: {  	[dreg:$0x0] =	wrdreg $0xFFFFFFFF;
	(pc) =	sbr.abs _section_cstart, $3  }
0xbf: {  	[dreg:$0x1] =	wrdreg $0xFFFFFFFF  }
0xc0: {  	_ =	task.clear_ibuf [dreg:s6], $0x2FFFF;
	_ =	strace $0x9FFFFFFF  }
0xc1: {  	(tm) =	ssettm $0x7FFFFFFF  }
tec
execute0_lowered:
.L_overlay_start_1:
0x0: {  	(tag) =	ssettag $0x1  }
0x1: {  	s1 =	srdreg.scid;
	s0 =	stileid.u32  }
0x2: {  	s14 =	sand.u32 $0x1, s1;
	s30 =	sshll.u32 s0, $0x1  }
0x3: {  	s15 =	sor.u32 s14, s30  }
0x4: {  	s16 =	rddreg [dreg:$0x0];
	s3 =	smul.u32 $0x271, s15  }
0x5: {  	s2 =	simm.s32 $0x0;
	s1 =	rddreg [dreg:$0x1]  }
0x6: {  	[smem:$0x7FF] =	sst s2;
	s3 =	sadd.s32 s3, s16  }
0x7: {  	_ =	strace $0x80000053;
	s4 =	sadd.s32 $0x6A00, s3;
	s3 =	simm.s32 $0x2  }
0x8: {  	[tilespmem:s2], [sflag:$0x2] =	stream.linear.gather [hbm4b:s4+s2], $0x1388, $0x38;
	[tilespmem:$0x14C08] =	vst v63  }
0x9: {  	_ =	swait.ge [sflag:s3], $0x1388  }
0xa: {  	s6 =	simm.s32 $0x3E8;
	s7 =	simm.s32 $0x1388;
	[sflag:s3] =	ssyncset.done $0x0  }
0xb: {  	s8 =	simm.s32 $0x1;
	s5 =	sadd.s32 $0x8BA00, s16;
	[sflag:s3] =	ssyncadd.s32 $0xFFFFEC78  }
0xc: {  	[tilespmem:s7], [sflag:$0x1] =	stream.indirect.gather [hbm4b:s5+s6], $0x10, s2, s6, $0xb8;
	[tilespmem:$0x14C08] =	vst v63  }
0xd: {  	_ =	swait.ge [sflag:s8], $0x3E80  }
0xe: {  	[sflag:s8] =	ssyncset.done $0x0  }
0xf: {  	s9 =	simm.s32 $0x5208;
	[sflag:s8] =	ssyncadd.s32 $0xFFFFC180  }
0x10: {  	[tilespmem:s9], [sflag:$0x1] =	stream.indirect.gather [hbm4b:s5+s6], $0x10, s6, s6, $0xb8;
	[tilespmem:$0x14C08] =	vst v63  }
0x11: {  	_ =	swait.ge [sflag:s8], $0x3E80  }
0x12: {  	[sflag:s8] =	ssyncset.done $0x0  }
0x13: {  	s10 =	simm.s32 $0x7D0;
	s11 =	simm.s32 $0x9088;
	[sflag:s8] =	ssyncadd.s32 $0xFFFFC180  }
0x14: {  	[tilespmem:s11], [sflag:$0x1] =	stream.indirect.gather [hbm4b:s5+s6], $0x10, s10, s6, $0xb8;
	[tilespmem:$0x14C08] =	vst v63  }
0x15: {  	_ =	swait.ge [sflag:s8], $0x3E80  }
0x16: {  	s12 =	simm.s32 $0xBB8;
	s13 =	simm.s32 $0xCF08;
	[sflag:s8] =	ssyncset.done $0x0  }
0x17: {  	s18 =	ssub.s32 $0x2, s14;
	s14 =	simm.s32 $0xFA0;
	[sflag:s8] =	ssyncadd.s32 $0xFFFFC180  }
0x18: {  	[tilespmem:s13], [sflag:$0x1] =	stream.indirect.gather [hbm4b:s5+s6], $0x10, s12, s6, $0xb8;
	[tilespmem:$0x14C08] =	vst v63  }
0x19: {  	s17 =	smul.u32 $0x2710, s15;
	s19 =	sshrl.u32 s18, $0x1;
	_ =	swait.ge [sflag:s8], $0x3E80  }
0x1a: {  	s15 =	simm.s32 $0x10D88;
	s31 =	ssub.s32 s18, s19;
	[sflag:s8] =	ssyncset.done $0x0  }
0x1b: {  	s16 =	sadd.s32 s17, s16;
	s17 =	smax.u32 s31, $0x1;
	[sflag:s8] =	ssyncadd.s32 $0xFFFFC180  }
0x1c: {  	[tilespmem:s15], [sflag:$0x1] =	stream.indirect.gather [hbm4b:s5+s6], $0x10, s14, s6, $0xb8;
	[tilespmem:$0x14C08] =	vst v63  }
0x1d: {  	p0 =	sne.s32 s17, $0x1;
	_ =	swait.ge [sflag:s8], $0x3E80  }
.Ltmp0:
0x1e: {  	[sflag:s8] =	ssyncset.done $0x0;
	(pc) =	sbr.rel @!p0 .LBB2_2-.Ltmp0, $4  }
0x1f: {  	s16 =	sadd.s32 $0x37C00, s16;
	[sflag:s8] =	ssyncadd.s32 $0xFFFFC180  }
0x20: {  	[hbm4b:s16+s2] =	stream.linear.scatter [tilespmem:s7], [sflag:$0x2], $0x13880, $0x38;
	[tilespmem:$0x14C08] =	vst v63  }
0x21: {  	_ =	swait.ge [sflag:s3], $0x13880  }
0x22: {  	s17 =	sadd.s32 $0xFFFFFFFF, s17;
	[sflag:s3] =	ssyncset.done $0x0  }
.LBB2_1:
0x23: {  	p0 =	sne.s32 s17, $0x1;
	s17 =	sadd.s32 $0xFFFFFFFF, s17;
	[sflag:s3] =	ssyncadd.s32 $0xFFFEC780  }
0x24: {  	[tilespmem:s2], [sflag:$0x2] =	stream.linear.gather [hbm4b:s4+s2], $0x1388, $0x38;
	[tilespmem:$0x14C08] =	vst v63  }
0x25: {  	_ =	swait.ge [sflag:s3], $0x1388  }
0x26: {  	[sflag:s3] =	ssyncset.done $0x0  }
0x27: {  	[sflag:s3] =	ssyncadd.s32 $0xFFFFEC78  }
0x28: {  	[tilespmem:s7], [sflag:$0x1] =	stream.indirect.gather [hbm4b:s5+s6], $0x10, s2, s6, $0xb8;
	[tilespmem:$0x14C08] =	vst v63  }
0x29: {  	_ =	swait.ge [sflag:s8], $0x3E80  }
0x2a: {  	[sflag:s8] =	ssyncset.done $0x0  }
0x2b: {  	[sflag:s8] =	ssyncadd.s32 $0xFFFFC180  }
0x2c: {  	[tilespmem:s9], [sflag:$0x1] =	stream.indirect.gather [hbm4b:s5+s6], $0x10, s6, s6, $0xb8;
	[tilespmem:$0x14C08] =	vst v63  }
0x2d: {  	_ =	swait.ge [sflag:s8], $0x3E80  }
0x2e: {  	[sflag:s8] =	ssyncset.done $0x0  }
0x2f: {  	[sflag:s8] =	ssyncadd.s32 $0xFFFFC180  }
0x30: {  	[tilespmem:s11], [sflag:$0x1] =	stream.indirect.gather [hbm4b:s5+s6], $0x10, s10, s6, $0xb8;
	[tilespmem:$0x14C08] =	vst v63  }
0x31: {  	_ =	swait.ge [sflag:s8], $0x3E80  }
0x32: {  	[sflag:s8] =	ssyncset.done $0x0  }
0x33: {  	[sflag:s8] =	ssyncadd.s32 $0xFFFFC180  }
0x34: {  	[tilespmem:s13], [sflag:$0x1] =	stream.indirect.gather [hbm4b:s5+s6], $0x10, s12, s6, $0xb8;
	[tilespmem:$0x14C08] =	vst v63  }
0x35: {  	_ =	swait.ge [sflag:s8], $0x3E80  }
0x36: {  	[sflag:s8] =	ssyncset.done $0x0  }
0x37: {  	[sflag:s8] =	ssyncadd.s32 $0xFFFFC180  }
0x38: {  	[tilespmem:s15], [sflag:$0x1] =	stream.indirect.gather [hbm4b:s5+s6], $0x10, s14, s6, $0xb8;
	[tilespmem:$0x14C08] =	vst v63  }
0x39: {  	_ =	swait.ge [sflag:s8], $0x3E80  }
.Ltmp1:
0x3a: {  	[sflag:s8] =	ssyncset.done $0x0;
	(pc) =	sbr.rel @p0 .LBB2_1-.Ltmp1, $4  }
0x3b: {  	[sflag:s8] =	ssyncadd.s32 $0xFFFFC180  }
0x3c: {  	[hbm4b:s16+s2] =	stream.linear.scatter [tilespmem:s7], [sflag:$0x2], $0x13880, $0x38;
	[tilespmem:$0x14C08] =	vst v63  }
0x3d: {  	_ =	swait.ge [sflag:s3], $0x13880  }
0x3e: {  	[sflag:s3] =	ssyncset.done $0x0  }
.LBB2_2:
0x3f: {  	[sflag:s3] =	ssyncadd.s32 $0xFFFEC780  }
0x40: {  	_ =	sfence.sel $0x180000  }
0x41: {  	[bflag:$0x0] =	sbarrier.arrive $0xFFFF  }
0x42: {  	p0 =	sne.s32 s0, $0x0;
	_ =	strace $0x90000053  }
0x43: {  	s0 =	sadd.s32 @!p0 $0x100000, s1;
	[bflag:$0x2] =	sbarrier.arrive $0xFFFF  }
0x44: {  	[sflag:s0] =	ssyncadd.tile.s32 @!p0 $0x1;
	_ =	shalt  }
.Lfunc_end2:
_tile_overlayer_lowered:
.L_overlay_start_2:
0x45: {  	(tag) =	ssettag $0x2  }
0x46: {  	s0 =	rddreg [dreg:$0x0];
	s2 =	stileid.u32  }
0x47: {  	s1 =	rddreg [dreg:$0x1];
	p0 =	sne.s32 s2, $0x0  }
0x48: {  	s3 =	rddreg [dreg:$0x2];
	[bflag:$0x3] =	sbarrier.arrive $0xFFFF;
	s2 =	simm.s32 @!p0 $0x1C02  }
0x49: {  	[timem:s3], [sflag:s2] =	dma.local @!p0 [hbm:s0], s1  }
0x4a: {  	s0 =	simm.s32 @!p0 $0x2  }
0x4b: {  	_ =	swait.ge @!p0 [sflag:s0], s1  }
0x4c: {  	s1 =	ssub.s32 @!p0 $0x0, s1;
	[sflag:s0] =	ssyncset.done @!p0 $0x0  }
0x4d: {  	[sflag:s0] =	ssyncadd.s32 @!p0 s1  }
0x4e: {  	[bflag:$0x3] =	sbarrier.arrive $0xFFFF  }
0x4f: {  	_ =	shalt  }

// kernel: kernel.31.cloned.1.call-start
scs
__scs_entry_jumppad:
0x0: {  	(pc) =	sbr.rel $0x88, $3  }
0x1: {  	(tag) =	ssettag $0x0;
	lr =	simm.s32 $0x1  }
0x2: {  	[smem:$0x3F91] =	sst lr;
	_ =	strace $0xD0000000  }
0x3: {  	_ = 	snop  }
0x4: {  	_ = 	snop  }
0x5: {  	_ = 	snop  }
0x6: {  	_ = 	snop  }
0x7: {  	_ = 	snop  }
__scs_overlays_trampoline_lowered:
0x8: {  	[smem:$0x3FA0] =	sst s0  }
0x9: {  	[smem:$0x3FA1] =	sst s1  }
0xa: {  	[smem:$0x3FA2] =	sst s2  }
0xb: {  	[smem:$0x3FA3] =	sst s3  }
0xc: {  	[smem:$0x3FA4] =	sst s4  }
0xd: {  	[smem:$0x3FA5] =	sst s5  }
0xe: {  	[smem:$0x3FA6] =	sst s6  }
0xf: {  	[smem:$0x3FA7] =	sst s7  }
0x10: {  	[smem:$0x3FA8] =	sst s8  }
0x11: {  	[smem:$0x3FA9] =	sst s9;
	s0 =	simm.s32 @!p0 $0x0  }
0x12: {  	s1 =	sld [smem:$0x3F8F];
	s0 =	simm.s32 @p0 $0x1  }
0x13: {  	[smem:$0x3FAA] =	sst s0;
	s0 =	simm.s32 @!p1 $0x0  }
0x14: {  	s2 =	sld [smem:$0x3F8E];
	s0 =	simm.s32 @p1 $0x1  }
0x15: {  	[smem:$0x3FAB] =	sst s0;
	s0 =	simm.s32 @!p2 $0x0  }
0x16: {  	s3 =	sld [smem:$0x3FDB];
	s0 =	simm.s32 @p2 $0x1  }
0x17: {  	s4 =	simm.s32 $0x1BF5;
	[smem:$0x3FAD] =	sst s0  }
0x18: {  	s0 =	sld [smem:$0x3F90];
	_ =	swait.ge [sflag:s4], $0x0  }
0x19: {  	s7 =	sld [smem:$0x3F91]  }
0x1a: {  	s8 =	sadd.s32 $0xFFFFE003, lr  }
0x1b: {  	s9 =	sadd.s32 $0xFFFFFEF7, lr;
	s5 =	simm.s32 $0xFFFFFFFF;
	p2 =	slt.u32 s8, $0xFFFFF086  }
0x1c: {  	p1 =	slt.u32 s9, $0xF7A;
	s5 =	simm.s32 @!p2 $0x0  }
0x1d: {  	s5 =	simm.s32 @p1 $0x1;
	p0 =	seq.s32 s7, s2  }
0x1e: {  	s7 =	smul.u32 @!p0 $0xF7A, s2;
	p2 =	seq.s32 @!p0 s5, $0x0  }
0x1f: {  	s9 =	smul.u32 $0xF7A, s1;
	s8 =	simm.s32 @!p0 $0x1BF5;
	p2 =	por !p2, p0  }
0x20: {  	[sflag:s8] =	ssyncset.s32 @!p0 $0xFFFFF086;
	s6 =	sadd.s32 @!p0 s3, s7;
	s7 =	simm.s32 @!p0 $0x108  }
0x21: {  	s3 =	sadd.s32 s3, s9;
	s6 =	sadd.s32 @!p0 $0x88, s6;
	s7 =	simm.s32 @p2 $0x1082  }
0x22: {  	[simem:s7], [sflag:s8] =	dma.local @!p0 [hbm:s6], $0xF7A  }
0x23: {  	s9 =	sor.u32 $0xD0000000, s2;
	s6 =	simm.s32 $0x108;
	_ =	swait.ge @!p0 [sflag:s8], $0x0  }
0x24: {  	s3 =	sadd.s32 $0x88, s3;
	s6 =	simm.s32 @!p1 $0x1082;
	[sflag:s4] =	ssyncset.s32 $0xFFFFF086  }
0x25: {  	[simem:s6], [sflag:s4] =	dma.local [hbm:s3], $0xF7A  }
0x26: {  	[smem:$0x3F91] =	sst s1;
	(tag) =	ssettag s2;
	_ =	strace s9  }
0x27: {  	s1 =	sld [smem:$0x3FA1]  }
0x28: {  	s2 =	sld [smem:$0x3FA2]  }
0x29: {  	s4 =	sld [smem:$0x3FA4]  }
0x2a: {  	p0 =	seq.s32 s5, $0x0;
	s5 =	sld [smem:$0x3FA5]  }
0x2b: {  	s6 =	sld [smem:$0x3FA6]  }
0x2c: {  	s7 =	sld [smem:$0x3FA7]  }
0x2d: {  	s3 =	simm.s32 $0x108;
	s8 =	sld [smem:$0x3FA8]  }
0x2e: {  	s3 =	simm.s32 @!p0 $0x1082;
	s9 =	sld [smem:$0x3FA9]  }
0x2f: {  	lr =	sadd.s32 s0, s3;
	s0 =	sld [smem:$0x3FA0]  }
0x30: {  	s3 =	sld [smem:$0x3FA3]  }
0x31: {  	[smem:$0x3FAC] =	sst s10  }
0x32: {  	s10 =	sld [smem:$0x3FAA];
	_ =	sdelay $0x3  }
0x33: {  	p0 =	seq.s32 s10, $0x1;
	s10 =	sld [smem:$0x3FAC];
	_ =	sdelay $0x3  }
0x34: {  	[smem:$0x3FAC] =	sst s10  }
0x35: {  	s10 =	sld [smem:$0x3FAB];
	_ =	sdelay $0x3  }
0x36: {  	p1 =	seq.s32 s10, $0x1;
	s10 =	sld [smem:$0x3FAC];
	_ =	sdelay $0x3  }
0x37: {  	[smem:$0x3FAC] =	sst s10  }
0x38: {  	s10 =	sld [smem:$0x3FAD]  }
0x39: {  	_ = 	snop;
	(pc) =	sbr.ind lr, $3  }
0x3a: {  	_ = 	snop  }
0x3b: {  	_ = 	snop  }
0x3c: {  	p2 =	seq.s32 s10, $0x1;
	s10 =	sld [smem:$0x3FAC]  }
0x3d: {  	_ =	shalt  }
0x3e: {  	_ =	shalt  }
0x3f: {  	_ =	shalt  }
0x40: {  	_ =	shalt  }
0x41: {  	_ =	shalt  }
0x42: {  	_ =	shalt  }
0x43: {  	_ =	shalt  }
0x44: {  	_ =	shalt  }
0x45: {  	_ =	shalt  }
0x46: {  	_ =	shalt  }
0x47: {  	_ =	shalt  }
0x48: {  	_ =	shalt  }
0x49: {  	_ =	shalt  }
0x4a: {  	_ =	shalt  }
0x4b: {  	_ =	shalt  }
0x4c: {  	_ =	shalt  }
0x4d: {  	_ =	shalt  }
0x4e: {  	_ =	shalt  }
0x4f: {  	_ =	shalt  }
0x50: {  	_ =	shalt  }
0x51: {  	_ =	shalt  }
0x52: {  	_ =	shalt  }
0x53: {  	_ =	shalt  }
0x54: {  	_ =	shalt  }
0x55: {  	_ =	shalt  }
0x56: {  	_ =	shalt  }
0x57: {  	_ =	shalt  }
0x58: {  	_ =	shalt  }
0x59: {  	_ =	shalt  }
0x5a: {  	_ =	shalt  }
0x5b: {  	_ =	shalt  }
0x5c: {  	_ =	shalt  }
0x5d: {  	_ =	shalt  }
0x5e: {  	_ =	shalt  }
0x5f: {  	_ =	shalt  }
0x60: {  	_ =	shalt  }
0x61: {  	_ =	shalt  }
0x62: {  	_ =	shalt  }
0x63: {  	_ =	shalt  }
0x64: {  	_ =	shalt  }
0x65: {  	_ =	shalt  }
0x66: {  	_ =	shalt  }
0x67: {  	_ =	shalt  }
0x68: {  	_ =	shalt  }
0x69: {  	_ =	shalt  }
0x6a: {  	_ =	shalt  }
0x6b: {  	_ =	shalt  }
0x6c: {  	_ =	shalt  }
0x6d: {  	_ =	shalt  }
0x6e: {  	_ =	shalt  }
0x6f: {  	_ =	shalt  }
0x70: {  	_ =	shalt  }
0x71: {  	_ =	shalt  }
0x72: {  	_ =	shalt  }
0x73: {  	_ =	shalt  }
0x74: {  	_ =	shalt  }
0x75: {  	_ =	shalt  }
0x76: {  	_ =	shalt  }
0x77: {  	_ =	shalt  }
0x78: {  	_ =	shalt  }
0x79: {  	_ =	shalt  }
0x7a: {  	_ =	shalt  }
0x7b: {  	_ =	shalt  }
0x7c: {  	_ =	shalt  }
0x7d: {  	_ =	shalt  }
0x7e: {  	_ =	shalt  }
0x7f: {  	_ =	shalt  }
0x80: {  	_ =	shalt  }
0x81: {  	_ =	shalt  }
0x82: {  	_ =	shalt  }
0x83: {  	_ =	shalt  }
0x84: {  	_ =	shalt  }
0x85: {  	_ =	shalt  }
0x86: {  	_ =	shalt  }
0x87: {  	_ =	shalt  }
.Lfunc_end0:
.L_simem_size_0:
called_computation.5_lowered:
.L_overlay_start_0:
0x88: {  	s2 =	sld [smem:$0x3FD9]  }
0x89: {  	s3 =	sld [smem:$0x3FFE];
	_ =	sdelay $0x1  }
0x8a: {  	s1 =	srdreg.scid  }
0x8b: {  	s0 =	sand.u32 $0x1, s1  }
0x8c: {  	s16 =	sshll.u32 s0, $0xA;
	s2 =	sadd.s32 s3, s2  }
0x8d: {  	s2 =	sadd.s32 s2, s16  }
0x8e: {  	[smem:$0x3FB8] =	sst s2  }
0x8f: {  	_ = 	snop  }
0x90: {  	(tm) =	ssettm $0x1  }
0x91: {  	s17 =	sld [smem:$0x3FFB];
	_ =	sdelay $0x3  }
0x92: {  	_ =	strace s17  }
0x93: {  	s2 =	sld [smem:$0x3FFC];
	_ =	sdelay $0x3  }
0x94: {  	_ =	strace s2  }
0x95: {  	s2 =	sld [smem:$0x3FFD];
	_ =	sdelay $0x3  }
0x96: {  	_ =	strace s2  }
0x97: {  	_ =	strace $0x8FFFFFFF  }
0x98: {  	s18 =	sld [smem:$0x3FDB];
	_ =	sdelay $0x1  }
0x99: {  	s19 =	simm.s32 $_scs_section_size  }
0x9a: {  	s4 =	simm.s32 $_size__tile_overlayer_lowered;
	s5 =	simm.s32 $_tile_overlayer_lowered  }
0x9b: {  	s22 =	simm.s32 $0x1BFF;
	s21 =	sshll.u32 s5, $0x1;
	s2 =	sadd.s32 s19, s18  }
0x9c: {  	s6 =	simm.s32 $0x0;
	s20 =	sshll.u32 s4, $0x1;
	s4 =	sadd.s32 s21, s2  }
0x9d: {  	[timem:s6], [sflag:s22] =	dma.local [hbm:s4], s20  }
0x9e: {  	_ =	swait.ge [sflag:s22], s20  }
0x9f: {  	s3 =	ssub.s32 $0x0, s20;
	[sflag:s22] =	ssyncset.done $0x0  }
0xa0: {  	[sflag:s22] =	ssyncadd.s32 s3;
	_ =	sdelay $0x1  }
0xa1: {  	s23 =	simm.s32 $0x1B8B  }
0xa2: {  	_ =	swait.ge [sflag:s23], $0x1  }
0xa3: {  	[sflag:s23] =	ssyncset.done $0x0  }
0xa4: {  	s25 =	simm.s32 $0x1B8E;
	s24 =	sld [smem:$0x3FFE];
	[sflag:s23] =	ssyncadd.s32 $0xFFFFFFFF  }
0xa5: {  	s26 =	simm.s32 $execute0_lowered;
	[smem:$0x3FD2] =	sst s25  }
0xa6: {  	s4 =	sshll.u32 s26, $0x1;
	_ =	strace $0x80000055;
	[dreg:$0x1] =	wrdreg $0xFFFFFFFF  }
0xa7: {  	s28 =	simm.s32 $_size_execute0_lowered;
	s2 =	sadd.s32 s2, s4;
	[dreg:$0x0] =	wrdreg $0x0  }
0xa8: {  	s4 =	sshll.u32 s28, $0x1;
	[dreg:$0x2] =	wrdreg s2  }
0xa9: {  	[dreg:$0x3] =	wrdreg s4  }
0xaa: {  	[dreg:$0x4] =	wrdreg $0xC0  }
0xab: {  	_ =	task [dreg:s6], $0x5FFFF  }
0xac: {  	[dreg:$0x1] =	wrdreg $0xFFFFFFFF  }
0xad: {  	[dreg:$0x0] =	wrdreg $0x60  }
0xae: {  	[dreg:$0x2] =	wrdreg s24  }
0xaf: {  	[dreg:$0x3] =	wrdreg $0x14C080  }
0xb0: {  	[dreg:$0x4] =	wrdreg $0x9  }
0xb1: {  	_ =	task.clear_ibuf [dreg:s6], $0x5FFFF;
	_ =	strace $0x90000055  }
0xb2: {  	s29 =	simm.s32 $0x9;
	_ =	strace $0x80000057  }
0xb3: {  	_ =	swait.ge [sflag:s29], $0x1  }
0xb4: {  	[sflag:s29] =	ssyncadd.s32 $0xFFFFFFFF  }
0xb5: {  	_ =	strace $0x90000057  }
0xb6: {  	_ =	sfence  }
0xb7: {  	s30 =	sld [smem:$0x0];
	_ =	sdelay $0x2  }
0xb8: {  	s31 =	sshll.u32 s1, $0xD;
	s1 =	sshrl.u32 s1, $0x2  }
0xb9: {  	s3 =	sand.u32 $0x4000, s31;
	s1 =	sadd.s32 s1, s30  }
0xba: {  	s0 =	sor.u32 s3, s0;
	s1 =	sshll.u32 s1, $0x11  }
0xbb: {  	s0 =	sor.u32 s1, s0  }
0xbc: {  	s0 =	sadd.s32 $0x8F2B, s0  }
0xbd: {  	[sflag:s0] =	ssyncadd.remote.s32 $0x1  }
0xbe: {  	_ =	sfence.sel $0xFFFF  }
0xbf: {  	[dreg:$0x0] =	wrdreg $0xFFFFFFFF;
	(pc) =	sbr.abs _section_cstart, $3  }
0xc0: {  	[dreg:$0x1] =	wrdreg $0xFFFFFFFF  }
0xc1: {  	_ =	task.clear_ibuf [dreg:s6], $0x2FFFF;
	_ =	strace $0x9FFFFFFF  }
0xc2: {  	(tm) =	ssettm $0x7FFFFFFF  }
0xc3: {  	_ =	shalt  }
tec
execute0_lowered:
.L_overlay_start_1:
0x0: {  	(tag) =	ssettag $0x1  }
0x1: {  	s19 =	rddreg [dreg:$0x0]  }
0x2: {  	s2 =	rddreg [dreg:$0x1]  }
0x3: {  	s0 =	rddreg [dreg:$0x2]  }
0x4: {  	s1 =	stileid.u32;
	s4 =	srdreg.scid;
	s3 =	simm.s32 $0x0  }
0x5: {  	s5 =	smul.u32 $0x2710, s1;
	s21 =	sand.u32 $0x1, s4;
	s26 =	sshll.u32 s1, $0x1  }
0x6: {  	[smem:$0x7FF] =	sst s3;
	s29 =	sshll.u32 s1, $0x6;
	s8 =	sor.u32 s21, s26  }
0x7: {  	_ =	strace $0x80000056;
	s20 =	sshrl.u32 s5, $0x3;
	s9 =	smul.u32 $0x271, s8  }
0x8: {  	s6 =	sadd.s32 s5, s2;
	s5 =	sor.u32 $0x1C01, s29;
	s28 =	sadd.s32 s20, s19  }
0x9: {  	s7 =	sshrl.u32 s6, $0x3;
	s6 =	simm.s32 $0x1;
	s4 =	sadd.s32 $0x85E00, s28  }
0xa: {  	[spmem:s7], [sflag:s5] =	dma.local [hbm:s4], $0x4E2  }
0xb: {  	_ =	swait.ge [sflag:s6], $0x4E2  }
0xc: {  	s9 =	sadd.s32 s9, s19;
	[sflag:s6] =	ssyncset.done $0x0  }
0xd: {  	s10 =	smul.u32 $0x2710, s8;
	s8 =	sadd.s32 $0xBA00, s9;
	[sflag:s6] =	ssyncadd.s32 $0xFFFFFB1E  }
0xe: {  	[tilespmem:s3], [sflag:$0x1] =	stream.linear.gather [hbm4b:s8+s3], $0x1388, $0x38;
	[tilespmem:$0x17318] =	vst v63  }
0xf: {  	_ =	swait.ge [sflag:s6], $0x1388  }
0x10: {  	s30 =	sadd.s32 s10, s19;
	[sflag:s6] =	ssyncset.done $0x0  }
0x11: {  	s10 =	simm.s32 $0x1388;
	s9 =	sadd.s32 $0x37C00, s30;
	[sflag:s6] =	ssyncadd.s32 $0xFFFFEC78  }
0x12: {  	[tilespmem:s10], [sflag:$0x1] =	stream.linear.gather [hbm4b:s9+s3], $0x13880, $0x38;
	[tilespmem:$0x17318] =	vst v63  }
0x13: {  	_ =	swait.ge [sflag:s6], $0x13880  }
0x14: {  	[sflag:s6] =	ssyncset.done $0x0  }
0x15: {  	[sflag:s6] =	ssyncadd.s32 $0xFFFEC780  }
0x16: {  	s11 =	simm.s32 $0x3E8;
	[bflag:$0x0] =	sbarrier.arrive $0xFFFF  }
0x17: {  	[spmem:s2] =	stream.indirect.scatter.add.f32 [tilespmem:s10], [sflag:$0x1], $0x10, s3, s11, $0xb8;
	[tilespmem:$0x17318] =	vst v63  }
0x18: {  	_ =	swait.ge [sflag:s6], $0x3E80  }
0x19: {  	[sflag:s6] =	ssyncset.done $0x0  }
0x1a: {  	s12 =	simm.s32 $0x5208;
	[sflag:s6] =	ssyncadd.s32 $0xFFFFC180  }
0x1b: {  	[spmem:s2] =	stream.indirect.scatter.add.f32 [tilespmem:s12], [sflag:$0x1], $0x10, s11, s11, $0xb8;
	[tilespmem:$0x17318] =	vst v63  }
0x1c: {  	_ =	swait.ge [sflag:s6], $0x3E80  }
0x1d: {  	[sflag:s6] =	ssyncset.done $0x0  }
0x1e: {  	s13 =	simm.s32 $0x7D0;
	s14 =	simm.s32 $0x9088;
	[sflag:s6] =	ssyncadd.s32 $0xFFFFC180  }
0x1f: {  	[spmem:s2] =	stream.indirect.scatter.add.f32 [tilespmem:s14], [sflag:$0x1], $0x10, s13, s11, $0xb8;
	[tilespmem:$0x17318] =	vst v63  }
0x20: {  	_ =	swait.ge [sflag:s6], $0x3E80  }
0x21: {  	[sflag:s6] =	ssyncset.done $0x0  }
0x22: {  	s15 =	simm.s32 $0xBB8;
	s16 =	simm.s32 $0xCF08;
	[sflag:s6] =	ssyncadd.s32 $0xFFFFC180  }
0x23: {  	[spmem:s2] =	stream.indirect.scatter.add.f32 [tilespmem:s16], [sflag:$0x1], $0x10, s15, s11, $0xb8;
	[tilespmem:$0x17318] =	vst v63  }
0x24: {  	s22 =	smul.u32 $0x4E20, s21;
	s21 =	ssub.s32 $0x2, s21;
	_ =	swait.ge [sflag:s6], $0x3E80  }
0x25: {  	s17 =	simm.s32 $0xFA0;
	s31 =	sshrl.u32 s21, $0x1;
	[sflag:s6] =	ssyncset.done $0x0  }
0x26: {  	s18 =	simm.s32 $0x10D88;
	s21 =	ssub.s32 s21, s31;
	[sflag:s6] =	ssyncadd.s32 $0xFFFFC180  }
0x27: {  	[spmem:s2] =	stream.indirect.scatter.add.f32 [tilespmem:s18], [sflag:$0x1], $0x10, s17, s11, $0xb8;
	[tilespmem:$0x17318] =	vst v63  }
0x28: {  	s21 =	smax.u32 s21, $0x1;
	_ =	swait.ge [sflag:s6], $0x3E80  }
0x29: {  	s19 =	sadd.s32 s22, s19;
	p0 =	sne.s32 s21, $0x1;
	[sflag:s6] =	ssyncset.done $0x0  }
.Ltmp0:
0x2a: {  	s19 =	sadd.s32 $0x8AE00, s19;
	[sflag:s6] =	ssyncadd.s32 $0xFFFFC180;
	(pc) =	sbr.rel @!p0 .LBB2_2-.Ltmp0, $4  }
0x2b: {  	s19 =	sadd.s32 s20, s19;
	[bflag:$0x0] =	sbarrier.arrive $0xFFFF  }
0x2c: {  	[hbm:s19], [sflag:s5] =	dma.local [spmem:s7], $0x4E2  }
0x2d: {  	_ =	swait.ge [sflag:s6], $0x4E2  }
0x2e: {  	s20 =	sadd.s32 $0xFFFFFFFF, s21;
	[sflag:s6] =	ssyncset.done $0x0  }
.LBB2_1:
0x2f: {  	p0 =	sne.s32 s20, $0x1;
	s20 =	sadd.s32 $0xFFFFFFFF, s20;
	[sflag:s6] =	ssyncadd.s32 $0xFFFFFB1E  }
0x30: {  	[spmem:s7], [sflag:s5] =	dma.local [hbm:s4], $0x4E2  }
0x31: {  	_ =	swait.ge [sflag:s6], $0x4E2  }
0x32: {  	[sflag:s6] =	ssyncset.done $0x0  }
0x33: {  	[sflag:s6] =	ssyncadd.s32 $0xFFFFFB1E  }
0x34: {  	[tilespmem:s3], [sflag:$0x1] =	stream.linear.gather [hbm4b:s8+s3], $0x1388, $0x38;
	[tilespmem:$0x17318] =	vst v63  }
0x35: {  	_ =	swait.ge [sflag:s6], $0x1388  }
0x36: {  	[sflag:s6] =	ssyncset.done $0x0  }
0x37: {  	[sflag:s6] =	ssyncadd.s32 $0xFFFFEC78  }
0x38: {  	[tilespmem:s10], [sflag:$0x1] =	stream.linear.gather [hbm4b:s9+s3], $0x13880, $0x38;
	[tilespmem:$0x17318] =	vst v63  }
0x39: {  	_ =	swait.ge [sflag:s6], $0x13880  }
0x3a: {  	[sflag:s6] =	ssyncset.done $0x0  }
0x3b: {  	[sflag:s6] =	ssyncadd.s32 $0xFFFEC780  }
0x3c: {  	[bflag:$0x0] =	sbarrier.arrive $0xFFFF  }
0x3d: {  	[spmem:s2] =	stream.indirect.scatter.add.f32 [tilespmem:s10], [sflag:$0x1], $0x10, s3, s11, $0xb8;
	[tilespmem:$0x17318] =	vst v63  }
0x3e: {  	_ =	swait.ge [sflag:s6], $0x3E80  }
0x3f: {  	[sflag:s6] =	ssyncset.done $0x0  }
0x40: {  	[sflag:s6] =	ssyncadd.s32 $0xFFFFC180  }
0x41: {  	[spmem:s2] =	stream.indirect.scatter.add.f32 [tilespmem:s12], [sflag:$0x1], $0x10, s11, s11, $0xb8;
	[tilespmem:$0x17318] =	vst v63  }
0x42: {  	_ =	swait.ge [sflag:s6], $0x3E80  }
0x43: {  	[sflag:s6] =	ssyncset.done $0x0  }
0x44: {  	[sflag:s6] =	ssyncadd.s32 $0xFFFFC180  }
0x45: {  	[spmem:s2] =	stream.indirect.scatter.add.f32 [tilespmem:s14], [sflag:$0x1], $0x10, s13, s11, $0xb8;
	[tilespmem:$0x17318] =	vst v63  }
0x46: {  	_ =	swait.ge [sflag:s6], $0x3E80  }
0x47: {  	[sflag:s6] =	ssyncset.done $0x0  }
0x48: {  	[sflag:s6] =	ssyncadd.s32 $0xFFFFC180  }
0x49: {  	[spmem:s2] =	stream.indirect.scatter.add.f32 [tilespmem:s16], [sflag:$0x1], $0x10, s15, s11, $0xb8;
	[tilespmem:$0x17318] =	vst v63  }
0x4a: {  	_ =	swait.ge [sflag:s6], $0x3E80  }
0x4b: {  	[sflag:s6] =	ssyncset.done $0x0  }
0x4c: {  	[sflag:s6] =	ssyncadd.s32 $0xFFFFC180  }
0x4d: {  	[spmem:s2] =	stream.indirect.scatter.add.f32 [tilespmem:s18], [sflag:$0x1], $0x10, s17, s11, $0xb8;
	[tilespmem:$0x17318] =	vst v63  }
0x4e: {  	_ =	swait.ge [sflag:s6], $0x3E80  }
0x4f: {  	[sflag:s6] =	ssyncset.done $0x0  }
.Ltmp1:
0x50: {  	[sflag:s6] =	ssyncadd.s32 $0xFFFFC180;
	(pc) =	sbr.rel @p0 .LBB2_1-.Ltmp1, $4  }
0x51: {  	[bflag:$0x0] =	sbarrier.arrive $0xFFFF  }
0x52: {  	[hbm:s19], [sflag:s5] =	dma.local [spmem:s7], $0x4E2  }
0x53: {  	_ =	swait.ge [sflag:s6], $0x4E2  }
0x54: {  	[sflag:s6] =	ssyncset.done $0x0  }
.LBB2_2:
0x55: {  	[sflag:s6] =	ssyncadd.s32 $0xFFFFFB1E  }
0x56: {  	_ =	sfence.sel $0x180000  }
0x57: {  	[bflag:$0x0] =	sbarrier.arrive $0xFFFF  }
0x58: {  	p0 =	sne.s32 s1, $0x0;
	_ =	strace $0x90000056  }
0x59: {  	s0 =	sadd.s32 @!p0 $0x100000, s0;
	[bflag:$0x2] =	sbarrier.arrive $0xFFFF  }
0x5a: {  	[sflag:s0] =	ssyncadd.tile.s32 @!p0 $0x1;
	_ =	shalt  }
.Lfunc_end2:
_tile_overlayer_lowered:
.L_overlay_start_2:
0x5b: {  	(tag) =	ssettag $0x2  }
0x5c: {  	s0 =	rddreg [dreg:$0x0];
	s2 =	stileid.u32  }
0x5d: {  	s1 =	rddreg [dreg:$0x1];
	p0 =	sne.s32 s2, $0x0  }
0x5e: {  	s3 =	rddreg [dreg:$0x2];
	[bflag:$0x3] =	sbarrier.arrive $0xFFFF;
	s2 =	simm.s32 @!p0 $0x1C01  }
0x5f: {  	[timem:s3], [sflag:s2] =	dma.local @!p0 [hbm:s0], s1  }
0x60: {  	s0 =	simm.s32 @!p0 $0x1  }
0x61: {  	_ =	swait.ge @!p0 [sflag:s0], s1  }
0x62: {  	s1 =	ssub.s32 @!p0 $0x0, s1;
	[sflag:s0] =	ssyncset.done @!p0 $0x0  }
0x63: {  	[sflag:s0] =	ssyncadd.s32 @!p0 s1  }
0x64: {  	[bflag:$0x3] =	sbarrier.arrive $0xFFFF  }
0x65: {  	_ =	shalt  }

</sc_bundles>
